<compile_context>
chip_gen: v7x
topology: tpu7x:2x2x1
jax: 0.10.2.dev20260603
libtpu: 0.0.44.dev20260713+nightly
codegen_flags: <defaults>
</compile_context>

<pallas_src>
import functools

import jax
import jax.numpy as jnp
from jax import lax
from jax.experimental import pallas as pl
from jax.experimental.pallas import tpu as pltpu
from jax.experimental.pallas import tpu_sc as plsc

_B = 32
_ROWS = 512
_COLS = 512
_TOT_ROWS = _B * _ROWS
_NC = 2
_NS = 16
_NW = _NC * _NS
_SB = 4
_CR = 32
_NCH_W = _SB * _ROWS // _NW // _CR
_WROWS = _SB * _ROWS // _NW

_TCR = 2048
_TC_OFF = _SB * _ROWS // _TCR
_TC_STEPS = (_B - _SB) * _ROWS // _TCR


def _tree_sum(vs):
    while len(vs) > 1:
        vs = [vs[i] + vs[i + 1] for i in range(0, len(vs) - 1, 2)] + (
            [vs[-1]] if len(vs) % 2 else [])
    return vs[0]


@functools.partial(
    pl.kernel,
    mesh=plsc.VectorSubcoreMesh(core_axis_name="c", subcore_axis_name="s"),
    out_type=jax.ShapeDtypeStruct((2 * _NW, 16), jnp.float32),
    scratch_types=[
        pltpu.VMEM((2, _CR, _COLS), jnp.float32),
        pltpu.VMEM((2, _CR, _COLS), jnp.float32),
        pltpu.VMEM((2, _CR, _COLS), jnp.float32),
        pltpu.VMEM((16,), jnp.float32),
        pltpu.VMEM((16,), jnp.float32),
        pltpu.SemaphoreType.DMA,
        pltpu.SemaphoreType.DMA,
        pltpu.SemaphoreType.DMA,
        pltpu.SemaphoreType.DMA,
        pltpu.SemaphoreType.DMA,
        pltpu.SemaphoreType.DMA,
    ],
)
def _sc_partials(a_hbm, b_hbm, m_hbm, out_hbm, a_v, b_v, m_v,
                 acc_v, cnt_v, sa0, sa1, sb0, sb1, sm0, sm1):
    cid = lax.axis_index("c")
    sid = lax.axis_index("s")
    wid = sid * _NC + cid
    base = wid * _WROWS
    sems = ((sa0, sb0, sm0), (sa1, sb1, sm1))

    def start(chunk, buf):
        r0 = base + chunk * _CR
        sa, sb, sm = sems[buf]
        pltpu.async_copy(a_hbm.at[pl.ds(r0, _CR), :], a_v.at[buf], sa)
        pltpu.async_copy(b_hbm.at[pl.ds(r0, _CR), :], b_v.at[buf], sb)
        pltpu.async_copy(m_hbm.at[pl.ds(r0, _CR), :], m_v.at[buf], sm)

    def wait(chunk, buf):
        r0 = base + chunk * _CR
        sa, sb, sm = sems[buf]
        pltpu.make_async_copy(a_hbm.at[pl.ds(r0, _CR), :],
                              a_v.at[buf], sa).wait()
        pltpu.make_async_copy(b_hbm.at[pl.ds(r0, _CR), :],
                              b_v.at[buf], sb).wait()
        pltpu.make_async_copy(m_hbm.at[pl.ds(r0, _CR), :],
                              m_v.at[buf], sm).wait()

    start(0, 0)
    start(1, 1)

    zero = jnp.zeros((16,), jnp.float32)
    acc, cnt = zero, zero
    for cur in range(_NCH_W):
        buf = cur % 2
        wait(cur, buf)
        av, bv, mv = a_v.at[buf], b_v.at[buf], m_v.at[buf]

        def col_body(k, c2, av=av, bv=bv, mv=mv):
            acc2, cnt2 = c2
            ts, ms = [], []
            for r in range(_CR):
                a = av[r, pl.ds(16 * k, 16)]
                b = bv[r, pl.ds(16 * k, 16)]
                m = mv[r, pl.ds(16 * k, 16)]
                ts.append(jnp.abs(a - b) * m)
                ms.append(m)
            return acc2 + _tree_sum(ts), cnt2 + _tree_sum(ms)

        acc, cnt = lax.fori_loop(0, _COLS // 16, col_body, (acc, cnt))
        if cur + 2 < _NCH_W:
            start(cur + 2, buf)

    acc_v[...] = acc
    cnt_v[...] = cnt
    pltpu.sync_copy(acc_v, out_hbm.at[wid])
    pltpu.sync_copy(cnt_v, out_hbm.at[_NW + wid])


def _tc_body(a_ref, b_ref, m_ref, out_ref):
    m = m_ref[...].astype(jnp.float32)
    d = jnp.abs(a_ref[...] - b_ref[...]) * m
    out_ref[0, 0] = d.reshape(_TCR // 8, 8, _COLS).sum(axis=0)
    out_ref[0, 1] = m.reshape(_TCR // 8, 8, _COLS).sum(axis=0)


_blk = pl.BlockSpec((_TCR, _COLS), lambda i: (_TC_OFF + i, 0))

_tc_partials = pl.pallas_call(
    _tc_body,
    grid=(_TC_STEPS,),
    in_specs=[_blk, _blk, _blk],
    out_specs=pl.BlockSpec((1, 2, 8, _COLS), lambda i: (i, 0, 0, 0)),
    out_shape=jax.ShapeDtypeStruct((_TC_STEPS, 2, 8, _COLS), jnp.float32),
    compiler_params=pltpu.CompilerParams(
        dimension_semantics=("parallel",)),
)


def kernel(input, target, mask):
    a2 = input.reshape(_TOT_ROWS, _COLS)
    b2 = target.reshape(_TOT_ROWS, _COLS)
    m2 = mask.reshape(_TOT_ROWS, _COLS)
    m_sc = mask[:_SB].astype(jnp.float32).reshape(_SB * _ROWS, _COLS)
    sc = _sc_partials(a2, b2, m_sc)
    tc = jnp.sum(_tc_partials(a2, b2, m2), axis=(0, 2, 3))
    s = jnp.sum(sc[:_NW]) + tc[0]
    c = jnp.sum(sc[_NW:]) + tc[1]
    return s / c

# --- scband reference (transcript-rebuilt; emitter-appended) ---
"""Pipeline reference for scband-masked-l1-loss-82282983457098 (READ-ONLY COPY).

The authoritative reference and input builder live on the scoring server;
editing this copy changes nothing except your own understanding.
"""

import jax, jax.numpy as jnp
import numpy as np


def setup_inputs(seed: int = 0) -> dict:
    key = jax.random.key(seed)
    k1, k2, k3 = jax.random.split(key, 3)
    shape = (32, 1, 512, 512)
    inp = jax.random.normal(k1, shape, dtype=jnp.float32)
    target = jax.random.normal(k2, shape, dtype=jnp.float32)
    mask = jax.random.randint(k3, shape, 0, 2).astype(jnp.bool_)
    return {"input": inp, "target": target, "mask": mask}


def reference(input, target, mask):
    # torch: F.l1_loss(input[mask], target[mask]) with reduction='mean'
    # Equivalent static-shape form: masked mean of |input - target|.
    m = mask.astype(input.dtype)
    abs_diff = jnp.abs(input - target) * m
    return jnp.sum(abs_diff) / jnp.sum(m)

if __name__ == "__main__":
    import jax
    _d = setup_inputs()
    print(jax.jit(kernel)(*tuple(_d.values())))

</pallas_src>

<mosaic_0001>
#map = affine_map<(d0, d1) -> (0, 0)>
module attributes {stable_mosaic.version = 14 : i64} {
  func.func @_sc_partials(%arg0: i32, %arg1: i32, %arg2: memref<16384x512xf32, #tpu.memory_space<hbm>>, %arg3: memref<16384x512xf32, #tpu.memory_space<hbm>>, %arg4: memref<2048x512xf32, #tpu.memory_space<hbm>>, %arg5: memref<64x16xf32, #tpu.memory_space<hbm>>, %arg6: memref<2x32x512xf32, #tpu.memory_space<vmem>>, %arg7: memref<2x32x512xf32, #tpu.memory_space<vmem>>, %arg8: memref<2x32x512xf32, #tpu.memory_space<vmem>>, %arg9: memref<16xf32, #tpu.memory_space<vmem>>, %arg10: memref<16xf32, #tpu.memory_space<vmem>>, %arg11: memref<!tpu.dma_semaphore, #tpu.memory_space<semaphore_mem>>, %arg12: memref<!tpu.dma_semaphore, #tpu.memory_space<semaphore_mem>>, %arg13: memref<!tpu.dma_semaphore, #tpu.memory_space<semaphore_mem>>, %arg14: memref<!tpu.dma_semaphore, #tpu.memory_space<semaphore_mem>>, %arg15: memref<!tpu.dma_semaphore, #tpu.memory_space<semaphore_mem>>, %arg16: memref<!tpu.dma_semaphore, #tpu.memory_space<semaphore_mem>>) attributes {dimension_semantics = [#tpu.dimension_semantics<core_parallel>, #tpu.dimension_semantics<subcore_parallel>], iteration_bounds = array<i64: 2, 16>, scalar_prefetch = 0 : i64, scratch_operands = 11 : i64, tpu.core_type = #tpu.core_type<sc_vector_subcore>, window_params = [{transform_indices = #map}, {transform_indices = #map}, {transform_indices = #map}, {transform_indices = #map}]} {
    %mul3A = arith.constant 2 : i32
    %mul3A_0 = arith.muli %arg1, %mul3A : i32
    %add3A = arith.addi %mul3A_0, %arg0 : i32
    %mul3A_1 = arith.constant 64 : i32
    %mul3A_2 = arith.muli %add3A, %mul3A_1 : i32
    %add3A_3 = arith.constant 0 : i32
    %add3A_4 = arith.addi %mul3A_2, %add3A_3 : i32
    %dma_start3A = arith.constant 0 : i32
    %dma_start3A_5 = arith.constant 0 : i32
    %dma_start3A_6 = arith.constant 0 : i32
    %dma_start3A_7 = tpu.memref_slice %arg6[%dma_start3A, %dma_start3A_5, %dma_start3A_6] : memref<2x32x512xf32, #tpu.memory_space<vmem>> -> memref<1x32x512xf32, #tpu.memory_space<vmem>>
    %dma_start3A_8 = tpu.memref_squeeze %dma_start3A_7 : memref<1x32x512xf32, #tpu.memory_space<vmem>> -> memref<32x512xf32, #tpu.memory_space<vmem>>
    %dma_start3A_9 = arith.constant 0 : i32
    %dma_start3A_10 = tpu.memref_slice %arg2[%add3A_4, %dma_start3A_9] : memref<16384x512xf32, #tpu.memory_space<hbm>> -> memref<32x512xf32, #tpu.memory_space<hbm>>
    %dma_start3A_11 = arith.constant 0 : i32
    %dma_start3A_12 = arith.constant 0 : i32
    %dma_start3A_13 = tpu.memref_slice %arg6[%dma_start3A, %dma_start3A_11, %dma_start3A_12] : memref<2x32x512xf32, #tpu.memory_space<vmem>> -> memref<1x32x512xf32, #tpu.memory_space<vmem>>
    %dma_start3A_14 = tpu.memref_squeeze %dma_start3A_13 : memref<1x32x512xf32, #tpu.memory_space<vmem>> -> memref<32x512xf32, #tpu.memory_space<vmem>>
    %dma_start3A_15 = arith.constant 0 : i32
    %dma_start3A_16 = tpu.memref_slice %arg2[%add3A_4, %dma_start3A_15] : memref<16384x512xf32, #tpu.memory_space<hbm>> -> memref<32x512xf32, #tpu.memory_space<hbm>>
    tpu.enqueue_dma source(%dma_start3A_16 : memref<32x512xf32, #tpu.memory_space<hbm>>) target(%dma_start3A_14 : memref<32x512xf32, #tpu.memory_space<vmem>>) target_semaphore(%arg11 : memref<!tpu.dma_semaphore, #tpu.memory_space<semaphore_mem>>)
    %dma_start3A_17 = arith.constant 0 : i32
    %dma_start3A_18 = arith.constant 0 : i32
    %dma_start3A_19 = arith.constant 0 : i32
    %dma_start3A_20 = tpu.memref_slice %arg7[%dma_start3A_17, %dma_start3A_18, %dma_start3A_19] : memref<2x32x512xf32, #tpu.memory_space<vmem>> -> memref<1x32x512xf32, #tpu.memory_space<vmem>>
    %dma_start3A_21 = tpu.memref_squeeze %dma_start3A_20 : memref<1x32x512xf32, #tpu.memory_space<vmem>> -> memref<32x512xf32, #tpu.memory_space<vmem>>
    %dma_start3A_22 = arith.constant 0 : i32
    %dma_start3A_23 = tpu.memref_slice %arg3[%add3A_4, %dma_start3A_22] : memref<16384x512xf32, #tpu.memory_space<hbm>> -> memref<32x512xf32, #tpu.memory_space<hbm>>
    %dma_start3A_24 = arith.constant 0 : i32
    %dma_start3A_25 = arith.constant 0 : i32
    %dma_start3A_26 = tpu.memref_slice %arg7[%dma_start3A_17, %dma_start3A_24, %dma_start3A_25] : memref<2x32x512xf32, #tpu.memory_space<vmem>> -> memref<1x32x512xf32, #tpu.memory_space<vmem>>
    %dma_start3A_27 = tpu.memref_squeeze %dma_start3A_26 : memref<1x32x512xf32, #tpu.memory_space<vmem>> -> memref<32x512xf32, #tpu.memory_space<vmem>>
    %dma_start3A_28 = arith.constant 0 : i32
    %dma_start3A_29 = tpu.memref_slice %arg3[%add3A_4, %dma_start3A_28] : memref<16384x512xf32, #tpu.memory_space<hbm>> -> memref<32x512xf32, #tpu.memory_space<hbm>>
    tpu.enqueue_dma source(%dma_start3A_29 : memref<32x512xf32, #tpu.memory_space<hbm>>) target(%dma_start3A_27 : memref<32x512xf32, #tpu.memory_space<vmem>>) target_semaphore(%arg13 : memref<!tpu.dma_semaphore, #tpu.memory_space<semaphore_mem>>)
    %dma_start3A_30 = arith.constant 0 : i32
    %dma_start3A_31 = arith.constant 0 : i32
    %dma_start3A_32 = arith.constant 0 : i32
    %dma_start3A_33 = tpu.memref_slice %arg8[%dma_start3A_30, %dma_start3A_31, %dma_start3A_32] : memref<2x32x512xf32, #tpu.memory_space<vmem>> -> memref<1x32x512xf32, #tpu.memory_space<vmem>>
    %dma_start3A_34 = tpu.memref_squeeze %dma_start3A_33 : memref<1x32x512xf32, #tpu.memory_space<vmem>> -> memref<32x512xf32, #tpu.memory_space<vmem>>
    %dma_start3A_35 = arith.constant 0 : i32
    %dma_start3A_36 = tpu.memref_slice %arg4[%add3A_4, %dma_start3A_35] : memref<2048x512xf32, #tpu.memory_space<hbm>> -> memref<32x512xf32, #tpu.memory_space<hbm>>
    %dma_start3A_37 = arith.constant 0 : i32
    %dma_start3A_38 = arith.constant 0 : i32
    %dma_start3A_39 = tpu.memref_slice %arg8[%dma_start3A_30, %dma_start3A_37, %dma_start3A_38] : memref<2x32x512xf32, #tpu.memory_space<vmem>> -> memref<1x32x512xf32, #tpu.memory_space<vmem>>
    %dma_start3A_40 = tpu.memref_squeeze %dma_start3A_39 : memref<1x32x512xf32, #tpu.memory_space<vmem>> -> memref<32x512xf32, #tpu.memory_space<vmem>>
    %dma_start3A_41 = arith.constant 0 : i32
    %dma_start3A_42 = tpu.memref_slice %arg4[%add3A_4, %dma_start3A_41] : memref<2048x512xf32, #tpu.memory_space<hbm>> -> memref<32x512xf32, #tpu.memory_space<hbm>>
    tpu.enqueue_dma source(%dma_start3A_42 : memref<32x512xf32, #tpu.memory_space<hbm>>) target(%dma_start3A_40 : memref<32x512xf32, #tpu.memory_space<vmem>>) target_semaphore(%arg15 : memref<!tpu.dma_semaphore, #tpu.memory_space<semaphore_mem>>)
    %add3A_43 = arith.constant 32 : i32
    %add3A_44 = arith.addi %mul3A_2, %add3A_43 : i32
    %dma_start3A_45 = arith.constant 1 : i32
    %dma_start3A_46 = arith.constant 0 : i32
    %dma_start3A_47 = arith.constant 0 : i32
    %dma_start3A_48 = tpu.memref_slice %arg6[%dma_start3A_45, %dma_start3A_46, %dma_start3A_47] : memref<2x32x512xf32, #tpu.memory_space<vmem>> -> memref<1x32x512xf32, #tpu.memory_space<vmem>>
    %dma_start3A_49 = tpu.memref_squeeze %dma_start3A_48 : memref<1x32x512xf32, #tpu.memory_space<vmem>> -> memref<32x512xf32, #tpu.memory_space<vmem>>
    %dma_start3A_50 = arith.constant 0 : i32
    %dma_start3A_51 = tpu.memref_slice %arg2[%add3A_44, %dma_start3A_50] : memref<16384x512xf32, #tpu.memory_space<hbm>> -> memref<32x512xf32, #tpu.memory_space<hbm>>
    %dma_start3A_52 = arith.constant 0 : i32
    %dma_start3A_53 = arith.constant 0 : i32
    %dma_start3A_54 = tpu.memref_slice %arg6[%dma_start3A_45, %dma_start3A_52, %dma_start3A_53] : memref<2x32x512xf32, #tpu.memory_space<vmem>> -> memref<1x32x512xf32, #tpu.memory_space<vmem>>
    %dma_start3A_55 = tpu.memref_squeeze %dma_start3A_54 : memref<1x32x512xf32, #tpu.memory_space<vmem>> -> memref<32x512xf32, #tpu.memory_space<vmem>>
    %dma_start3A_56 = arith.constant 0 : i32
    %dma_start3A_57 = tpu.memref_slice %arg2[%add3A_44, %dma_start3A_56] : memref<16384x512xf32, #tpu.memory_space<hbm>> -> memref<32x512xf32, #tpu.memory_space<hbm>>
    tpu.enqueue_dma source(%dma_start3A_57 : memref<32x512xf32, #tpu.memory_space<hbm>>) target(%dma_start3A_55 : memref<32x512xf32, #tpu.memory_space<vmem>>) target_semaphore(%arg12 : memref<!tpu.dma_semaphore, #tpu.memory_space<semaphore_mem>>)
    %dma_start3A_58 = arith.constant 1 : i32
    %dma_start3A_59 = arith.constant 0 : i32
    %dma_start3A_60 = arith.constant 0 : i32
    %dma_start3A_61 = tpu.memref_slice %arg7[%dma_start3A_58, %dma_start3A_59, %dma_start3A_60] : memref<2x32x512xf32, #tpu.memory_space<vmem>> -> memref<1x32x512xf32, #tpu.memory_space<vmem>>
    %dma_start3A_62 = tpu.memref_squeeze %dma_start3A_61 : memref<1x32x512xf32, #tpu.memory_space<vmem>> -> memref<32x512xf32, #tpu.memory_space<vmem>>
    %dma_start3A_63 = arith.constant 0 : i32
    %dma_start3A_64 = tpu.memref_slice %arg3[%add3A_44, %dma_start3A_63] : memref<16384x512xf32, #tpu.memory_space<hbm>> -> memref<32x512xf32, #tpu.memory_space<hbm>>
    %dma_start3A_65 = arith.constant 0 : i32
    %dma_start3A_66 = arith.constant 0 : i32
    %dma_start3A_67 = tpu.memref_slice %arg7[%dma_start3A_58, %dma_start3A_65, %dma_start3A_66] : memref<2x32x512xf32, #tpu.memory_space<vmem>> -> memref<1x32x512xf32, #tpu.memory_space<vmem>>
    %dma_start3A_68 = tpu.memref_squeeze %dma_start3A_67 : memref<1x32x512xf32, #tpu.memory_space<vmem>> -> memref<32x512xf32, #tpu.memory_space<vmem>>
    %dma_start3A_69 = arith.constant 0 : i32
    %dma_start3A_70 = tpu.memref_slice %arg3[%add3A_44, %dma_start3A_69] : memref<16384x512xf32, #tpu.memory_space<hbm>> -> memref<32x512xf32, #tpu.memory_space<hbm>>
    tpu.enqueue_dma source(%dma_start3A_70 : memref<32x512xf32, #tpu.memory_space<hbm>>) target(%dma_start3A_68 : memref<32x512xf32, #tpu.memory_space<vmem>>) target_semaphore(%arg14 : memref<!tpu.dma_semaphore, #tpu.memory_space<semaphore_mem>>)
    %dma_start3A_71 = arith.constant 1 : i32
    %dma_start3A_72 = arith.constant 0 : i32
    %dma_start3A_73 = arith.constant 0 : i32
    %dma_start3A_74 = tpu.memref_slice %arg8[%dma_start3A_71, %dma_start3A_72, %dma_start3A_73] : memref<2x32x512xf32, #tpu.memory_space<vmem>> -> memref<1x32x512xf32, #tpu.memory_space<vmem>>
    %dma_start3A_75 = tpu.memref_squeeze %dma_start3A_74 : memref<1x32x512xf32, #tpu.memory_space<vmem>> -> memref<32x512xf32, #tpu.memory_space<vmem>>
    %dma_start3A_76 = arith.constant 0 : i32
    %dma_start3A_77 = tpu.memref_slice %arg4[%add3A_44, %dma_start3A_76] : memref<2048x512xf32, #tpu.memory_space<hbm>> -> memref<32x512xf32, #tpu.memory_space<hbm>>
    %dma_start3A_78 = arith.constant 0 : i32
    %dma_start3A_79 = arith.constant 0 : i32
    %dma_start3A_80 = tpu.memref_slice %arg8[%dma_start3A_71, %dma_start3A_78, %dma_start3A_79] : memref<2x32x512xf32, #tpu.memory_space<vmem>> -> memref<1x32x512xf32, #tpu.memory_space<vmem>>
    %dma_start3A_81 = tpu.memref_squeeze %dma_start3A_80 : memref<1x32x512xf32, #tpu.memory_space<vmem>> -> memref<32x512xf32, #tpu.memory_space<vmem>>
    %dma_start3A_82 = arith.constant 0 : i32
    %dma_start3A_83 = tpu.memref_slice %arg4[%add3A_44, %dma_start3A_82] : memref<2048x512xf32, #tpu.memory_space<hbm>> -> memref<32x512xf32, #tpu.memory_space<hbm>>
    tpu.enqueue_dma source(%dma_start3A_83 : memref<32x512xf32, #tpu.memory_space<hbm>>) target(%dma_start3A_81 : memref<32x512xf32, #tpu.memory_space<vmem>>) target_semaphore(%arg16 : memref<!tpu.dma_semaphore, #tpu.memory_space<semaphore_mem>>)
    %broadcast_in_dim3A = arith.constant 0.000000e+00 : f32
    %broadcast_in_dim3A_84 = vector.broadcast %broadcast_in_dim3A : f32 to vector<16xf32>
    %add3A_85 = arith.constant 0 : i32
    %add3A_86 = arith.addi %mul3A_2, %add3A_85 : i32
    %dma_wait3A = arith.constant 0 : i32
    %dma_wait3A_87 = arith.constant 0 : i32
    %dma_wait3A_88 = arith.constant 0 : i32
    %dma_wait3A_89 = tpu.memref_slice %arg6[%dma_wait3A, %dma_wait3A_87, %dma_wait3A_88] : memref<2x32x512xf32, #tpu.memory_space<vmem>> -> memref<1x32x512xf32, #tpu.memory_space<vmem>>
    %dma_wait3A_90 = tpu.memref_squeeze %dma_wait3A_89 : memref<1x32x512xf32, #tpu.memory_space<vmem>> -> memref<32x512xf32, #tpu.memory_space<vmem>>
    %dma_wait3A_91 = arith.constant 0 : i32
    %dma_wait3A_92 = tpu.memref_slice %arg2[%add3A_86, %dma_wait3A_91] : memref<16384x512xf32, #tpu.memory_space<hbm>> -> memref<32x512xf32, #tpu.memory_space<hbm>>
    %dma_wait3A_93 = arith.constant 0 : i32
    %dma_wait3A_94 = arith.constant 0 : i32
    %dma_wait3A_95 = tpu.memref_slice %arg6[%dma_wait3A, %dma_wait3A_93, %dma_wait3A_94] : memref<2x32x512xf32, #tpu.memory_space<vmem>> -> memref<1x32x512xf32, #tpu.memory_space<vmem>>
    %dma_wait3A_96 = tpu.memref_squeeze %dma_wait3A_95 : memref<1x32x512xf32, #tpu.memory_space<vmem>> -> memref<32x512xf32, #tpu.memory_space<vmem>>
    %dma_wait3A_97 = arith.constant 0 : i32
    %dma_wait3A_98 = tpu.memref_slice %arg2[%add3A_86, %dma_wait3A_97] : memref<16384x512xf32, #tpu.memory_space<hbm>> -> memref<32x512xf32, #tpu.memory_space<hbm>>
    tpu.wait_dma2 semaphore(%arg11 : memref<!tpu.dma_semaphore, #tpu.memory_space<semaphore_mem>>) src(%dma_wait3A_98 : memref<32x512xf32, #tpu.memory_space<hbm>>) dst(%dma_wait3A_96 : memref<32x512xf32, #tpu.memory_space<vmem>>)
    %dma_wait3A_99 = arith.constant 0 : i32
    %dma_wait3A_100 = arith.constant 0 : i32
    %dma_wait3A_101 = arith.constant 0 : i32
    %dma_wait3A_102 = tpu.memref_slice %arg7[%dma_wait3A_99, %dma_wait3A_100, %dma_wait3A_101] : memref<2x32x512xf32, #tpu.memory_space<vmem>> -> memref<1x32x512xf32, #tpu.memory_space<vmem>>
    %dma_wait3A_103 = tpu.memref_squeeze %dma_wait3A_102 : memref<1x32x512xf32, #tpu.memory_space<vmem>> -> memref<32x512xf32, #tpu.memory_space<vmem>>
    %dma_wait3A_104 = arith.constant 0 : i32
    %dma_wait3A_105 = tpu.memref_slice %arg3[%add3A_86, %dma_wait3A_104] : memref<16384x512xf32, #tpu.memory_space<hbm>> -> memref<32x512xf32, #tpu.memory_space<hbm>>
    %dma_wait3A_106 = arith.constant 0 : i32
    %dma_wait3A_107 = arith.constant 0 : i32
    %dma_wait3A_108 = tpu.memref_slice %arg7[%dma_wait3A_99, %dma_wait3A_106, %dma_wait3A_107] : memref<2x32x512xf32, #tpu.memory_space<vmem>> -> memref<1x32x512xf32, #tpu.memory_space<vmem>>
    %dma_wait3A_109 = tpu.memref_squeeze %dma_wait3A_108 : memref<1x32x512xf32, #tpu.memory_space<vmem>> -> memref<32x512xf32, #tpu.memory_space<vmem>>
    %dma_wait3A_110 = arith.constant 0 : i32
    %dma_wait3A_111 = tpu.memref_slice %arg3[%add3A_86, %dma_wait3A_110] : memref<16384x512xf32, #tpu.memory_space<hbm>> -> memref<32x512xf32, #tpu.memory_space<hbm>>
    tpu.wait_dma2 semaphore(%arg13 : memref<!tpu.dma_semaphore, #tpu.memory_space<semaphore_mem>>) src(%dma_wait3A_111 : memref<32x512xf32, #tpu.memory_space<hbm>>) dst(%dma_wait3A_109 : memref<32x512xf32, #tpu.memory_space<vmem>>)
    %dma_wait3A_112 = arith.constant 0 : i32
    %dma_wait3A_113 = arith.constant 0 : i32
    %dma_wait3A_114 = arith.constant 0 : i32
    %dma_wait3A_115 = tpu.memref_slice %arg8[%dma_wait3A_112, %dma_wait3A_113, %dma_wait3A_114] : memref<2x32x512xf32, #tpu.memory_space<vmem>> -> memref<1x32x512xf32, #tpu.memory_space<vmem>>
    %dma_wait3A_116 = tpu.memref_squeeze %dma_wait3A_115 : memref<1x32x512xf32, #tpu.memory_space<vmem>> -> memref<32x512xf32, #tpu.memory_space<vmem>>
    %dma_wait3A_117 = arith.constant 0 : i32
    %dma_wait3A_118 = tpu.memref_slice %arg4[%add3A_86, %dma_wait3A_117] : memref<2048x512xf32, #tpu.memory_space<hbm>> -> memref<32x512xf32, #tpu.memory_space<hbm>>
    %dma_wait3A_119 = arith.constant 0 : i32
    %dma_wait3A_120 = arith.constant 0 : i32
    %dma_wait3A_121 = tpu.memref_slice %arg8[%dma_wait3A_112, %dma_wait3A_119, %dma_wait3A_120] : memref<2x32x512xf32, #tpu.memory_space<vmem>> -> memref<1x32x512xf32, #tpu.memory_space<vmem>>
    %dma_wait3A_122 = tpu.memref_squeeze %dma_wait3A_121 : memref<1x32x512xf32, #tpu.memory_space<vmem>> -> memref<32x512xf32, #tpu.memory_space<vmem>>
    %dma_wait3A_123 = arith.constant 0 : i32
    %dma_wait3A_124 = tpu.memref_slice %arg4[%add3A_86, %dma_wait3A_123] : memref<2048x512xf32, #tpu.memory_space<hbm>> -> memref<32x512xf32, #tpu.memory_space<hbm>>
    tpu.wait_dma2 semaphore(%arg15 : memref<!tpu.dma_semaphore, #tpu.memory_space<semaphore_mem>>) src(%dma_wait3A_124 : memref<32x512xf32, #tpu.memory_space<hbm>>) dst(%dma_wait3A_122 : memref<32x512xf32, #tpu.memory_space<vmem>>)
    %scan3A = arith.constant 0 : i32
    %scan3A_125 = arith.constant 0 : i32
    %scan3A_126 = arith.constant 0 : i32
    %scan3A_127 = arith.constant 0 : i32
    %scan3A_128 = arith.constant 32 : i32
    %scan3A_129 = arith.addi %scan3A_127, %scan3A_128 : i32
    %scan3A_130 = arith.constant 1 : i32
    %scan3A_131:2 = scf.for %scan3A_192 = %scan3A_127 to %scan3A_129 step %scan3A_130 iter_args(%scan3A_193 = %broadcast_in_dim3A_84, %scan3A_194 = %broadcast_in_dim3A_84) -> (vector<16xf32>, vector<16xf32>)  : i32 {
      %mul3A_195 = arith.constant 16 : i32
      %mul3A_196 = arith.muli %mul3A_195, %scan3A_192 : i32
      %get3A = arith.constant 0 : i32
      %get3A_197 = arith.constant 0 : i32
      %get3A_198 = arith.constant 0 : i32
      %get3A_199 = tpu.memref_slice %arg6[%scan3A, %get3A_197, %get3A_198] : memref<2x32x512xf32, #tpu.memory_space<vmem>> -> memref<1x32x512xf32, #tpu.memory_space<vmem>>
      %get3A_200 = tpu.memref_squeeze %get3A_199 : memref<1x32x512xf32, #tpu.memory_space<vmem>> -> memref<32x512xf32, #tpu.memory_space<vmem>>
      %get3A_201 = arith.index_cast %get3A : i32 to index
      %get3A_202 = arith.index_cast %mul3A_196 : i32 to index
      %get3A_203 = tpu.vector_load %get3A_200[%get3A_201, %get3A_202] {strides = array<i32>} : memref<32x512xf32, #tpu.memory_space<vmem>>, vector<1x16xf32>,
      %get3A_204 = vector.shape_cast %get3A_203 : vector<1x16xf32> to vector<16xf32>
      %mul3A_205 = arith.constant 16 : i32
      %mul3A_206 = arith.muli %mul3A_205, %scan3A_192 : i32
      %get3A_207 = arith.constant 0 : i32
      %get3A_208 = arith.constant 0 : i32
      %get3A_209 = arith.constant 0 : i32
      %get3A_210 = tpu.memref_slice %arg7[%scan3A_125, %get3A_208, %get3A_209] : memref<2x32x512xf32, #tpu.memory_space<vmem>> -> memref<1x32x512xf32, #tpu.memory_space<vmem>>
      %get3A_211 = tpu.memref_squeeze %get3A_210 : memref<1x32x512xf32, #tpu.memory_space<vmem>> -> memref<32x512xf32, #tpu.memory_space<vmem>>
      %get3A_212 = arith.index_cast %get3A_207 : i32 to index
      %get3A_213 = arith.index_cast %mul3A_206 : i32 to index
      %get3A_214 = tpu.vector_load %get3A_211[%get3A_212, %get3A_213] {strides = array<i32>} : memref<32x512xf32, #tpu.memory_space<vmem>>, vector<1x16xf32>,
      %get3A_215 = vector.shape_cast %get3A_214 : vector<1x16xf32> to vector<16xf32>
      %mul3A_216 = arith.constant 16 : i32
      %mul3A_217 = arith.muli %mul3A_216, %scan3A_192 : i32
      %get3A_218 = arith.constant 0 : i32
      %get3A_219 = arith.constant 0 : i32
      %get3A_220 = arith.constant 0 : i32
      %get3A_221 = tpu.memref_slice %arg8[%scan3A_126, %get3A_219, %get3A_220] : memref<2x32x512xf32, #tpu.memory_space<vmem>> -> memref<1x32x512xf32, #tpu.memory_space<vmem>>
      %get3A_222 = tpu.memref_squeeze %get3A_221 : memref<1x32x512xf32, #tpu.memory_space<vmem>> -> memref<32x512xf32, #tpu.memory_space<vmem>>
      %get3A_223 = arith.index_cast %get3A_218 : i32 to index
      %get3A_224 = arith.index_cast %mul3A_217 : i32 to index
      %get3A_225 = tpu.vector_load %get3A_222[%get3A_223, %get3A_224] {strides = array<i32>} : memref<32x512xf32, #tpu.memory_space<vmem>>, vector<1x16xf32>,
      %get3A_226 = vector.shape_cast %get3A_225 : vector<1x16xf32> to vector<16xf32>
      %sub3A = arith.subf %get3A_204, %get3A_215 : vector<16xf32>
      %abs3A = math.absf %sub3A : vector<16xf32>
      %mul3A_227 = arith.mulf %abs3A, %get3A_226 : vector<16xf32>
      %mul3A_228 = arith.constant 16 : i32
      %mul3A_229 = arith.muli %mul3A_228, %scan3A_192 : i32
      %get3A_230 = arith.constant 1 : i32
      %get3A_231 = arith.constant 0 : i32
      %get3A_232 = arith.constant 0 : i32
      %get3A_233 = tpu.memref_slice %arg6[%scan3A, %get3A_231, %get3A_232] : memref<2x32x512xf32, #tpu.memory_space<vmem>> -> memref<1x32x512xf32, #tpu.memory_space<vmem>>
      %get3A_234 = tpu.memref_squeeze %get3A_233 : memref<1x32x512xf32, #tpu.memory_space<vmem>> -> memref<32x512xf32, #tpu.memory_space<vmem>>
      %get3A_235 = arith.index_cast %get3A_230 : i32 to index
      %get3A_236 = arith.index_cast %mul3A_229 : i32 to index
      %get3A_237 = tpu.vector_load %get3A_234[%get3A_235, %get3A_236] {strides = array<i32>} : memref<32x512xf32, #tpu.memory_space<vmem>>, vector<1x16xf32>,
      %get3A_238 = vector.shape_cast %get3A_237 : vector<1x16xf32> to vector<16xf32>
      %mul3A_239 = arith.constant 16 : i32
      %mul3A_240 = arith.muli %mul3A_239, %scan3A_192 : i32
      %get3A_241 = arith.constant 1 : i32
      %get3A_242 = arith.constant 0 : i32
      %get3A_243 = arith.constant 0 : i32
      %get3A_244 = tpu.memref_slice %arg7[%scan3A_125, %get3A_242, %get3A_243] : memref<2x32x512xf32, #tpu.memory_space<vmem>> -> memref<1x32x512xf32, #tpu.memory_space<vmem>>
      %get3A_245 = tpu.memref_squeeze %get3A_244 : memref<1x32x512xf32, #tpu.memory_space<vmem>> -> memref<32x512xf32, #tpu.memory_space<vmem>>
      %get3A_246 = arith.index_cast %get3A_241 : i32 to index
      %get3A_247 = arith.index_cast %mul3A_240 : i32 to index
      %get3A_248 = tpu.vector_load %get3A_245[%get3A_246, %get3A_247] {strides = array<i32>} : memref<32x512xf32, #tpu.memory_space<vmem>>, vector<1x16xf32>,
      %get3A_249 = vector.shape_cast %get3A_248 : vector<1x16xf32> to vector<16xf32>
      %mul3A_250 = arith.constant 16 : i32
      %mul3A_251 = arith.muli %mul3A_250, %scan3A_192 : i32
      %get3A_252 = arith.constant 1 : i32
      %get3A_253 = arith.constant 0 : i32
      %get3A_254 = arith.constant 0 : i32
      %get3A_255 = tpu.memref_slice %arg8[%scan3A_126, %get3A_253, %get3A_254] : memref<2x32x512xf32, #tpu.memory_space<vmem>> -> memref<1x32x512xf32, #tpu.memory_space<vmem>>
      %get3A_256 = tpu.memref_squeeze %get3A_255 : memref<1x32x512xf32, #tpu.memory_space<vmem>> -> memref<32x512xf32, #tpu.memory_space<vmem>>
      %get3A_257 = arith.index_cast %get3A_252 : i32 to index
      %get3A_258 = arith.index_cast %mul3A_251 : i32 to index
      %get3A_259 = tpu.vector_load %get3A_256[%get3A_257, %get3A_258] {strides = array<i32>} : memref<32x512xf32, #tpu.memory_space<vmem>>, vector<1x16xf32>,
      %get3A_260 = vector.shape_cast %get3A_259 : vector<1x16xf32> to vector<16xf32>
      %sub3A_261 = arith.subf %get3A_238, %get3A_249 : vector<16xf32>
      %abs3A_262 = math.absf %sub3A_261 : vector<16xf32>
      %mul3A_263 = arith.mulf %abs3A_262, %get3A_260 : vector<16xf32>
      %mul3A_264 = arith.constant 16 : i32
      %mul3A_265 = arith.muli %mul3A_264, %scan3A_192 : i32
      %get3A_266 = arith.constant 2 : i32
      %get3A_267 = arith.constant 0 : i32
      %get3A_268 = arith.constant 0 : i32
      %get3A_269 = tpu.memref_slice %arg6[%scan3A, %get3A_267, %get3A_268] : memref<2x32x512xf32, #tpu.memory_space<vmem>> -> memref<1x32x512xf32, #tpu.memory_space<vmem>>
      %get3A_270 = tpu.memref_squeeze %get3A_269 : memref<1x32x512xf32, #tpu.memory_space<vmem>> -> memref<32x512xf32, #tpu.memory_space<vmem>>
      %get3A_271 = arith.index_cast %get3A_266 : i32 to index
      %get3A_272 = arith.index_cast %mul3A_265 : i32 to index
      %get3A_273 = tpu.vector_load %get3A_270[%get3A_271, %get3A_272] {strides = array<i32>} : memref<32x512xf32, #tpu.memory_space<vmem>>, vector<1x16xf32>,
      %get3A_274 = vector.shape_cast %get3A_273 : vector<1x16xf32> to vector<16xf32>
      %mul3A_275 = arith.constant 16 : i32
      %mul3A_276 = arith.muli %mul3A_275, %scan3A_192 : i32
      %get3A_277 = arith.constant 2 : i32
      %get3A_278 = arith.constant 0 : i32
      %get3A_279 = arith.constant 0 : i32
      %get3A_280 = tpu.memref_slice %arg7[%scan3A_125, %get3A_278, %get3A_279] : memref<2x32x512xf32, #tpu.memory_space<vmem>> -> memref<1x32x512xf32, #tpu.memory_space<vmem>>
      %get3A_281 = tpu.memref_squeeze %get3A_280 : memref<1x32x512xf32, #tpu.memory_space<vmem>> -> memref<32x512xf32, #tpu.memory_space<vmem>>
      %get3A_282 = arith.index_cast %get3A_277 : i32 to index
      %get3A_283 = arith.index_cast %mul3A_276 : i32 to index
      %get3A_284 = tpu.vector_load %get3A_281[%get3A_282, %get3A_283] {strides = array<i32>} : memref<32x512xf32, #tpu.memory_space<vmem>>, vector<1x16xf32>,
      %get3A_285 = vector.shape_cast %get3A_284 : vector<1x16xf32> to vector<16xf32>
      %mul3A_286 = arith.constant 16 : i32
      %mul3A_287 = arith.muli %mul3A_286, %scan3A_192 : i32
      %get3A_288 = arith.constant 2 : i32
      %get3A_289 = arith.constant 0 : i32
      %get3A_290 = arith.constant 0 : i32
      %get3A_291 = tpu.memref_slice %arg8[%scan3A_126, %get3A_289, %get3A_290] : memref<2x32x512xf32, #tpu.memory_space<vmem>> -> memref<1x32x512xf32, #tpu.memory_space<vmem>>
      %get3A_292 = tpu.memref_squeeze %get3A_291 : memref<1x32x512xf32, #tpu.memory_space<vmem>> -> memref<32x512xf32, #tpu.memory_space<vmem>>
      %get3A_293 = arith.index_cast %get3A_288 : i32 to index
      %get3A_294 = arith.index_cast %mul3A_287 : i32 to index
      %get3A_295 = tpu.vector_load %get3A_292[%get3A_293, %get3A_294] {strides = array<i32>} : memref<32x512xf32, #tpu.memory_space<vmem>>, vector<1x16xf32>,
      %get3A_296 = vector.shape_cast %get3A_295 : vector<1x16xf32> to vector<16xf32>
      %sub3A_297 = arith.subf %get3A_274, %get3A_285 : vector<16xf32>
      %abs3A_298 = math.absf %sub3A_297 : vector<16xf32>
      %mul3A_299 = arith.mulf %abs3A_298, %get3A_296 : vector<16xf32>
      %mul3A_300 = arith.constant 16 : i32
      %mul3A_301 = arith.muli %mul3A_300, %scan3A_192 : i32
      %get3A_302 = arith.constant 3 : i32
      %get3A_303 = arith.constant 0 : i32
      %get3A_304 = arith.constant 0 : i32
      %get3A_305 = tpu.memref_slice %arg6[%scan3A, %get3A_303, %get3A_304] : memref<2x32x512xf32, #tpu.memory_space<vmem>> -> memref<1x32x512xf32, #tpu.memory_space<vmem>>
      %get3A_306 = tpu.memref_squeeze %get3A_305 : memref<1x32x512xf32, #tpu.memory_space<vmem>> -> memref<32x512xf32, #tpu.memory_space<vmem>>
      %get3A_307 = arith.index_cast %get3A_302 : i32 to index
      %get3A_308 = arith.index_cast %mul3A_301 : i32 to index
      %get3A_309 = tpu.vector_load %get3A_306[%get3A_307, %get3A_308] {strides = array<i32>} : memref<32x512xf32, #tpu.memory_space<vmem>>, vector<1x16xf32>,
      %get3A_310 = vector.shape_cast %get3A_309 : vector<1x16xf32> to vector<16xf32>
      %mul3A_311 = arith.constant 16 : i32
      %mul3A_312 = arith.muli %mul3A_311, %scan3A_192 : i32
      %get3A_313 = arith.constant 3 : i32
      %get3A_314 = arith.constant 0 : i32
      %get3A_315 = arith.constant 0 : i32
      %get3A_316 = tpu.memref_slice %arg7[%scan3A_125, %get3A_314, %get3A_315] : memref<2x32x512xf32, #tpu.memory_space<vmem>> -> memref<1x32x512xf32, #tpu.memory_space<vmem>>
      %get3A_317 = tpu.memref_squeeze %get3A_316 : memref<1x32x512xf32, #tpu.memory_space<vmem>> -> memref<32x512xf32, #tpu.memory_space<vmem>>
      %get3A_318 = arith.index_cast %get3A_313 : i32 to index
      %get3A_319 = arith.index_cast %mul3A_312 : i32 to index
      %get3A_320 = tpu.vector_load %get3A_317[%get3A_318, %get3A_319] {strides = array<i32>} : memref<32x512xf32, #tpu.memory_space<vmem>>, vector<1x16xf32>,
      %get3A_321 = vector.shape_cast %get3A_320 : vector<1x16xf32> to vector<16xf32>
      %mul3A_322 = arith.constant 16 : i32
      %mul3A_323 = arith.muli %mul3A_322, %scan3A_192 : i32
      %get3A_324 = arith.constant 3 : i32
      %get3A_325 = arith.constant 0 : i32
      %get3A_326 = arith.constant 0 : i32
      %get3A_327 = tpu.memref_slice %arg8[%scan3A_126, %get3A_325, %get3A_326] : memref<2x32x512xf32, #tpu.memory_space<vmem>> -> memref<1x32x512xf32, #tpu.memory_space<vmem>>
      %get3A_328 = tpu.memref_squeeze %get3A_327 : memref<1x32x512xf32, #tpu.memory_space<vmem>> -> memref<32x512xf32, #tpu.memory_space<vmem>>
      %get3A_329 = arith.index_cast %get3A_324 : i32 to index
      %get3A_330 = arith.index_cast %mul3A_323 : i32 to index
      %get3A_331 = tpu.vector_load %get3A_328[%get3A_329, %get3A_330] {strides = array<i32>} : memref<32x512xf32, #tpu.memory_space<vmem>>, vector<1x16xf32>,
      %get3A_332 = vector.shape_cast %get3A_331 : vector<1x16xf32> to vector<16xf32>
      %sub3A_333 = arith.subf %get3A_310, %get3A_321 : vector<16xf32>
      %abs3A_334 = math.absf %sub3A_333 : vector<16xf32>
      %mul3A_335 = arith.mulf %abs3A_334, %get3A_332 : vector<16xf32>
      %mul3A_336 = arith.constant 16 : i32
      %mul3A_337 = arith.muli %mul3A_336, %scan3A_192 : i32
      %get3A_338 = arith.constant 4 : i32
      %get3A_339 = arith.constant 0 : i32
      %get3A_340 = arith.constant 0 : i32
      %get3A_341 = tpu.memref_slice %arg6[%scan3A, %get3A_339, %get3A_340] : memref<2x32x512xf32, #tpu.memory_space<vmem>> -> memref<1x32x512xf32, #tpu.memory_space<vmem>>
      %get3A_342 = tpu.memref_squeeze %get3A_341 : memref<1x32x512xf32, #tpu.memory_space<vmem>> -> memref<32x512xf32, #tpu.memory_space<vmem>>
      %get3A_343 = arith.index_cast %get3A_338 : i32 to index
      %get3A_344 = arith.index_cast %mul3A_337 : i32 to index
      %get3A_345 = tpu.vector_load %get3A_342[%get3A_343, %get3A_344] {strides = array<i32>} : memref<32x512xf32, #tpu.memory_space<vmem>>, vector<1x16xf32>,
      %get3A_346 = vector.shape_cast %get3A_345 : vector<1x16xf32> to vector<16xf32>
      %mul3A_347 = arith.constant 16 : i32
      %mul3A_348 = arith.muli %mul3A_347, %scan3A_192 : i32
      %get3A_349 = arith.constant 4 : i32
      %get3A_350 = arith.constant 0 : i32
      %get3A_351 = arith.constant 0 : i32
      %get3A_352 = tpu.memref_slice %arg7[%scan3A_125, %get3A_350, %get3A_351] : memref<2x32x512xf32, #tpu.memory_space<vmem>> -> memref<1x32x512xf32, #tpu.memory_space<vmem>>
      %get3A_353 = tpu.memref_squeeze %get3A_352 : memref<1x32x512xf32, #tpu.memory_space<vmem>> -> memref<32x512xf32, #tpu.memory_space<vmem>>
      %get3A_354 = arith.index_cast %get3A_349 : i32 to index
      %get3A_355 = arith.index_cast %mul3A_348 : i32 to index
      %get3A_356 = tpu.vector_load %get3A_353[%get3A_354, %get3A_355] {strides = array<i32>} : memref<32x512xf32, #tpu.memory_space<vmem>>, vector<1x16xf32>,
      %get3A_357 = vector.shape_cast %get3A_356 : vector<1x16xf32> to vector<16xf32>
      %mul3A_358 = arith.constant 16 : i32
      %mul3A_359 = arith.muli %mul3A_358, %scan3A_192 : i32
      %get3A_360 = arith.constant 4 : i32
      %get3A_361 = arith.constant 0 : i32
      %get3A_362 = arith.constant 0 : i32
      %get3A_363 = tpu.memref_slice %arg8[%scan3A_126, %get3A_361, %get3A_362] : memref<2x32x512xf32, #tpu.memory_space<vmem>> -> memref<1x32x512xf32, #tpu.memory_space<vmem>>
      %get3A_364 = tpu.memref_squeeze %get3A_363 : memref<1x32x512xf32, #tpu.memory_space<vmem>> -> memref<32x512xf32, #tpu.memory_space<vmem>>
      %get3A_365 = arith.index_cast %get3A_360 : i32 to index
      %get3A_366 = arith.index_cast %mul3A_359 : i32 to index
      %get3A_367 = tpu.vector_load %get3A_364[%get3A_365, %get3A_366] {strides = array<i32>} : memref<32x512xf32, #tpu.memory_space<vmem>>, vector<1x16xf32>,
      %get3A_368 = vector.shape_cast %get3A_367 : vector<1x16xf32> to vector<16xf32>
      %sub3A_369 = arith.subf %get3A_346, %get3A_357 : vector<16xf32>
      %abs3A_370 = math.absf %sub3A_369 : vector<16xf32>
      %mul3A_371 = arith.mulf %abs3A_370, %get3A_368 : vector<16xf32>
      %mul3A_372 = arith.constant 16 : i32
      %mul3A_373 = arith.muli %mul3A_372, %scan3A_192 : i32
      %get3A_374 = arith.constant 5 : i32
      %get3A_375 = arith.constant 0 : i32
      %get3A_376 = arith.constant 0 : i32
      %get3A_377 = tpu.memref_slice %arg6[%scan3A, %get3A_375, %get3A_376] : memref<2x32x512xf32, #tpu.memory_space<vmem>> -> memref<1x32x512xf32, #tpu.memory_space<vmem>>
      %get3A_378 = tpu.memref_squeeze %get3A_377 : memref<1x32x512xf32, #tpu.memory_space<vmem>> -> memref<32x512xf32, #tpu.memory_space<vmem>>
      %get3A_379 = arith.index_cast %get3A_374 : i32 to index
      %get3A_380 = arith.index_cast %mul3A_373 : i32 to index
      %get3A_381 = tpu.vector_load %get3A_378[%get3A_379, %get3A_380] {strides = array<i32>} : memref<32x512xf32, #tpu.memory_space<vmem>>, vector<1x16xf32>,
      %get3A_382 = vector.shape_cast %get3A_381 : vector<1x16xf32> to vector<16xf32>
      %mul3A_383 = arith.constant 16 : i32
      %mul3A_384 = arith.muli %mul3A_383, %scan3A_192 : i32
      %get3A_385 = arith.constant 5 : i32
      %get3A_386 = arith.constant 0 : i32
      %get3A_387 = arith.constant 0 : i32
      %get3A_388 = tpu.memref_slice %arg7[%scan3A_125, %get3A_386, %get3A_387] : memref<2x32x512xf32, #tpu.memory_space<vmem>> -> memref<1x32x512xf32, #tpu.memory_space<vmem>>
      %get3A_389 = tpu.memref_squeeze %get3A_388 : memref<1x32x512xf32, #tpu.memory_space<vmem>> -> memref<32x512xf32, #tpu.memory_space<vmem>>
      %get3A_390 = arith.index_cast %get3A_385 : i32 to index
      %get3A_391 = arith.index_cast %mul3A_384 : i32 to index
      %get3A_392 = tpu.vector_load %get3A_389[%get3A_390, %get3A_391] {strides = array<i32>} : memref<32x512xf32, #tpu.memory_space<vmem>>, vector<1x16xf32>,
      %get3A_393 = vector.shape_cast %get3A_392 : vector<1x16xf32> to vector<16xf32>
      %mul3A_394 = arith.constant 16 : i32
      %mul3A_395 = arith.muli %mul3A_394, %scan3A_192 : i32
      %get3A_396 = arith.constant 5 : i32
      %get3A_397 = arith.constant 0 : i32
      %get3A_398 = arith.constant 0 : i32
      %get3A_399 = tpu.memref_slice %arg8[%scan3A_126, %get3A_397, %get3A_398] : memref<2x32x512xf32, #tpu.memory_space<vmem>> -> memref<1x32x512xf32, #tpu.memory_space<vmem>>
      %get3A_400 = tpu.memref_squeeze %get3A_399 : memref<1x32x512xf32, #tpu.memory_space<vmem>> -> memref<32x512xf32, #tpu.memory_space<vmem>>
      %get3A_401 = arith.index_cast %get3A_396 : i32 to index
      %get3A_402 = arith.index_cast %mul3A_395 : i32 to index
      %get3A_403 = tpu.vector_load %get3A_400[%get3A_401, %get3A_402] {strides = array<i32>} : memref<32x512xf32, #tpu.memory_space<vmem>>, vector<1x16xf32>,
      %get3A_404 = vector.shape_cast %get3A_403 : vector<1x16xf32> to vector<16xf32>
      %sub3A_405 = arith.subf %get3A_382, %get3A_393 : vector<16xf32>
      %abs3A_406 = math.absf %sub3A_405 : vector<16xf32>
      %mul3A_407 = arith.mulf %abs3A_406, %get3A_404 : vector<16xf32>
      %mul3A_408 = arith.constant 16 : i32
      %mul3A_409 = arith.muli %mul3A_408, %scan3A_192 : i32
      %get3A_410 = arith.constant 6 : i32
      %get3A_411 = arith.constant 0 : i32
      %get3A_412 = arith.constant 0 : i32
      %get3A_413 = tpu.memref_slice %arg6[%scan3A, %get3A_411, %get3A_412] : memref<2x32x512xf32, #tpu.memory_space<vmem>> -> memref<1x32x512xf32, #tpu.memory_space<vmem>>
      %get3A_414 = tpu.memref_squeeze %get3A_413 : memref<1x32x512xf32, #tpu.memory_space<vmem>> -> memref<32x512xf32, #tpu.memory_space<vmem>>
      %get3A_415 = arith.index_cast %get3A_410 : i32 to index
      %get3A_416 = arith.index_cast %mul3A_409 : i32 to index
      %get3A_417 = tpu.vector_load %get3A_414[%get3A_415, %get3A_416] {strides = array<i32>} : memref<32x512xf32, #tpu.memory_space<vmem>>, vector<1x16xf32>,
      %get3A_418 = vector.shape_cast %get3A_417 : vector<1x16xf32> to vector<16xf32>
      %mul3A_419 = arith.constant 16 : i32
      %mul3A_420 = arith.muli %mul3A_419, %scan3A_192 : i32
      %get3A_421 = arith.constant 6 : i32
      %get3A_422 = arith.constant 0 : i32
      %get3A_423 = arith.constant 0 : i32
      %get3A_424 = tpu.memref_slice %arg7[%scan3A_125, %get3A_422, %get3A_423] : memref<2x32x512xf32, #tpu.memory_space<vmem>> -> memref<1x32x512xf32, #tpu.memory_space<vmem>>
      %get3A_425 = tpu.memref_squeeze %get3A_424 : memref<1x32x512xf32, #tpu.memory_space<vmem>> -> memref<32x512xf32, #tpu.memory_space<vmem>>
      %get3A_426 = arith.index_cast %get3A_421 : i32 to index
      %get3A_427 = arith.index_cast %mul3A_420 : i32 to index
      %get3A_428 = tpu.vector_load %get3A_425[%get3A_426, %get3A_427] {strides = array<i32>} : memref<32x512xf32, #tpu.memory_space<vmem>>, vector<1x16xf32>,
      %get3A_429 = vector.shape_cast %get3A_428 : vector<1x16xf32> to vector<16xf32>
      %mul3A_430 = arith.constant 16 : i32
      %mul3A_431 = arith.muli %mul3A_430, %scan3A_192 : i32
      %get3A_432 = arith.constant 6 : i32
      %get3A_433 = arith.constant 0 : i32
      %get3A_434 = arith.constant 0 : i32
      %get3A_435 = tpu.memref_slice %arg8[%scan3A_126, %get3A_433, %get3A_434] : memref<2x32x512xf32, #tpu.memory_space<vmem>> -> memref<1x32x512xf32, #tpu.memory_space<vmem>>
      %get3A_436 = tpu.memref_squeeze %get3A_435 : memref<1x32x512xf32, #tpu.memory_space<vmem>> -> memref<32x512xf32, #tpu.memory_space<vmem>>
      %get3A_437 = arith.index_cast %get3A_432 : i32 to index
      %get3A_438 = arith.index_cast %mul3A_431 : i32 to index
      %get3A_439 = tpu.vector_load %get3A_436[%get3A_437, %get3A_438] {strides = array<i32>} : memref<32x512xf32, #tpu.memory_space<vmem>>, vector<1x16xf32>,
      %get3A_440 = vector.shape_cast %get3A_439 : vector<1x16xf32> to vector<16xf32>
      %sub3A_441 = arith.subf %get3A_418, %get3A_429 : vector<16xf32>
      %abs3A_442 = math.absf %sub3A_441 : vector<16xf32>
      %mul3A_443 = arith.mulf %abs3A_442, %get3A_440 : vector<16xf32>
      %mul3A_444 = arith.constant 16 : i32
      %mul3A_445 = arith.muli %mul3A_444, %scan3A_192 : i32
      %get3A_446 = arith.constant 7 : i32
      %get3A_447 = arith.constant 0 : i32
      %get3A_448 = arith.constant 0 : i32
      %get3A_449 = tpu.memref_slice %arg6[%scan3A, %get3A_447, %get3A_448] : memref<2x32x512xf32, #tpu.memory_space<vmem>> -> memref<1x32x512xf32, #tpu.memory_space<vmem>>
      %get3A_450 = tpu.memref_squeeze %get3A_449 : memref<1x32x512xf32, #tpu.memory_space<vmem>> -> memref<32x512xf32, #tpu.memory_space<vmem>>
      %get3A_451 = arith.index_cast %get3A_446 : i32 to index
      %get3A_452 = arith.index_cast %mul3A_445 : i32 to index
      %get3A_453 = tpu.vector_load %get3A_450[%get3A_451, %get3A_452] {strides = array<i32>} : memref<32x512xf32, #tpu.memory_space<vmem>>, vector<1x16xf32>,
      %get3A_454 = vector.shape_cast %get3A_453 : vector<1x16xf32> to vector<16xf32>
      %mul3A_455 = arith.constant 16 : i32
      %mul3A_456 = arith.muli %mul3A_455, %scan3A_192 : i32
      %get3A_457 = arith.constant 7 : i32
      %get3A_458 = arith.constant 0 : i32
      %get3A_459 = arith.constant 0 : i32
      %get3A_460 = tpu.memref_slice %arg7[%scan3A_125, %get3A_458, %get3A_459] : memref<2x32x512xf32, #tpu.memory_space<vmem>> -> memref<1x32x512xf32, #tpu.memory_space<vmem>>
      %get3A_461 = tpu.memref_squeeze %get3A_460 : memref<1x32x512xf32, #tpu.memory_space<vmem>> -> memref<32x512xf32, #tpu.memory_space<vmem>>
      %get3A_462 = arith.index_cast %get3A_457 : i32 to index
      %get3A_463 = arith.index_cast %mul3A_456 : i32 to index
      %get3A_464 = tpu.vector_load %get3A_461[%get3A_462, %get3A_463] {strides = array<i32>} : memref<32x512xf32, #tpu.memory_space<vmem>>, vector<1x16xf32>,
      %get3A_465 = vector.shape_cast %get3A_464 : vector<1x16xf32> to vector<16xf32>
      %mul3A_466 = arith.constant 16 : i32
      %mul3A_467 = arith.muli %mul3A_466, %scan3A_192 : i32
      %get3A_468 = arith.constant 7 : i32
      %get3A_469 = arith.constant 0 : i32
      %get3A_470 = arith.constant 0 : i32
      %get3A_471 = tpu.memref_slice %arg8[%scan3A_126, %get3A_469, %get3A_470] : memref<2x32x512xf32, #tpu.memory_space<vmem>> -> memref<1x32x512xf32, #tpu.memory_space<vmem>>
      %get3A_472 = tpu.memref_squeeze %get3A_471 : memref<1x32x512xf32, #tpu.memory_space<vmem>> -> memref<32x512xf32, #tpu.memory_space<vmem>>
      %get3A_473 = arith.index_cast %get3A_468 : i32 to index
      %get3A_474 = arith.index_cast %mul3A_467 : i32 to index
      %get3A_475 = tpu.vector_load %get3A_472[%get3A_473, %get3A_474] {strides = array<i32>} : memref<32x512xf32, #tpu.memory_space<vmem>>, vector<1x16xf32>,
      %get3A_476 = vector.shape_cast %get3A_475 : vector<1x16xf32> to vector<16xf32>
      %sub3A_477 = arith.subf %get3A_454, %get3A_465 : vector<16xf32>
      %abs3A_478 = math.absf %sub3A_477 : vector<16xf32>
      %mul3A_479 = arith.mulf %abs3A_478, %get3A_476 : vector<16xf32>
      %mul3A_480 = arith.constant 16 : i32
      %mul3A_481 = arith.muli %mul3A_480, %scan3A_192 : i32
      %get3A_482 = arith.constant 8 : i32
      %get3A_483 = arith.constant 0 : i32
      %get3A_484 = arith.constant 0 : i32
      %get3A_485 = tpu.memref_slice %arg6[%scan3A, %get3A_483, %get3A_484] : memref<2x32x512xf32, #tpu.memory_space<vmem>> -> memref<1x32x512xf32, #tpu.memory_space<vmem>>
      %get3A_486 = tpu.memref_squeeze %get3A_485 : memref<1x32x512xf32, #tpu.memory_space<vmem>> -> memref<32x512xf32, #tpu.memory_space<vmem>>
      %get3A_487 = arith.index_cast %get3A_482 : i32 to index
      %get3A_488 = arith.index_cast %mul3A_481 : i32 to index
      %get3A_489 = tpu.vector_load %get3A_486[%get3A_487, %get3A_488] {strides = array<i32>} : memref<32x512xf32, #tpu.memory_space<vmem>>, vector<1x16xf32>,
      %get3A_490 = vector.shape_cast %get3A_489 : vector<1x16xf32> to vector<16xf32>
      %mul3A_491 = arith.constant 16 : i32
      %mul3A_492 = arith.muli %mul3A_491, %scan3A_192 : i32
      %get3A_493 = arith.constant 8 : i32
      %get3A_494 = arith.constant 0 : i32
      %get3A_495 = arith.constant 0 : i32
      %get3A_496 = tpu.memref_slice %arg7[%scan3A_125, %get3A_494, %get3A_495] : memref<2x32x512xf32, #tpu.memory_space<vmem>> -> memref<1x32x512xf32, #tpu.memory_space<vmem>>
      %get3A_497 = tpu.memref_squeeze %get3A_496 : memref<1x32x512xf32, #tpu.memory_space<vmem>> -> memref<32x512xf32, #tpu.memory_space<vmem>>
      %get3A_498 = arith.index_cast %get3A_493 : i32 to index
      %get3A_499 = arith.index_cast %mul3A_492 : i32 to index
      %get3A_500 = tpu.vector_load %get3A_497[%get3A_498, %get3A_499] {strides = array<i32>} : memref<32x512xf32, #tpu.memory_space<vmem>>, vector<1x16xf32>,
      %get3A_501 = vector.shape_cast %get3A_500 : vector<1x16xf32> to vector<16xf32>
      %mul3A_502 = arith.constant 16 : i32
      %mul3A_503 = arith.muli %mul3A_502, %scan3A_192 : i32
      %get3A_504 = arith.constant 8 : i32
      %get3A_505 = arith.constant 0 : i32
      %get3A_506 = arith.constant 0 : i32
      %get3A_507 = tpu.memref_slice %arg8[%scan3A_126, %get3A_505, %get3A_506] : memref<2x32x512xf32, #tpu.memory_space<vmem>> -> memref<1x32x512xf32, #tpu.memory_space<vmem>>
      %get3A_508 = tpu.memref_squeeze %get3A_507 : memref<1x32x512xf32, #tpu.memory_space<vmem>> -> memref<32x512xf32, #tpu.memory_space<vmem>>
      %get3A_509 = arith.index_cast %get3A_504 : i32 to index
      %get3A_510 = arith.index_cast %mul3A_503 : i32 to index
      %get3A_511 = tpu.vector_load %get3A_508[%get3A_509, %get3A_510] {strides = array<i32>} : memref<32x512xf32, #tpu.memory_space<vmem>>, vector<1x16xf32>,
      %get3A_512 = vector.shape_cast %get3A_511 : vector<1x16xf32> to vector<16xf32>
      %sub3A_513 = arith.subf %get3A_490, %get3A_501 : vector<16xf32>
      %abs3A_514 = math.absf %sub3A_513 : vector<16xf32>
      %mul3A_515 = arith.mulf %abs3A_514, %get3A_512 : vector<16xf32>
      %mul3A_516 = arith.constant 16 : i32
      %mul3A_517 = arith.muli %mul3A_516, %scan3A_192 : i32
      %get3A_518 = arith.constant 9 : i32
      %get3A_519 = arith.constant 0 : i32
      %get3A_520 = arith.constant 0 : i32
      %get3A_521 = tpu.memref_slice %arg6[%scan3A, %get3A_519, %get3A_520] : memref<2x32x512xf32, #tpu.memory_space<vmem>> -> memref<1x32x512xf32, #tpu.memory_space<vmem>>
      %get3A_522 = tpu.memref_squeeze %get3A_521 : memref<1x32x512xf32, #tpu.memory_space<vmem>> -> memref<32x512xf32, #tpu.memory_space<vmem>>
      %get3A_523 = arith.index_cast %get3A_518 : i32 to index
      %get3A_524 = arith.index_cast %mul3A_517 : i32 to index
      %get3A_525 = tpu.vector_load %get3A_522[%get3A_523, %get3A_524] {strides = array<i32>} : memref<32x512xf32, #tpu.memory_space<vmem>>, vector<1x16xf32>,
      %get3A_526 = vector.shape_cast %get3A_525 : vector<1x16xf32> to vector<16xf32>
      %mul3A_527 = arith.constant 16 : i32
      %mul3A_528 = arith.muli %mul3A_527, %scan3A_192 : i32
      %get3A_529 = arith.constant 9 : i32
      %get3A_530 = arith.constant 0 : i32
      %get3A_531 = arith.constant 0 : i32
      %get3A_532 = tpu.memref_slice %arg7[%scan3A_125, %get3A_530, %get3A_531] : memref<2x32x512xf32, #tpu.memory_space<vmem>> -> memref<1x32x512xf32, #tpu.memory_space<vmem>>
      %get3A_533 = tpu.memref_squeeze %get3A_532 : memref<1x32x512xf32, #tpu.memory_space<vmem>> -> memref<32x512xf32, #tpu.memory_space<vmem>>
      %get3A_534 = arith.index_cast %get3A_529 : i32 to index
      %get3A_535 = arith.index_cast %mul3A_528 : i32 to index
      %get3A_536 = tpu.vector_load %get3A_533[%get3A_534, %get3A_535] {strides = array<i32>} : memref<32x512xf32, #tpu.memory_space<vmem>>, vector<1x16xf32>,
      %get3A_537 = vector.shape_cast %get3A_536 : vector<1x16xf32> to vector<16xf32>
      %mul3A_538 = arith.constant 16 : i32
      %mul3A_539 = arith.muli %mul3A_538, %scan3A_192 : i32
      %get3A_540 = arith.constant 9 : i32
      %get3A_541 = arith.constant 0 : i32
      %get3A_542 = arith.constant 0 : i32
      %get3A_543 = tpu.memref_slice %arg8[%scan3A_126, %get3A_541, %get3A_542] : memref<2x32x512xf32, #tpu.memory_space<vmem>> -> memref<1x32x512xf32, #tpu.memory_space<vmem>>
      %get3A_544 = tpu.memref_squeeze %get3A_543 : memref<1x32x512xf32, #tpu.memory_space<vmem>> -> memref<32x512xf32, #tpu.memory_space<vmem>>
      %get3A_545 = arith.index_cast %get3A_540 : i32 to index
      %get3A_546 = arith.index_cast %mul3A_539 : i32 to index
      %get3A_547 = tpu.vector_load %get3A_544[%get3A_545, %get3A_546] {strides = array<i32>} : memref<32x512xf32, #tpu.memory_space<vmem>>, vector<1x16xf32>,
      %get3A_548 = vector.shape_cast %get3A_547 : vector<1x16xf32> to vector<16xf32>
      %sub3A_549 = arith.subf %get3A_526, %get3A_537 : vector<16xf32>
      %abs3A_550 = math.absf %sub3A_549 : vector<16xf32>
      %mul3A_551 = arith.mulf %abs3A_550, %get3A_548 : vector<16xf32>
      %mul3A_552 = arith.constant 16 : i32
      %mul3A_553 = arith.muli %mul3A_552, %scan3A_192 : i32
      %get3A_554 = arith.constant 10 : i32
      %get3A_555 = arith.constant 0 : i32
      %get3A_556 = arith.constant 0 : i32
      %get3A_557 = tpu.memref_slice %arg6[%scan3A, %get3A_555, %get3A_556] : memref<2x32x512xf32, #tpu.memory_space<vmem>> -> memref<1x32x512xf32, #tpu.memory_space<vmem>>
      %get3A_558 = tpu.memref_squeeze %get3A_557 : memref<1x32x512xf32, #tpu.memory_space<vmem>> -> memref<32x512xf32, #tpu.memory_space<vmem>>
      %get3A_559 = arith.index_cast %get3A_554 : i32 to index
      %get3A_560 = arith.index_cast %mul3A_553 : i32 to index
      %get3A_561 = tpu.vector_load %get3A_558[%get3A_559, %get3A_560] {strides = array<i32>} : memref<32x512xf32, #tpu.memory_space<vmem>>, vector<1x16xf32>,
      %get3A_562 = vector.shape_cast %get3A_561 : vector<1x16xf32> to vector<16xf32>
      %mul3A_563 = arith.constant 16 : i32
      %mul3A_564 = arith.muli %mul3A_563, %scan3A_192 : i32
      %get3A_565 = arith.constant 10 : i32
      %get3A_566 = arith.constant 0 : i32
      %get3A_567 = arith.constant 0 : i32
      %get3A_568 = tpu.memref_slice %arg7[%scan3A_125, %get3A_566, %get3A_567] : memref<2x32x512xf32, #tpu.memory_space<vmem>> -> memref<1x32x512xf32, #tpu.memory_space<vmem>>
      %get3A_569 = tpu.memref_squeeze %get3A_568 : memref<1x32x512xf32, #tpu.memory_space<vmem>> -> memref<32x512xf32, #tpu.memory_space<vmem>>
      %get3A_570 = arith.index_cast %get3A_565 : i32 to index
      %get3A_571 = arith.index_cast %mul3A_564 : i32 to index
      %get3A_572 = tpu.vector_load %get3A_569[%get3A_570, %get3A_571] {strides = array<i32>} : memref<32x512xf32, #tpu.memory_space<vmem>>, vector<1x16xf32>,
      %get3A_573 = vector.shape_cast %get3A_572 : vector<1x16xf32> to vector<16xf32>
      %mul3A_574 = arith.constant 16 : i32
      %mul3A_575 = arith.muli %mul3A_574, %scan3A_192 : i32
      %get3A_576 = arith.constant 10 : i32
      %get3A_577 = arith.constant 0 : i32
      %get3A_578 = arith.constant 0 : i32
      %get3A_579 = tpu.memref_slice %arg8[%scan3A_126, %get3A_577, %get3A_578] : memref<2x32x512xf32, #tpu.memory_space<vmem>> -> memref<1x32x512xf32, #tpu.memory_space<vmem>>
      %get3A_580 = tpu.memref_squeeze %get3A_579 : memref<1x32x512xf32, #tpu.memory_space<vmem>> -> memref<32x512xf32, #tpu.memory_space<vmem>>
      %get3A_581 = arith.index_cast %get3A_576 : i32 to index
      %get3A_582 = arith.index_cast %mul3A_575 : i32 to index
      %get3A_583 = tpu.vector_load %get3A_580[%get3A_581, %get3A_582] {strides = array<i32>} : memref<32x512xf32, #tpu.memory_space<vmem>>, vector<1x16xf32>,
      %get3A_584 = vector.shape_cast %get3A_583 : vector<1x16xf32> to vector<16xf32>
      %sub3A_585 = arith.subf %get3A_562, %get3A_573 : vector<16xf32>
      %abs3A_586 = math.absf %sub3A_585 : vector<16xf32>
      %mul3A_587 = arith.mulf %abs3A_586, %get3A_584 : vector<16xf32>
      %mul3A_588 = arith.constant 16 : i32
      %mul3A_589 = arith.muli %mul3A_588, %scan3A_192 : i32
      %get3A_590 = arith.constant 11 : i32
      %get3A_591 = arith.constant 0 : i32
      %get3A_592 = arith.constant 0 : i32
      %get3A_593 = tpu.memref_slice %arg6[%scan3A, %get3A_591, %get3A_592] : memref<2x32x512xf32, #tpu.memory_space<vmem>> -> memref<1x32x512xf32, #tpu.memory_space<vmem>>
      %get3A_594 = tpu.memref_squeeze %get3A_593 : memref<1x32x512xf32, #tpu.memory_space<vmem>> -> memref<32x512xf32, #tpu.memory_space<vmem>>
      %get3A_595 = arith.index_cast %get3A_590 : i32 to index
      %get3A_596 = arith.index_cast %mul3A_589 : i32 to index
      %get3A_597 = tpu.vector_load %get3A_594[%get3A_595, %get3A_596] {strides = array<i32>} : memref<32x512xf32, #tpu.memory_space<vmem>>, vector<1x16xf32>,
      %get3A_598 = vector.shape_cast %get3A_597 : vector<1x16xf32> to vector<16xf32>
      %mul3A_599 = arith.constant 16 : i32
      %mul3A_600 = arith.muli %mul3A_599, %scan3A_192 : i32
      %get3A_601 = arith.constant 11 : i32
      %get3A_602 = arith.constant 0 : i32
      %get3A_603 = arith.constant 0 : i32
      %get3A_604 = tpu.memref_slice %arg7[%scan3A_125, %get3A_602, %get3A_603] : memref<2x32x512xf32, #tpu.memory_space<vmem>> -> memref<1x32x512xf32, #tpu.memory_space<vmem>>
      %get3A_605 = tpu.memref_squeeze %get3A_604 : memref<1x32x512xf32, #tpu.memory_space<vmem>> -> memref<32x512xf32, #tpu.memory_space<vmem>>
      %get3A_606 = arith.index_cast %get3A_601 : i32 to index
      %get3A_607 = arith.index_cast %mul3A_600 : i32 to index
      %get3A_608 = tpu.vector_load %get3A_605[%get3A_606, %get3A_607] {strides = array<i32>} : memref<32x512xf32, #tpu.memory_space<vmem>>, vector<1x16xf32>,
      %get3A_609 = vector.shape_cast %get3A_608 : vector<1x16xf32> to vector<16xf32>
      %mul3A_610 = arith.constant 16 : i32
      %mul3A_611 = arith.muli %mul3A_610, %scan3A_192 : i32
      %get3A_612 = arith.constant 11 : i32
      %get3A_613 = arith.constant 0 : i32
      %get3A_614 = arith.constant 0 : i32
      %get3A_615 = tpu.memref_slice %arg8[%scan3A_126, %get3A_613, %get3A_614] : memref<2x32x512xf32, #tpu.memory_space<vmem>> -> memref<1x32x512xf32, #tpu.memory_space<vmem>>
      %get3A_616 = tpu.memref_squeeze %get3A_615 : memref<1x32x512xf32, #tpu.memory_space<vmem>> -> memref<32x512xf32, #tpu.memory_space<vmem>>
      %get3A_617 = arith.index_cast %get3A_612 : i32 to index
      %get3A_618 = arith.index_cast %mul3A_611 : i32 to index
      %get3A_619 = tpu.vector_load %get3A_616[%get3A_617, %get3A_618] {strides = array<i32>} : memref<32x512xf32, #tpu.memory_space<vmem>>, vector<1x16xf32>,
      %get3A_620 = vector.shape_cast %get3A_619 : vector<1x16xf32> to vector<16xf32>
      %sub3A_621 = arith.subf %get3A_598, %get3A_609 : vector<16xf32>
      %abs3A_622 = math.absf %sub3A_621 : vector<16xf32>
      %mul3A_623 = arith.mulf %abs3A_622, %get3A_620 : vector<16xf32>
      %mul3A_624 = arith.constant 16 : i32
      %mul3A_625 = arith.muli %mul3A_624, %scan3A_192 : i32
      %get3A_626 = arith.constant 12 : i32
      %get3A_627 = arith.constant 0 : i32
      %get3A_628 = arith.constant 0 : i32
      %get3A_629 = tpu.memref_slice %arg6[%scan3A, %get3A_627, %get3A_628] : memref<2x32x512xf32, #tpu.memory_space<vmem>> -> memref<1x32x512xf32, #tpu.memory_space<vmem>>
      %get3A_630 = tpu.memref_squeeze %get3A_629 : memref<1x32x512xf32, #tpu.memory_space<vmem>> -> memref<32x512xf32, #tpu.memory_space<vmem>>
      %get3A_631 = arith.index_cast %get3A_626 : i32 to index
      %get3A_632 = arith.index_cast %mul3A_625 : i32 to index
      %get3A_633 = tpu.vector_load %get3A_630[%get3A_631, %get3A_632] {strides = array<i32>} : memref<32x512xf32, #tpu.memory_space<vmem>>, vector<1x16xf32>,
      %get3A_634 = vector.shape_cast %get3A_633 : vector<1x16xf32> to vector<16xf32>
      %mul3A_635 = arith.constant 16 : i32
      %mul3A_636 = arith.muli %mul3A_635, %scan3A_192 : i32
      %get3A_637 = arith.constant 12 : i32
      %get3A_638 = arith.constant 0 : i32
      %get3A_639 = arith.constant 0 : i32
      %get3A_640 = tpu.memref_slice %arg7[%scan3A_125, %get3A_638, %get3A_639] : memref<2x32x512xf32, #tpu.memory_space<vmem>> -> memref<1x32x512xf32, #tpu.memory_space<vmem>>
      %get3A_641 = tpu.memref_squeeze %get3A_640 : memref<1x32x512xf32, #tpu.memory_space<vmem>> -> memref<32x512xf32, #tpu.memory_space<vmem>>
      %get3A_642 = arith.index_cast %get3A_637 : i32 to index
      %get3A_643 = arith.index_cast %mul3A_636 : i32 to index
      %get3A_644 = tpu.vector_load %get3A_641[%get3A_642, %get3A_643] {strides = array<i32>} : memref<32x512xf32, #tpu.memory_space<vmem>>, vector<1x16xf32>,
      %get3A_645 = vector.shape_cast %get3A_644 : vector<1x16xf32> to vector<16xf32>
      %mul3A_646 = arith.constant 16 : i32
      %mul3A_647 = arith.muli %mul3A_646, %scan3A_192 : i32
      %get3A_648 = arith.constant 12 : i32
      %get3A_649 = arith.constant 0 : i32
      %get3A_650 = arith.constant 0 : i32
      %get3A_651 = tpu.memref_slice %arg8[%scan3A_126, %get3A_649, %get3A_650] : memref<2x32x512xf32, #tpu.memory_space<vmem>> -> memref<1x32x512xf32, #tpu.memory_space<vmem>>
      %get3A_652 = tpu.memref_squeeze %get3A_651 : memref<1x32x512xf32, #tpu.memory_space<vmem>> -> memref<32x512xf32, #tpu.memory_space<vmem>>
      %get3A_653 = arith.index_cast %get3A_648 : i32 to index
      %get3A_654 = arith.index_cast %mul3A_647 : i32 to index
      %get3A_655 = tpu.vector_load %get3A_652[%get3A_653, %get3A_654] {strides = array<i32>} : memref<32x512xf32, #tpu.memory_space<vmem>>, vector<1x16xf32>,
      %get3A_656 = vector.shape_cast %get3A_655 : vector<1x16xf32> to vector<16xf32>
      %sub3A_657 = arith.subf %get3A_634, %get3A_645 : vector<16xf32>
      %abs3A_658 = math.absf %sub3A_657 : vector<16xf32>
      %mul3A_659 = arith.mulf %abs3A_658, %get3A_656 : vector<16xf32>
      %mul3A_660 = arith.constant 16 : i32
      %mul3A_661 = arith.muli %mul3A_660, %scan3A_192 : i32
      %get3A_662 = arith.constant 13 : i32
      %get3A_663 = arith.constant 0 : i32
      %get3A_664 = arith.constant 0 : i32
      %get3A_665 = tpu.memref_slice %arg6[%scan3A, %get3A_663, %get3A_664] : memref<2x32x512xf32, #tpu.memory_space<vmem>> -> memref<1x32x512xf32, #tpu.memory_space<vmem>>
      %get3A_666 = tpu.memref_squeeze %get3A_665 : memref<1x32x512xf32, #tpu.memory_space<vmem>> -> memref<32x512xf32, #tpu.memory_space<vmem>>
      %get3A_667 = arith.index_cast %get3A_662 : i32 to index
      %get3A_668 = arith.index_cast %mul3A_661 : i32 to index
      %get3A_669 = tpu.vector_load %get3A_666[%get3A_667, %get3A_668] {strides = array<i32>} : memref<32x512xf32, #tpu.memory_space<vmem>>, vector<1x16xf32>,
      %get3A_670 = vector.shape_cast %get3A_669 : vector<1x16xf32> to vector<16xf32>
      %mul3A_671 = arith.constant 16 : i32
      %mul3A_672 = arith.muli %mul3A_671, %scan3A_192 : i32
      %get3A_673 = arith.constant 13 : i32
      %get3A_674 = arith.constant 0 : i32
      %get3A_675 = arith.constant 0 : i32
      %get3A_676 = tpu.memref_slice %arg7[%scan3A_125, %get3A_674, %get3A_675] : memref<2x32x512xf32, #tpu.memory_space<vmem>> -> memref<1x32x512xf32, #tpu.memory_space<vmem>>
      %get3A_677 = tpu.memref_squeeze %get3A_676 : memref<1x32x512xf32, #tpu.memory_space<vmem>> -> memref<32x512xf32, #tpu.memory_space<vmem>>
      %get3A_678 = arith.index_cast %get3A_673 : i32 to index
      %get3A_679 = arith.index_cast %mul3A_672 : i32 to index
      %get3A_680 = tpu.vector_load %get3A_677[%get3A_678, %get3A_679] {strides = array<i32>} : memref<32x512xf32, #tpu.memory_space<vmem>>, vector<1x16xf32>,
      %get3A_681 = vector.shape_cast %get3A_680 : vector<1x16xf32> to vector<16xf32>
      %mul3A_682 = arith.constant 16 : i32
      %mul3A_683 = arith.muli %mul3A_682, %scan3A_192 : i32
      %get3A_684 = arith.constant 13 : i32
      %get3A_685 = arith.constant 0 : i32
      %get3A_686 = arith.constant 0 : i32
      %get3A_687 = tpu.memref_slice %arg8[%scan3A_126, %get3A_685, %get3A_686] : memref<2x32x512xf32, #tpu.memory_space<vmem>> -> memref<1x32x512xf32, #tpu.memory_space<vmem>>
      %get3A_688 = tpu.memref_squeeze %get3A_687 : memref<1x32x512xf32, #tpu.memory_space<vmem>> -> memref<32x512xf32, #tpu.memory_space<vmem>>
      %get3A_689 = arith.index_cast %get3A_684 : i32 to index
      %get3A_690 = arith.index_cast %mul3A_683 : i32 to index
      %get3A_691 = tpu.vector_load %get3A_688[%get3A_689, %get3A_690] {strides = array<i32>} : memref<32x512xf32, #tpu.memory_space<vmem>>, vector<1x16xf32>,
      %get3A_692 = vector.shape_cast %get3A_691 : vector<1x16xf32> to vector<16xf32>
      %sub3A_693 = arith.subf %get3A_670, %get3A_681 : vector<16xf32>
      %abs3A_694 = math.absf %sub3A_693 : vector<16xf32>
      %mul3A_695 = arith.mulf %abs3A_694, %get3A_692 : vector<16xf32>
      %mul3A_696 = arith.constant 16 : i32
      %mul3A_697 = arith.muli %mul3A_696, %scan3A_192 : i32
      %get3A_698 = arith.constant 14 : i32
      %get3A_699 = arith.constant 0 : i32
      %get3A_700 = arith.constant 0 : i32
      %get3A_701 = tpu.memref_slice %arg6[%scan3A, %get3A_699, %get3A_700] : memref<2x32x512xf32, #tpu.memory_space<vmem>> -> memref<1x32x512xf32, #tpu.memory_space<vmem>>
      %get3A_702 = tpu.memref_squeeze %get3A_701 : memref<1x32x512xf32, #tpu.memory_space<vmem>> -> memref<32x512xf32, #tpu.memory_space<vmem>>
      %get3A_703 = arith.index_cast %get3A_698 : i32 to index
      %get3A_704 = arith.index_cast %mul3A_697 : i32 to index
      %get3A_705 = tpu.vector_load %get3A_702[%get3A_703, %get3A_704] {strides = array<i32>} : memref<32x512xf32, #tpu.memory_space<vmem>>, vector<1x16xf32>,
      %get3A_706 = vector.shape_cast %get3A_705 : vector<1x16xf32> to vector<16xf32>
      %mul3A_707 = arith.constant 16 : i32
      %mul3A_708 = arith.muli %mul3A_707, %scan3A_192 : i32
      %get3A_709 = arith.constant 14 : i32
      %get3A_710 = arith.constant 0 : i32
      %get3A_711 = arith.constant 0 : i32
      %get3A_712 = tpu.memref_slice %arg7[%scan3A_125, %get3A_710, %get3A_711] : memref<2x32x512xf32, #tpu.memory_space<vmem>> -> memref<1x32x512xf32, #tpu.memory_space<vmem>>
      %get3A_713 = tpu.memref_squeeze %get3A_712 : memref<1x32x512xf32, #tpu.memory_space<vmem>> -> memref<32x512xf32, #tpu.memory_space<vmem>>
      %get3A_714 = arith.index_cast %get3A_709 : i32 to index
      %get3A_715 = arith.index_cast %mul3A_708 : i32 to index
      %get3A_716 = tpu.vector_load %get3A_713[%get3A_714, %get3A_715] {strides = array<i32>} : memref<32x512xf32, #tpu.memory_space<vmem>>, vector<1x16xf32>,
      %get3A_717 = vector.shape_cast %get3A_716 : vector<1x16xf32> to vector<16xf32>
      %mul3A_718 = arith.constant 16 : i32
      %mul3A_719 = arith.muli %mul3A_718, %scan3A_192 : i32
      %get3A_720 = arith.constant 14 : i32
      %get3A_721 = arith.constant 0 : i32
      %get3A_722 = arith.constant 0 : i32
      %get3A_723 = tpu.memref_slice %arg8[%scan3A_126, %get3A_721, %get3A_722] : memref<2x32x512xf32, #tpu.memory_space<vmem>> -> memref<1x32x512xf32, #tpu.memory_space<vmem>>
      %get3A_724 = tpu.memref_squeeze %get3A_723 : memref<1x32x512xf32, #tpu.memory_space<vmem>> -> memref<32x512xf32, #tpu.memory_space<vmem>>
      %get3A_725 = arith.index_cast %get3A_720 : i32 to index
      %get3A_726 = arith.index_cast %mul3A_719 : i32 to index
      %get3A_727 = tpu.vector_load %get3A_724[%get3A_725, %get3A_726] {strides = array<i32>} : memref<32x512xf32, #tpu.memory_space<vmem>>, vector<1x16xf32>,
      %get3A_728 = vector.shape_cast %get3A_727 : vector<1x16xf32> to vector<16xf32>
      %sub3A_729 = arith.subf %get3A_706, %get3A_717 : vector<16xf32>
      %abs3A_730 = math.absf %sub3A_729 : vector<16xf32>
      %mul3A_731 = arith.mulf %abs3A_730, %get3A_728 : vector<16xf32>
      %mul3A_732 = arith.constant 16 : i32
      %mul3A_733 = arith.muli %mul3A_732, %scan3A_192 : i32
      %get3A_734 = arith.constant 15 : i32
      %get3A_735 = arith.constant 0 : i32
      %get3A_736 = arith.constant 0 : i32
      %get3A_737 = tpu.memref_slice %arg6[%scan3A, %get3A_735, %get3A_736] : memref<2x32x512xf32, #tpu.memory_space<vmem>> -> memref<1x32x512xf32, #tpu.memory_space<vmem>>
      %get3A_738 = tpu.memref_squeeze %get3A_737 : memref<1x32x512xf32, #tpu.memory_space<vmem>> -> memref<32x512xf32, #tpu.memory_space<vmem>>
      %get3A_739 = arith.index_cast %get3A_734 : i32 to index
      %get3A_740 = arith.index_cast %mul3A_733 : i32 to index
      %get3A_741 = tpu.vector_load %get3A_738[%get3A_739, %get3A_740] {strides = array<i32>} : memref<32x512xf32, #tpu.memory_space<vmem>>, vector<1x16xf32>,
      %get3A_742 = vector.shape_cast %get3A_741 : vector<1x16xf32> to vector<16xf32>
      %mul3A_743 = arith.constant 16 : i32
      %mul3A_744 = arith.muli %mul3A_743, %scan3A_192 : i32
      %get3A_745 = arith.constant 15 : i32
      %get3A_746 = arith.constant 0 : i32
      %get3A_747 = arith.constant 0 : i32
      %get3A_748 = tpu.memref_slice %arg7[%scan3A_125, %get3A_746, %get3A_747] : memref<2x32x512xf32, #tpu.memory_space<vmem>> -> memref<1x32x512xf32, #tpu.memory_space<vmem>>
      %get3A_749 = tpu.memref_squeeze %get3A_748 : memref<1x32x512xf32, #tpu.memory_space<vmem>> -> memref<32x512xf32, #tpu.memory_space<vmem>>
      %get3A_750 = arith.index_cast %get3A_745 : i32 to index
      %get3A_751 = arith.index_cast %mul3A_744 : i32 to index
      %get3A_752 = tpu.vector_load %get3A_749[%get3A_750, %get3A_751] {strides = array<i32>} : memref<32x512xf32, #tpu.memory_space<vmem>>, vector<1x16xf32>,
      %get3A_753 = vector.shape_cast %get3A_752 : vector<1x16xf32> to vector<16xf32>
      %mul3A_754 = arith.constant 16 : i32
      %mul3A_755 = arith.muli %mul3A_754, %scan3A_192 : i32
      %get3A_756 = arith.constant 15 : i32
      %get3A_757 = arith.constant 0 : i32
      %get3A_758 = arith.constant 0 : i32
      %get3A_759 = tpu.memref_slice %arg8[%scan3A_126, %get3A_757, %get3A_758] : memref<2x32x512xf32, #tpu.memory_space<vmem>> -> memref<1x32x512xf32, #tpu.memory_space<vmem>>
      %get3A_760 = tpu.memref_squeeze %get3A_759 : memref<1x32x512xf32, #tpu.memory_space<vmem>> -> memref<32x512xf32, #tpu.memory_space<vmem>>
      %get3A_761 = arith.index_cast %get3A_756 : i32 to index
      %get3A_762 = arith.index_cast %mul3A_755 : i32 to index
      %get3A_763 = tpu.vector_load %get3A_760[%get3A_761, %get3A_762] {strides = array<i32>} : memref<32x512xf32, #tpu.memory_space<vmem>>, vector<1x16xf32>,
      %get3A_764 = vector.shape_cast %get3A_763 : vector<1x16xf32> to vector<16xf32>
      %sub3A_765 = arith.subf %get3A_742, %get3A_753 : vector<16xf32>
      %abs3A_766 = math.absf %sub3A_765 : vector<16xf32>
      %mul3A_767 = arith.mulf %abs3A_766, %get3A_764 : vector<16xf32>
      %mul3A_768 = arith.constant 16 : i32
      %mul3A_769 = arith.muli %mul3A_768, %scan3A_192 : i32
      %get3A_770 = arith.constant 16 : i32
      %get3A_771 = arith.constant 0 : i32
      %get3A_772 = arith.constant 0 : i32
      %get3A_773 = tpu.memref_slice %arg6[%scan3A, %get3A_771, %get3A_772] : memref<2x32x512xf32, #tpu.memory_space<vmem>> -> memref<1x32x512xf32, #tpu.memory_space<vmem>>
      %get3A_774 = tpu.memref_squeeze %get3A_773 : memref<1x32x512xf32, #tpu.memory_space<vmem>> -> memref<32x512xf32, #tpu.memory_space<vmem>>
      %get3A_775 = arith.index_cast %get3A_770 : i32 to index
      %get3A_776 = arith.index_cast %mul3A_769 : i32 to index
      %get3A_777 = tpu.vector_load %get3A_774[%get3A_775, %get3A_776] {strides = array<i32>} : memref<32x512xf32, #tpu.memory_space<vmem>>, vector<1x16xf32>,
      %get3A_778 = vector.shape_cast %get3A_777 : vector<1x16xf32> to vector<16xf32>
      %mul3A_779 = arith.constant 16 : i32
      %mul3A_780 = arith.muli %mul3A_779, %scan3A_192 : i32
      %get3A_781 = arith.constant 16 : i32
      %get3A_782 = arith.constant 0 : i32
      %get3A_783 = arith.constant 0 : i32
      %get3A_784 = tpu.memref_slice %arg7[%scan3A_125, %get3A_782, %get3A_783] : memref<2x32x512xf32, #tpu.memory_space<vmem>> -> memref<1x32x512xf32, #tpu.memory_space<vmem>>
      %get3A_785 = tpu.memref_squeeze %get3A_784 : memref<1x32x512xf32, #tpu.memory_space<vmem>> -> memref<32x512xf32, #tpu.memory_space<vmem>>
      %get3A_786 = arith.index_cast %get3A_781 : i32 to index
      %get3A_787 = arith.index_cast %mul3A_780 : i32 to index
      %get3A_788 = tpu.vector_load %get3A_785[%get3A_786, %get3A_787] {strides = array<i32>} : memref<32x512xf32, #tpu.memory_space<vmem>>, vector<1x16xf32>,
      %get3A_789 = vector.shape_cast %get3A_788 : vector<1x16xf32> to vector<16xf32>
      %mul3A_790 = arith.constant 16 : i32
      %mul3A_791 = arith.muli %mul3A_790, %scan3A_192 : i32
      %get3A_792 = arith.constant 16 : i32
      %get3A_793 = arith.constant 0 : i32
      %get3A_794 = arith.constant 0 : i32
      %get3A_795 = tpu.memref_slice %arg8[%scan3A_126, %get3A_793, %get3A_794] : memref<2x32x512xf32, #tpu.memory_space<vmem>> -> memref<1x32x512xf32, #tpu.memory_space<vmem>>
      %get3A_796 = tpu.memref_squeeze %get3A_795 : memref<1x32x512xf32, #tpu.memory_space<vmem>> -> memref<32x512xf32, #tpu.memory_space<vmem>>
      %get3A_797 = arith.index_cast %get3A_792 : i32 to index
      %get3A_798 = arith.index_cast %mul3A_791 : i32 to index
      %get3A_799 = tpu.vector_load %get3A_796[%get3A_797, %get3A_798] {strides = array<i32>} : memref<32x512xf32, #tpu.memory_space<vmem>>, vector<1x16xf32>,
      %get3A_800 = vector.shape_cast %get3A_799 : vector<1x16xf32> to vector<16xf32>
      %sub3A_801 = arith.subf %get3A_778, %get3A_789 : vector<16xf32>
      %abs3A_802 = math.absf %sub3A_801 : vector<16xf32>
      %mul3A_803 = arith.mulf %abs3A_802, %get3A_800 : vector<16xf32>
      %mul3A_804 = arith.constant 16 : i32
      %mul3A_805 = arith.muli %mul3A_804, %scan3A_192 : i32
      %get3A_806 = arith.constant 17 : i32
      %get3A_807 = arith.constant 0 : i32
      %get3A_808 = arith.constant 0 : i32
      %get3A_809 = tpu.memref_slice %arg6[%scan3A, %get3A_807, %get3A_808] : memref<2x32x512xf32, #tpu.memory_space<vmem>> -> memref<1x32x512xf32, #tpu.memory_space<vmem>>
      %get3A_810 = tpu.memref_squeeze %get3A_809 : memref<1x32x512xf32, #tpu.memory_space<vmem>> -> memref<32x512xf32, #tpu.memory_space<vmem>>
      %get3A_811 = arith.index_cast %get3A_806 : i32 to index
      %get3A_812 = arith.index_cast %mul3A_805 : i32 to index
      %get3A_813 = tpu.vector_load %get3A_810[%get3A_811, %get3A_812] {strides = array<i32>} : memref<32x512xf32, #tpu.memory_space<vmem>>, vector<1x16xf32>,
      %get3A_814 = vector.shape_cast %get3A_813 : vector<1x16xf32> to vector<16xf32>
      %mul3A_815 = arith.constant 16 : i32
      %mul3A_816 = arith.muli %mul3A_815, %scan3A_192 : i32
      %get3A_817 = arith.constant 17 : i32
      %get3A_818 = arith.constant 0 : i32
      %get3A_819 = arith.constant 0 : i32
      %get3A_820 = tpu.memref_slice %arg7[%scan3A_125, %get3A_818, %get3A_819] : memref<2x32x512xf32, #tpu.memory_space<vmem>> -> memref<1x32x512xf32, #tpu.memory_space<vmem>>
      %get3A_821 = tpu.memref_squeeze %get3A_820 : memref<1x32x512xf32, #tpu.memory_space<vmem>> -> memref<32x512xf32, #tpu.memory_space<vmem>>
      %get3A_822 = arith.index_cast %get3A_817 : i32 to index
      %get3A_823 = arith.index_cast %mul3A_816 : i32 to index
      %get3A_824 = tpu.vector_load %get3A_821[%get3A_822, %get3A_823] {strides = array<i32>} : memref<32x512xf32, #tpu.memory_space<vmem>>, vector<1x16xf32>,
      %get3A_825 = vector.shape_cast %get3A_824 : vector<1x16xf32> to vector<16xf32>
      %mul3A_826 = arith.constant 16 : i32
      %mul3A_827 = arith.muli %mul3A_826, %scan3A_192 : i32
      %get3A_828 = arith.constant 17 : i32
      %get3A_829 = arith.constant 0 : i32
      %get3A_830 = arith.constant 0 : i32
      %get3A_831 = tpu.memref_slice %arg8[%scan3A_126, %get3A_829, %get3A_830] : memref<2x32x512xf32, #tpu.memory_space<vmem>> -> memref<1x32x512xf32, #tpu.memory_space<vmem>>
      %get3A_832 = tpu.memref_squeeze %get3A_831 : memref<1x32x512xf32, #tpu.memory_space<vmem>> -> memref<32x512xf32, #tpu.memory_space<vmem>>
      %get3A_833 = arith.index_cast %get3A_828 : i32 to index
      %get3A_834 = arith.index_cast %mul3A_827 : i32 to index
      %get3A_835 = tpu.vector_load %get3A_832[%get3A_833, %get3A_834] {strides = array<i32>} : memref<32x512xf32, #tpu.memory_space<vmem>>, vector<1x16xf32>,
      %get3A_836 = vector.shape_cast %get3A_835 : vector<1x16xf32> to vector<16xf32>
      %sub3A_837 = arith.subf %get3A_814, %get3A_825 : vector<16xf32>
      %abs3A_838 = math.absf %sub3A_837 : vector<16xf32>
      %mul3A_839 = arith.mulf %abs3A_838, %get3A_836 : vector<16xf32>
      %mul3A_840 = arith.constant 16 : i32
      %mul3A_841 = arith.muli %mul3A_840, %scan3A_192 : i32
      %get3A_842 = arith.constant 18 : i32
      %get3A_843 = arith.constant 0 : i32
      %get3A_844 = arith.constant 0 : i32
      %get3A_845 = tpu.memref_slice %arg6[%scan3A, %get3A_843, %get3A_844] : memref<2x32x512xf32, #tpu.memory_space<vmem>> -> memref<1x32x512xf32, #tpu.memory_space<vmem>>
      %get3A_846 = tpu.memref_squeeze %get3A_845 : memref<1x32x512xf32, #tpu.memory_space<vmem>> -> memref<32x512xf32, #tpu.memory_space<vmem>>
      %get3A_847 = arith.index_cast %get3A_842 : i32 to index
      %get3A_848 = arith.index_cast %mul3A_841 : i32 to index
      %get3A_849 = tpu.vector_load %get3A_846[%get3A_847, %get3A_848] {strides = array<i32>} : memref<32x512xf32, #tpu.memory_space<vmem>>, vector<1x16xf32>,
      %get3A_850 = vector.shape_cast %get3A_849 : vector<1x16xf32> to vector<16xf32>
      %mul3A_851 = arith.constant 16 : i32
      %mul3A_852 = arith.muli %mul3A_851, %scan3A_192 : i32
      %get3A_853 = arith.constant 18 : i32
      %get3A_854 = arith.constant 0 : i32
      %get3A_855 = arith.constant 0 : i32
      %get3A_856 = tpu.memref_slice %arg7[%scan3A_125, %get3A_854, %get3A_855] : memref<2x32x512xf32, #tpu.memory_space<vmem>> -> memref<1x32x512xf32, #tpu.memory_space<vmem>>
      %get3A_857 = tpu.memref_squeeze %get3A_856 : memref<1x32x512xf32, #tpu.memory_space<vmem>> -> memref<32x512xf32, #tpu.memory_space<vmem>>
      %get3A_858 = arith.index_cast %get3A_853 : i32 to index
      %get3A_859 = arith.index_cast %mul3A_852 : i32 to index
      %get3A_860 = tpu.vector_load %get3A_857[%get3A_858, %get3A_859] {strides = array<i32>} : memref<32x512xf32, #tpu.memory_space<vmem>>, vector<1x16xf32>,
      %get3A_861 = vector.shape_cast %get3A_860 : vector<1x16xf32> to vector<16xf32>
      %mul3A_862 = arith.constant 16 : i32
      %mul3A_863 = arith.muli %mul3A_862, %scan3A_192 : i32
      %get3A_864 = arith.constant 18 : i32
      %get3A_865 = arith.constant 0 : i32
      %get3A_866 = arith.constant 0 : i32
      %get3A_867 = tpu.memref_slice %arg8[%scan3A_126, %get3A_865, %get3A_866] : memref<2x32x512xf32, #tpu.memory_space<vmem>> -> memref<1x32x512xf32, #tpu.memory_space<vmem>>
      %get3A_868 = tpu.memref_squeeze %get3A_867 : memref<1x32x512xf32, #tpu.memory_space<vmem>> -> memref<32x512xf32, #tpu.memory_space<vmem>>
      %get3A_869 = arith.index_cast %get3A_864 : i32 to index
      %get3A_870 = arith.index_cast %mul3A_863 : i32 to index
      %get3A_871 = tpu.vector_load %get3A_868[%get3A_869, %get3A_870] {strides = array<i32>} : memref<32x512xf32, #tpu.memory_space<vmem>>, vector<1x16xf32>,
      %get3A_872 = vector.shape_cast %get3A_871 : vector<1x16xf32> to vector<16xf32>
      %sub3A_873 = arith.subf %get3A_850, %get3A_861 : vector<16xf32>
      %abs3A_874 = math.absf %sub3A_873 : vector<16xf32>
      %mul3A_875 = arith.mulf %abs3A_874, %get3A_872 : vector<16xf32>
      %mul3A_876 = arith.constant 16 : i32
      %mul3A_877 = arith.muli %mul3A_876, %scan3A_192 : i32
      %get3A_878 = arith.constant 19 : i32
      %get3A_879 = arith.constant 0 : i32
      %get3A_880 = arith.constant 0 : i32
      %get3A_881 = tpu.memref_slice %arg6[%scan3A, %get3A_879, %get3A_880] : memref<2x32x512xf32, #tpu.memory_space<vmem>> -> memref<1x32x512xf32, #tpu.memory_space<vmem>>
      %get3A_882 = tpu.memref_squeeze %get3A_881 : memref<1x32x512xf32, #tpu.memory_space<vmem>> -> memref<32x512xf32, #tpu.memory_space<vmem>>
      %get3A_883 = arith.index_cast %get3A_878 : i32 to index
      %get3A_884 = arith.index_cast %mul3A_877 : i32 to index
      %get3A_885 = tpu.vector_load %get3A_882[%get3A_883, %get3A_884] {strides = array<i32>} : memref<32x512xf32, #tpu.memory_space<vmem>>, vector<1x16xf32>,
      %get3A_886 = vector.shape_cast %get3A_885 : vector<1x16xf32> to vector<16xf32>
      %mul3A_887 = arith.constant 16 : i32
      %mul3A_888 = arith.muli %mul3A_887, %scan3A_192 : i32
      %get3A_889 = arith.constant 19 : i32
      %get3A_890 = arith.constant 0 : i32
      %get3A_891 = arith.constant 0 : i32
      %get3A_892 = tpu.memref_slice %arg7[%scan3A_125, %get3A_890, %get3A_891] : memref<2x32x512xf32, #tpu.memory_space<vmem>> -> memref<1x32x512xf32, #tpu.memory_space<vmem>>
      %get3A_893 = tpu.memref_squeeze %get3A_892 : memref<1x32x512xf32, #tpu.memory_space<vmem>> -> memref<32x512xf32, #tpu.memory_space<vmem>>
      %get3A_894 = arith.index_cast %get3A_889 : i32 to index
      %get3A_895 = arith.index_cast %mul3A_888 : i32 to index
      %get3A_896 = tpu.vector_load %get3A_893[%get3A_894, %get3A_895] {strides = array<i32>} : memref<32x512xf32, #tpu.memory_space<vmem>>, vector<1x16xf32>,
      %get3A_897 = vector.shape_cast %get3A_896 : vector<1x16xf32> to vector<16xf32>
      %mul3A_898 = arith.constant 16 : i32
      %mul3A_899 = arith.muli %mul3A_898, %scan3A_192 : i32
      %get3A_900 = arith.constant 19 : i32
      %get3A_901 = arith.constant 0 : i32
      %get3A_902 = arith.constant 0 : i32
      %get3A_903 = tpu.memref_slice %arg8[%scan3A_126, %get3A_901, %get3A_902] : memref<2x32x512xf32, #tpu.memory_space<vmem>> -> memref<1x32x512xf32, #tpu.memory_space<vmem>>
      %get3A_904 = tpu.memref_squeeze %get3A_903 : memref<1x32x512xf32, #tpu.memory_space<vmem>> -> memref<32x512xf32, #tpu.memory_space<vmem>>
      %get3A_905 = arith.index_cast %get3A_900 : i32 to index
      %get3A_906 = arith.index_cast %mul3A_899 : i32 to index
      %get3A_907 = tpu.vector_load %get3A_904[%get3A_905, %get3A_906] {strides = array<i32>} : memref<32x512xf32, #tpu.memory_space<vmem>>, vector<1x16xf32>,
      %get3A_908 = vector.shape_cast %get3A_907 : vector<1x16xf32> to vector<16xf32>
      %sub3A_909 = arith.subf %get3A_886, %get3A_897 : vector<16xf32>
      %abs3A_910 = math.absf %sub3A_909 : vector<16xf32>
      %mul3A_911 = arith.mulf %abs3A_910, %get3A_908 : vector<16xf32>
      %mul3A_912 = arith.constant 16 : i32
      %mul3A_913 = arith.muli %mul3A_912, %scan3A_192 : i32
      %get3A_914 = arith.constant 20 : i32
      %get3A_915 = arith.constant 0 : i32
      %get3A_916 = arith.constant 0 : i32
      %get3A_917 = tpu.memref_slice %arg6[%scan3A, %get3A_915, %get3A_916] : memref<2x32x512xf32, #tpu.memory_space<vmem>> -> memref<1x32x512xf32, #tpu.memory_space<vmem>>
      %get3A_918 = tpu.memref_squeeze %get3A_917 : memref<1x32x512xf32, #tpu.memory_space<vmem>> -> memref<32x512xf32, #tpu.memory_space<vmem>>
      %get3A_919 = arith.index_cast %get3A_914 : i32 to index
      %get3A_920 = arith.index_cast %mul3A_913 : i32 to index
      %get3A_921 = tpu.vector_load %get3A_918[%get3A_919, %get3A_920] {strides = array<i32>} : memref<32x512xf32, #tpu.memory_space<vmem>>, vector<1x16xf32>,
      %get3A_922 = vector.shape_cast %get3A_921 : vector<1x16xf32> to vector<16xf32>
      %mul3A_923 = arith.constant 16 : i32
      %mul3A_924 = arith.muli %mul3A_923, %scan3A_192 : i32
      %get3A_925 = arith.constant 20 : i32
      %get3A_926 = arith.constant 0 : i32
      %get3A_927 = arith.constant 0 : i32
      %get3A_928 = tpu.memref_slice %arg7[%scan3A_125, %get3A_926, %get3A_927] : memref<2x32x512xf32, #tpu.memory_space<vmem>> -> memref<1x32x512xf32, #tpu.memory_space<vmem>>
      %get3A_929 = tpu.memref_squeeze %get3A_928 : memref<1x32x512xf32, #tpu.memory_space<vmem>> -> memref<32x512xf32, #tpu.memory_space<vmem>>
      %get3A_930 = arith.index_cast %get3A_925 : i32 to index
      %get3A_931 = arith.index_cast %mul3A_924 : i32 to index
      %get3A_932 = tpu.vector_load %get3A_929[%get3A_930, %get3A_931] {strides = array<i32>} : memref<32x512xf32, #tpu.memory_space<vmem>>, vector<1x16xf32>,
      %get3A_933 = vector.shape_cast %get3A_932 : vector<1x16xf32> to vector<16xf32>
      %mul3A_934 = arith.constant 16 : i32
      %mul3A_935 = arith.muli %mul3A_934, %scan3A_192 : i32
      %get3A_936 = arith.constant 20 : i32
      %get3A_937 = arith.constant 0 : i32
      %get3A_938 = arith.constant 0 : i32
      %get3A_939 = tpu.memref_slice %arg8[%scan3A_126, %get3A_937, %get3A_938] : memref<2x32x512xf32, #tpu.memory_space<vmem>> -> memref<1x32x512xf32, #tpu.memory_space<vmem>>
      %get3A_940 = tpu.memref_squeeze %get3A_939 : memref<1x32x512xf32, #tpu.memory_space<vmem>> -> memref<32x512xf32, #tpu.memory_space<vmem>>
      %get3A_941 = arith.index_cast %get3A_936 : i32 to index
      %get3A_942 = arith.index_cast %mul3A_935 : i32 to index
      %get3A_943 = tpu.vector_load %get3A_940[%get3A_941, %get3A_942] {strides = array<i32>} : memref<32x512xf32, #tpu.memory_space<vmem>>, vector<1x16xf32>,
      %get3A_944 = vector.shape_cast %get3A_943 : vector<1x16xf32> to vector<16xf32>
      %sub3A_945 = arith.subf %get3A_922, %get3A_933 : vector<16xf32>
      %abs3A_946 = math.absf %sub3A_945 : vector<16xf32>
      %mul3A_947 = arith.mulf %abs3A_946, %get3A_944 : vector<16xf32>
      %mul3A_948 = arith.constant 16 : i32
      %mul3A_949 = arith.muli %mul3A_948, %scan3A_192 : i32
      %get3A_950 = arith.constant 21 : i32
      %get3A_951 = arith.constant 0 : i32
      %get3A_952 = arith.constant 0 : i32
      %get3A_953 = tpu.memref_slice %arg6[%scan3A, %get3A_951, %get3A_952] : memref<2x32x512xf32, #tpu.memory_space<vmem>> -> memref<1x32x512xf32, #tpu.memory_space<vmem>>
      %get3A_954 = tpu.memref_squeeze %get3A_953 : memref<1x32x512xf32, #tpu.memory_space<vmem>> -> memref<32x512xf32, #tpu.memory_space<vmem>>
      %get3A_955 = arith.index_cast %get3A_950 : i32 to index
      %get3A_956 = arith.index_cast %mul3A_949 : i32 to index
      %get3A_957 = tpu.vector_load %get3A_954[%get3A_955, %get3A_956] {strides = array<i32>} : memref<32x512xf32, #tpu.memory_space<vmem>>, vector<1x16xf32>,
      %get3A_958 = vector.shape_cast %get3A_957 : vector<1x16xf32> to vector<16xf32>
      %mul3A_959 = arith.constant 16 : i32
      %mul3A_960 = arith.muli %mul3A_959, %scan3A_192 : i32
      %get3A_961 = arith.constant 21 : i32
      %get3A_962 = arith.constant 0 : i32
      %get3A_963 = arith.constant 0 : i32
      %get3A_964 = tpu.memref_slice %arg7[%scan3A_125, %get3A_962, %get3A_963] : memref<2x32x512xf32, #tpu.memory_space<vmem>> -> memref<1x32x512xf32, #tpu.memory_space<vmem>>
      %get3A_965 = tpu.memref_squeeze %get3A_964 : memref<1x32x512xf32, #tpu.memory_space<vmem>> -> memref<32x512xf32, #tpu.memory_space<vmem>>
      %get3A_966 = arith.index_cast %get3A_961 : i32 to index
      %get3A_967 = arith.index_cast %mul3A_960 : i32 to index
      %get3A_968 = tpu.vector_load %get3A_965[%get3A_966, %get3A_967] {strides = array<i32>} : memref<32x512xf32, #tpu.memory_space<vmem>>, vector<1x16xf32>,
      %get3A_969 = vector.shape_cast %get3A_968 : vector<1x16xf32> to vector<16xf32>
      %mul3A_970 = arith.constant 16 : i32
      %mul3A_971 = arith.muli %mul3A_970, %scan3A_192 : i32
      %get3A_972 = arith.constant 21 : i32
      %get3A_973 = arith.constant 0 : i32
      %get3A_974 = arith.constant 0 : i32
      %get3A_975 = tpu.memref_slice %arg8[%scan3A_126, %get3A_973, %get3A_974] : memref<2x32x512xf32, #tpu.memory_space<vmem>> -> memref<1x32x512xf32, #tpu.memory_space<vmem>>
      %get3A_976 = tpu.memref_squeeze %get3A_975 : memref<1x32x512xf32, #tpu.memory_space<vmem>> -> memref<32x512xf32, #tpu.memory_space<vmem>>
      %get3A_977 = arith.index_cast %get3A_972 : i32 to index
      %get3A_978 = arith.index_cast %mul3A_971 : i32 to index
      %get3A_979 = tpu.vector_load %get3A_976[%get3A_977, %get3A_978] {strides = array<i32>} : memref<32x512xf32, #tpu.memory_space<vmem>>, vector<1x16xf32>,
      %get3A_980 = vector.shape_cast %get3A_979 : vector<1x16xf32> to vector<16xf32>
      %sub3A_981 = arith.subf %get3A_958, %get3A_969 : vector<16xf32>
      %abs3A_982 = math.absf %sub3A_981 : vector<16xf32>
      %mul3A_983 = arith.mulf %abs3A_982, %get3A_980 : vector<16xf32>
      %mul3A_984 = arith.constant 16 : i32
      %mul3A_985 = arith.muli %mul3A_984, %scan3A_192 : i32
      %get3A_986 = arith.constant 22 : i32
      %get3A_987 = arith.constant 0 : i32
      %get3A_988 = arith.constant 0 : i32
      %get3A_989 = tpu.memref_slice %arg6[%scan3A, %get3A_987, %get3A_988] : memref<2x32x512xf32, #tpu.memory_space<vmem>> -> memref<1x32x512xf32, #tpu.memory_space<vmem>>
      %get3A_990 = tpu.memref_squeeze %get3A_989 : memref<1x32x512xf32, #tpu.memory_space<vmem>> -> memref<32x512xf32, #tpu.memory_space<vmem>>
      %get3A_991 = arith.index_cast %get3A_986 : i32 to index
      %get3A_992 = arith.index_cast %mul3A_985 : i32 to index
      %get3A_993 = tpu.vector_load %get3A_990[%get3A_991, %get3A_992] {strides = array<i32>} : memref<32x512xf32, #tpu.memory_space<vmem>>, vector<1x16xf32>,
      %get3A_994 = vector.shape_cast %get3A_993 : vector<1x16xf32> to vector<16xf32>
      %mul3A_995 = arith.constant 16 : i32
      %mul3A_996 = arith.muli %mul3A_995, %scan3A_192 : i32
      %get3A_997 = arith.constant 22 : i32
      %get3A_998 = arith.constant 0 : i32
      %get3A_999 = arith.constant 0 : i32
      %get3A_1000 = tpu.memref_slice %arg7[%scan3A_125, %get3A_998, %get3A_999] : memref<2x32x512xf32, #tpu.memory_space<vmem>> -> memref<1x32x512xf32, #tpu.memory_space<vmem>>
      %get3A_1001 = tpu.memref_squeeze %get3A_1000 : memref<1x32x512xf32, #tpu.memory_space<vmem>> -> memref<32x512xf32, #tpu.memory_space<vmem>>
      %get3A_1002 = arith.index_cast %get3A_997 : i32 to index
      %get3A_1003 = arith.index_cast %mul3A_996 : i32 to index
      %get3A_1004 = tpu.vector_load %get3A_1001[%get3A_1002, %get3A_1003] {strides = array<i32>} : memref<32x512xf32, #tpu.memory_space<vmem>>, vector<1x16xf32>,
      %get3A_1005 = vector.shape_cast %get3A_1004 : vector<1x16xf32> to vector<16xf32>
      %mul3A_1006 = arith.constant 16 : i32
      %mul3A_1007 = arith.muli %mul3A_1006, %scan3A_192 : i32
      %get3A_1008 = arith.constant 22 : i32
      %get3A_1009 = arith.constant 0 : i32
      %get3A_1010 = arith.constant 0 : i32
      %get3A_1011 = tpu.memref_slice %arg8[%scan3A_126, %get3A_1009, %get3A_1010] : memref<2x32x512xf32, #tpu.memory_space<vmem>> -> memref<1x32x512xf32, #tpu.memory_space<vmem>>
      %get3A_1012 = tpu.memref_squeeze %get3A_1011 : memref<1x32x512xf32, #tpu.memory_space<vmem>> -> memref<32x512xf32, #tpu.memory_space<vmem>>
      %get3A_1013 = arith.index_cast %get3A_1008 : i32 to index
      %get3A_1014 = arith.index_cast %mul3A_1007 : i32 to index
      %get3A_1015 = tpu.vector_load %get3A_1012[%get3A_1013, %get3A_1014] {strides = array<i32>} : memref<32x512xf32, #tpu.memory_space<vmem>>, vector<1x16xf32>,
      %get3A_1016 = vector.shape_cast %get3A_1015 : vector<1x16xf32> to vector<16xf32>
      %sub3A_1017 = arith.subf %get3A_994, %get3A_1005 : vector<16xf32>
      %abs3A_1018 = math.absf %sub3A_1017 : vector<16xf32>
      %mul3A_1019 = arith.mulf %abs3A_1018, %get3A_1016 : vector<16xf32>
      %mul3A_1020 = arith.constant 16 : i32
      %mul3A_1021 = arith.muli %mul3A_1020, %scan3A_192 : i32
      %get3A_1022 = arith.constant 23 : i32
      %get3A_1023 = arith.constant 0 : i32
      %get3A_1024 = arith.constant 0 : i32
      %get3A_1025 = tpu.memref_slice %arg6[%scan3A, %get3A_1023, %get3A_1024] : memref<2x32x512xf32, #tpu.memory_space<vmem>> -> memref<1x32x512xf32, #tpu.memory_space<vmem>>
      %get3A_1026 = tpu.memref_squeeze %get3A_1025 : memref<1x32x512xf32, #tpu.memory_space<vmem>> -> memref<32x512xf32, #tpu.memory_space<vmem>>
      %get3A_1027 = arith.index_cast %get3A_1022 : i32 to index
      %get3A_1028 = arith.index_cast %mul3A_1021 : i32 to index
      %get3A_1029 = tpu.vector_load %get3A_1026[%get3A_1027, %get3A_1028] {strides = array<i32>} : memref<32x512xf32, #tpu.memory_space<vmem>>, vector<1x16xf32>,
      %get3A_1030 = vector.shape_cast %get3A_1029 : vector<1x16xf32> to vector<16xf32>
      %mul3A_1031 = arith.constant 16 : i32
      %mul3A_1032 = arith.muli %mul3A_1031, %scan3A_192 : i32
      %get3A_1033 = arith.constant 23 : i32
      %get3A_1034 = arith.constant 0 : i32
      %get3A_1035 = arith.constant 0 : i32
      %get3A_1036 = tpu.memref_slice %arg7[%scan3A_125, %get3A_1034, %get3A_1035] : memref<2x32x512xf32, #tpu.memory_space<vmem>> -> memref<1x32x512xf32, #tpu.memory_space<vmem>>
      %get3A_1037 = tpu.memref_squeeze %get3A_1036 : memref<1x32x512xf32, #tpu.memory_space<vmem>> -> memref<32x512xf32, #tpu.memory_space<vmem>>
      %get3A_1038 = arith.index_cast %get3A_1033 : i32 to index
      %get3A_1039 = arith.index_cast %mul3A_1032 : i32 to index
      %get3A_1040 = tpu.vector_load %get3A_1037[%get3A_1038, %get3A_1039] {strides = array<i32>} : memref<32x512xf32, #tpu.memory_space<vmem>>, vector<1x16xf32>,
      %get3A_1041 = vector.shape_cast %get3A_1040 : vector<1x16xf32> to vector<16xf32>
      %mul3A_1042 = arith.constant 16 : i32
      %mul3A_1043 = arith.muli %mul3A_1042, %scan3A_192 : i32
      %get3A_1044 = arith.constant 23 : i32
      %get3A_1045 = arith.constant 0 : i32
      %get3A_1046 = arith.constant 0 : i32
      %get3A_1047 = tpu.memref_slice %arg8[%scan3A_126, %get3A_1045, %get3A_1046] : memref<2x32x512xf32, #tpu.memory_space<vmem>> -> memref<1x32x512xf32, #tpu.memory_space<vmem>>
      %get3A_1048 = tpu.memref_squeeze %get3A_1047 : memref<1x32x512xf32, #tpu.memory_space<vmem>> -> memref<32x512xf32, #tpu.memory_space<vmem>>
      %get3A_1049 = arith.index_cast %get3A_1044 : i32 to index
      %get3A_1050 = arith.index_cast %mul3A_1043 : i32 to index
      %get3A_1051 = tpu.vector_load %get3A_1048[%get3A_1049, %get3A_1050] {strides = array<i32>} : memref<32x512xf32, #tpu.memory_space<vmem>>, vector<1x16xf32>,
      %get3A_1052 = vector.shape_cast %get3A_1051 : vector<1x16xf32> to vector<16xf32>
      %sub3A_1053 = arith.subf %get3A_1030, %get3A_1041 : vector<16xf32>
      %abs3A_1054 = math.absf %sub3A_1053 : vector<16xf32>
      %mul3A_1055 = arith.mulf %abs3A_1054, %get3A_1052 : vector<16xf32>
      %mul3A_1056 = arith.constant 16 : i32
      %mul3A_1057 = arith.muli %mul3A_1056, %scan3A_192 : i32
      %get3A_1058 = arith.constant 24 : i32
      %get3A_1059 = arith.constant 0 : i32
      %get3A_1060 = arith.constant 0 : i32
      %get3A_1061 = tpu.memref_slice %arg6[%scan3A, %get3A_1059, %get3A_1060] : memref<2x32x512xf32, #tpu.memory_space<vmem>> -> memref<1x32x512xf32, #tpu.memory_space<vmem>>
      %get3A_1062 = tpu.memref_squeeze %get3A_1061 : memref<1x32x512xf32, #tpu.memory_space<vmem>> -> memref<32x512xf32, #tpu.memory_space<vmem>>
      %get3A_1063 = arith.index_cast %get3A_1058 : i32 to index
      %get3A_1064 = arith.index_cast %mul3A_1057 : i32 to index
      %get3A_1065 = tpu.vector_load %get3A_1062[%get3A_1063, %get3A_1064] {strides = array<i32>} : memref<32x512xf32, #tpu.memory_space<vmem>>, vector<1x16xf32>,
      %get3A_1066 = vector.shape_cast %get3A_1065 : vector<1x16xf32> to vector<16xf32>
      %mul3A_1067 = arith.constant 16 : i32
      %mul3A_1068 = arith.muli %mul3A_1067, %scan3A_192 : i32
      %get3A_1069 = arith.constant 24 : i32
      %get3A_1070 = arith.constant 0 : i32
      %get3A_1071 = arith.constant 0 : i32
      %get3A_1072 = tpu.memref_slice %arg7[%scan3A_125, %get3A_1070, %get3A_1071] : memref<2x32x512xf32, #tpu.memory_space<vmem>> -> memref<1x32x512xf32, #tpu.memory_space<vmem>>
      %get3A_1073 = tpu.memref_squeeze %get3A_1072 : memref<1x32x512xf32, #tpu.memory_space<vmem>> -> memref<32x512xf32, #tpu.memory_space<vmem>>
      %get3A_1074 = arith.index_cast %get3A_1069 : i32 to index
      %get3A_1075 = arith.index_cast %mul3A_1068 : i32 to index
      %get3A_1076 = tpu.vector_load %get3A_1073[%get3A_1074, %get3A_1075] {strides = array<i32>} : memref<32x512xf32, #tpu.memory_space<vmem>>, vector<1x16xf32>,
      %get3A_1077 = vector.shape_cast %get3A_1076 : vector<1x16xf32> to vector<16xf32>
      %mul3A_1078 = arith.constant 16 : i32
      %mul3A_1079 = arith.muli %mul3A_1078, %scan3A_192 : i32
      %get3A_1080 = arith.constant 24 : i32
      %get3A_1081 = arith.constant 0 : i32
      %get3A_1082 = arith.constant 0 : i32
      %get3A_1083 = tpu.memref_slice %arg8[%scan3A_126, %get3A_1081, %get3A_1082] : memref<2x32x512xf32, #tpu.memory_space<vmem>> -> memref<1x32x512xf32, #tpu.memory_space<vmem>>
      %get3A_1084 = tpu.memref_squeeze %get3A_1083 : memref<1x32x512xf32, #tpu.memory_space<vmem>> -> memref<32x512xf32, #tpu.memory_space<vmem>>
      %get3A_1085 = arith.index_cast %get3A_1080 : i32 to index
      %get3A_1086 = arith.index_cast %mul3A_1079 : i32 to index
      %get3A_1087 = tpu.vector_load %get3A_1084[%get3A_1085, %get3A_1086] {strides = array<i32>} : memref<32x512xf32, #tpu.memory_space<vmem>>, vector<1x16xf32>,
      %get3A_1088 = vector.shape_cast %get3A_1087 : vector<1x16xf32> to vector<16xf32>
      %sub3A_1089 = arith.subf %get3A_1066, %get3A_1077 : vector<16xf32>
      %abs3A_1090 = math.absf %sub3A_1089 : vector<16xf32>
      %mul3A_1091 = arith.mulf %abs3A_1090, %get3A_1088 : vector<16xf32>
      %mul3A_1092 = arith.constant 16 : i32
      %mul3A_1093 = arith.muli %mul3A_1092, %scan3A_192 : i32
      %get3A_1094 = arith.constant 25 : i32
      %get3A_1095 = arith.constant 0 : i32
      %get3A_1096 = arith.constant 0 : i32
      %get3A_1097 = tpu.memref_slice %arg6[%scan3A, %get3A_1095, %get3A_1096] : memref<2x32x512xf32, #tpu.memory_space<vmem>> -> memref<1x32x512xf32, #tpu.memory_space<vmem>>
      %get3A_1098 = tpu.memref_squeeze %get3A_1097 : memref<1x32x512xf32, #tpu.memory_space<vmem>> -> memref<32x512xf32, #tpu.memory_space<vmem>>
      %get3A_1099 = arith.index_cast %get3A_1094 : i32 to index
      %get3A_1100 = arith.index_cast %mul3A_1093 : i32 to index
      %get3A_1101 = tpu.vector_load %get3A_1098[%get3A_1099, %get3A_1100] {strides = array<i32>} : memref<32x512xf32, #tpu.memory_space<vmem>>, vector<1x16xf32>,
      %get3A_1102 = vector.shape_cast %get3A_1101 : vector<1x16xf32> to vector<16xf32>
      %mul3A_1103 = arith.constant 16 : i32
      %mul3A_1104 = arith.muli %mul3A_1103, %scan3A_192 : i32
      %get3A_1105 = arith.constant 25 : i32
      %get3A_1106 = arith.constant 0 : i32
      %get3A_1107 = arith.constant 0 : i32
      %get3A_1108 = tpu.memref_slice %arg7[%scan3A_125, %get3A_1106, %get3A_1107] : memref<2x32x512xf32, #tpu.memory_space<vmem>> -> memref<1x32x512xf32, #tpu.memory_space<vmem>>
      %get3A_1109 = tpu.memref_squeeze %get3A_1108 : memref<1x32x512xf32, #tpu.memory_space<vmem>> -> memref<32x512xf32, #tpu.memory_space<vmem>>
      %get3A_1110 = arith.index_cast %get3A_1105 : i32 to index
      %get3A_1111 = arith.index_cast %mul3A_1104 : i32 to index
      %get3A_1112 = tpu.vector_load %get3A_1109[%get3A_1110, %get3A_1111] {strides = array<i32>} : memref<32x512xf32, #tpu.memory_space<vmem>>, vector<1x16xf32>,
      %get3A_1113 = vector.shape_cast %get3A_1112 : vector<1x16xf32> to vector<16xf32>
      %mul3A_1114 = arith.constant 16 : i32
      %mul3A_1115 = arith.muli %mul3A_1114, %scan3A_192 : i32
      %get3A_1116 = arith.constant 25 : i32
      %get3A_1117 = arith.constant 0 : i32
      %get3A_1118 = arith.constant 0 : i32
      %get3A_1119 = tpu.memref_slice %arg8[%scan3A_126, %get3A_1117, %get3A_1118] : memref<2x32x512xf32, #tpu.memory_space<vmem>> -> memref<1x32x512xf32, #tpu.memory_space<vmem>>
      %get3A_1120 = tpu.memref_squeeze %get3A_1119 : memref<1x32x512xf32, #tpu.memory_space<vmem>> -> memref<32x512xf32, #tpu.memory_space<vmem>>
      %get3A_1121 = arith.index_cast %get3A_1116 : i32 to index
      %get3A_1122 = arith.index_cast %mul3A_1115 : i32 to index
      %get3A_1123 = tpu.vector_load %get3A_1120[%get3A_1121, %get3A_1122] {strides = array<i32>} : memref<32x512xf32, #tpu.memory_space<vmem>>, vector<1x16xf32>,
      %get3A_1124 = vector.shape_cast %get3A_1123 : vector<1x16xf32> to vector<16xf32>
      %sub3A_1125 = arith.subf %get3A_1102, %get3A_1113 : vector<16xf32>
      %abs3A_1126 = math.absf %sub3A_1125 : vector<16xf32>
      %mul3A_1127 = arith.mulf %abs3A_1126, %get3A_1124 : vector<16xf32>
      %mul3A_1128 = arith.constant 16 : i32
      %mul3A_1129 = arith.muli %mul3A_1128, %scan3A_192 : i32
      %get3A_1130 = arith.constant 26 : i32
      %get3A_1131 = arith.constant 0 : i32
      %get3A_1132 = arith.constant 0 : i32
      %get3A_1133 = tpu.memref_slice %arg6[%scan3A, %get3A_1131, %get3A_1132] : memref<2x32x512xf32, #tpu.memory_space<vmem>> -> memref<1x32x512xf32, #tpu.memory_space<vmem>>
      %get3A_1134 = tpu.memref_squeeze %get3A_1133 : memref<1x32x512xf32, #tpu.memory_space<vmem>> -> memref<32x512xf32, #tpu.memory_space<vmem>>
      %get3A_1135 = arith.index_cast %get3A_1130 : i32 to index
      %get3A_1136 = arith.index_cast %mul3A_1129 : i32 to index
      %get3A_1137 = tpu.vector_load %get3A_1134[%get3A_1135, %get3A_1136] {strides = array<i32>} : memref<32x512xf32, #tpu.memory_space<vmem>>, vector<1x16xf32>,
      %get3A_1138 = vector.shape_cast %get3A_1137 : vector<1x16xf32> to vector<16xf32>
      %mul3A_1139 = arith.constant 16 : i32
      %mul3A_1140 = arith.muli %mul3A_1139, %scan3A_192 : i32
      %get3A_1141 = arith.constant 26 : i32
      %get3A_1142 = arith.constant 0 : i32
      %get3A_1143 = arith.constant 0 : i32
      %get3A_1144 = tpu.memref_slice %arg7[%scan3A_125, %get3A_1142, %get3A_1143] : memref<2x32x512xf32, #tpu.memory_space<vmem>> -> memref<1x32x512xf32, #tpu.memory_space<vmem>>
      %get3A_1145 = tpu.memref_squeeze %get3A_1144 : memref<1x32x512xf32, #tpu.memory_space<vmem>> -> memref<32x512xf32, #tpu.memory_space<vmem>>
      %get3A_1146 = arith.index_cast %get3A_1141 : i32 to index
      %get3A_1147 = arith.index_cast %mul3A_1140 : i32 to index
      %get3A_1148 = tpu.vector_load %get3A_1145[%get3A_1146, %get3A_1147] {strides = array<i32>} : memref<32x512xf32, #tpu.memory_space<vmem>>, vector<1x16xf32>,
      %get3A_1149 = vector.shape_cast %get3A_1148 : vector<1x16xf32> to vector<16xf32>
      %mul3A_1150 = arith.constant 16 : i32
      %mul3A_1151 = arith.muli %mul3A_1150, %scan3A_192 : i32
      %get3A_1152 = arith.constant 26 : i32
      %get3A_1153 = arith.constant 0 : i32
      %get3A_1154 = arith.constant 0 : i32
      %get3A_1155 = tpu.memref_slice %arg8[%scan3A_126, %get3A_1153, %get3A_1154] : memref<2x32x512xf32, #tpu.memory_space<vmem>> -> memref<1x32x512xf32, #tpu.memory_space<vmem>>
      %get3A_1156 = tpu.memref_squeeze %get3A_1155 : memref<1x32x512xf32, #tpu.memory_space<vmem>> -> memref<32x512xf32, #tpu.memory_space<vmem>>
      %get3A_1157 = arith.index_cast %get3A_1152 : i32 to index
      %get3A_1158 = arith.index_cast %mul3A_1151 : i32 to index
      %get3A_1159 = tpu.vector_load %get3A_1156[%get3A_1157, %get3A_1158] {strides = array<i32>} : memref<32x512xf32, #tpu.memory_space<vmem>>, vector<1x16xf32>,
      %get3A_1160 = vector.shape_cast %get3A_1159 : vector<1x16xf32> to vector<16xf32>
      %sub3A_1161 = arith.subf %get3A_1138, %get3A_1149 : vector<16xf32>
      %abs3A_1162 = math.absf %sub3A_1161 : vector<16xf32>
      %mul3A_1163 = arith.mulf %abs3A_1162, %get3A_1160 : vector<16xf32>
      %mul3A_1164 = arith.constant 16 : i32
      %mul3A_1165 = arith.muli %mul3A_1164, %scan3A_192 : i32
      %get3A_1166 = arith.constant 27 : i32
      %get3A_1167 = arith.constant 0 : i32
      %get3A_1168 = arith.constant 0 : i32
      %get3A_1169 = tpu.memref_slice %arg6[%scan3A, %get3A_1167, %get3A_1168] : memref<2x32x512xf32, #tpu.memory_space<vmem>> -> memref<1x32x512xf32, #tpu.memory_space<vmem>>
      %get3A_1170 = tpu.memref_squeeze %get3A_1169 : memref<1x32x512xf32, #tpu.memory_space<vmem>> -> memref<32x512xf32, #tpu.memory_space<vmem>>
      %get3A_1171 = arith.index_cast %get3A_1166 : i32 to index
      %get3A_1172 = arith.index_cast %mul3A_1165 : i32 to index
      %get3A_1173 = tpu.vector_load %get3A_1170[%get3A_1171, %get3A_1172] {strides = array<i32>} : memref<32x512xf32, #tpu.memory_space<vmem>>, vector<1x16xf32>,
      %get3A_1174 = vector.shape_cast %get3A_1173 : vector<1x16xf32> to vector<16xf32>
      %mul3A_1175 = arith.constant 16 : i32
      %mul3A_1176 = arith.muli %mul3A_1175, %scan3A_192 : i32
      %get3A_1177 = arith.constant 27 : i32
      %get3A_1178 = arith.constant 0 : i32
      %get3A_1179 = arith.constant 0 : i32
      %get3A_1180 = tpu.memref_slice %arg7[%scan3A_125, %get3A_1178, %get3A_1179] : memref<2x32x512xf32, #tpu.memory_space<vmem>> -> memref<1x32x512xf32, #tpu.memory_space<vmem>>
      %get3A_1181 = tpu.memref_squeeze %get3A_1180 : memref<1x32x512xf32, #tpu.memory_space<vmem>> -> memref<32x512xf32, #tpu.memory_space<vmem>>
      %get3A_1182 = arith.index_cast %get3A_1177 : i32 to index
      %get3A_1183 = arith.index_cast %mul3A_1176 : i32 to index
      %get3A_1184 = tpu.vector_load %get3A_1181[%get3A_1182, %get3A_1183] {strides = array<i32>} : memref<32x512xf32, #tpu.memory_space<vmem>>, vector<1x16xf32>,
      %get3A_1185 = vector.shape_cast %get3A_1184 : vector<1x16xf32> to vector<16xf32>
      %mul3A_1186 = arith.constant 16 : i32
      %mul3A_1187 = arith.muli %mul3A_1186, %scan3A_192 : i32
      %get3A_1188 = arith.constant 27 : i32
      %get3A_1189 = arith.constant 0 : i32
      %get3A_1190 = arith.constant 0 : i32
      %get3A_1191 = tpu.memref_slice %arg8[%scan3A_126, %get3A_1189, %get3A_1190] : memref<2x32x512xf32, #tpu.memory_space<vmem>> -> memref<1x32x512xf32, #tpu.memory_space<vmem>>
      %get3A_1192 = tpu.memref_squeeze %get3A_1191 : memref<1x32x512xf32, #tpu.memory_space<vmem>> -> memref<32x512xf32, #tpu.memory_space<vmem>>
      %get3A_1193 = arith.index_cast %get3A_1188 : i32 to index
      %get3A_1194 = arith.index_cast %mul3A_1187 : i32 to index
      %get3A_1195 = tpu.vector_load %get3A_1192[%get3A_1193, %get3A_1194] {strides = array<i32>} : memref<32x512xf32, #tpu.memory_space<vmem>>, vector<1x16xf32>,
      %get3A_1196 = vector.shape_cast %get3A_1195 : vector<1x16xf32> to vector<16xf32>
      %sub3A_1197 = arith.subf %get3A_1174, %get3A_1185 : vector<16xf32>
      %abs3A_1198 = math.absf %sub3A_1197 : vector<16xf32>
      %mul3A_1199 = arith.mulf %abs3A_1198, %get3A_1196 : vector<16xf32>
      %mul3A_1200 = arith.constant 16 : i32
      %mul3A_1201 = arith.muli %mul3A_1200, %scan3A_192 : i32
      %get3A_1202 = arith.constant 28 : i32
      %get3A_1203 = arith.constant 0 : i32
      %get3A_1204 = arith.constant 0 : i32
      %get3A_1205 = tpu.memref_slice %arg6[%scan3A, %get3A_1203, %get3A_1204] : memref<2x32x512xf32, #tpu.memory_space<vmem>> -> memref<1x32x512xf32, #tpu.memory_space<vmem>>
      %get3A_1206 = tpu.memref_squeeze %get3A_1205 : memref<1x32x512xf32, #tpu.memory_space<vmem>> -> memref<32x512xf32, #tpu.memory_space<vmem>>
      %get3A_1207 = arith.index_cast %get3A_1202 : i32 to index
      %get3A_1208 = arith.index_cast %mul3A_1201 : i32 to index
      %get3A_1209 = tpu.vector_load %get3A_1206[%get3A_1207, %get3A_1208] {strides = array<i32>} : memref<32x512xf32, #tpu.memory_space<vmem>>, vector<1x16xf32>,
      %get3A_1210 = vector.shape_cast %get3A_1209 : vector<1x16xf32> to vector<16xf32>
      %mul3A_1211 = arith.constant 16 : i32
      %mul3A_1212 = arith.muli %mul3A_1211, %scan3A_192 : i32
      %get3A_1213 = arith.constant 28 : i32
      %get3A_1214 = arith.constant 0 : i32
      %get3A_1215 = arith.constant 0 : i32
      %get3A_1216 = tpu.memref_slice %arg7[%scan3A_125, %get3A_1214, %get3A_1215] : memref<2x32x512xf32, #tpu.memory_space<vmem>> -> memref<1x32x512xf32, #tpu.memory_space<vmem>>
      %get3A_1217 = tpu.memref_squeeze %get3A_1216 : memref<1x32x512xf32, #tpu.memory_space<vmem>> -> memref<32x512xf32, #tpu.memory_space<vmem>>
      %get3A_1218 = arith.index_cast %get3A_1213 : i32 to index
      %get3A_1219 = arith.index_cast %mul3A_1212 : i32 to index
      %get3A_1220 = tpu.vector_load %get3A_1217[%get3A_1218, %get3A_1219] {strides = array<i32>} : memref<32x512xf32, #tpu.memory_space<vmem>>, vector<1x16xf32>,
      %get3A_1221 = vector.shape_cast %get3A_1220 : vector<1x16xf32> to vector<16xf32>
      %mul3A_1222 = arith.constant 16 : i32
      %mul3A_1223 = arith.muli %mul3A_1222, %scan3A_192 : i32
      %get3A_1224 = arith.constant 28 : i32
      %get3A_1225 = arith.constant 0 : i32
      %get3A_1226 = arith.constant 0 : i32
      %get3A_1227 = tpu.memref_slice %arg8[%scan3A_126, %get3A_1225, %get3A_1226] : memref<2x32x512xf32, #tpu.memory_space<vmem>> -> memref<1x32x512xf32, #tpu.memory_space<vmem>>
      %get3A_1228 = tpu.memref_squeeze %get3A_1227 : memref<1x32x512xf32, #tpu.memory_space<vmem>> -> memref<32x512xf32, #tpu.memory_space<vmem>>
      %get3A_1229 = arith.index_cast %get3A_1224 : i32 to index
      %get3A_1230 = arith.index_cast %mul3A_1223 : i32 to index
      %get3A_1231 = tpu.vector_load %get3A_1228[%get3A_1229, %get3A_1230] {strides = array<i32>} : memref<32x512xf32, #tpu.memory_space<vmem>>, vector<1x16xf32>,
      %get3A_1232 = vector.shape_cast %get3A_1231 : vector<1x16xf32> to vector<16xf32>
      %sub3A_1233 = arith.subf %get3A_1210, %get3A_1221 : vector<16xf32>
      %abs3A_1234 = math.absf %sub3A_1233 : vector<16xf32>
      %mul3A_1235 = arith.mulf %abs3A_1234, %get3A_1232 : vector<16xf32>
      %mul3A_1236 = arith.constant 16 : i32
      %mul3A_1237 = arith.muli %mul3A_1236, %scan3A_192 : i32
      %get3A_1238 = arith.constant 29 : i32
      %get3A_1239 = arith.constant 0 : i32
      %get3A_1240 = arith.constant 0 : i32
      %get3A_1241 = tpu.memref_slice %arg6[%scan3A, %get3A_1239, %get3A_1240] : memref<2x32x512xf32, #tpu.memory_space<vmem>> -> memref<1x32x512xf32, #tpu.memory_space<vmem>>
      %get3A_1242 = tpu.memref_squeeze %get3A_1241 : memref<1x32x512xf32, #tpu.memory_space<vmem>> -> memref<32x512xf32, #tpu.memory_space<vmem>>
      %get3A_1243 = arith.index_cast %get3A_1238 : i32 to index
      %get3A_1244 = arith.index_cast %mul3A_1237 : i32 to index
      %get3A_1245 = tpu.vector_load %get3A_1242[%get3A_1243, %get3A_1244] {strides = array<i32>} : memref<32x512xf32, #tpu.memory_space<vmem>>, vector<1x16xf32>,
      %get3A_1246 = vector.shape_cast %get3A_1245 : vector<1x16xf32> to vector<16xf32>
      %mul3A_1247 = arith.constant 16 : i32
      %mul3A_1248 = arith.muli %mul3A_1247, %scan3A_192 : i32
      %get3A_1249 = arith.constant 29 : i32
      %get3A_1250 = arith.constant 0 : i32
      %get3A_1251 = arith.constant 0 : i32
      %get3A_1252 = tpu.memref_slice %arg7[%scan3A_125, %get3A_1250, %get3A_1251] : memref<2x32x512xf32, #tpu.memory_space<vmem>> -> memref<1x32x512xf32, #tpu.memory_space<vmem>>
      %get3A_1253 = tpu.memref_squeeze %get3A_1252 : memref<1x32x512xf32, #tpu.memory_space<vmem>> -> memref<32x512xf32, #tpu.memory_space<vmem>>
      %get3A_1254 = arith.index_cast %get3A_1249 : i32 to index
      %get3A_1255 = arith.index_cast %mul3A_1248 : i32 to index
      %get3A_1256 = tpu.vector_load %get3A_1253[%get3A_1254, %get3A_1255] {strides = array<i32>} : memref<32x512xf32, #tpu.memory_space<vmem>>, vector<1x16xf32>,
      %get3A_1257 = vector.shape_cast %get3A_1256 : vector<1x16xf32> to vector<16xf32>
      %mul3A_1258 = arith.constant 16 : i32
      %mul3A_1259 = arith.muli %mul3A_1258, %scan3A_192 : i32
      %get3A_1260 = arith.constant 29 : i32
      %get3A_1261 = arith.constant 0 : i32
      %get3A_1262 = arith.constant 0 : i32
      %get3A_1263 = tpu.memref_slice %arg8[%scan3A_126, %get3A_1261, %get3A_1262] : memref<2x32x512xf32, #tpu.memory_space<vmem>> -> memref<1x32x512xf32, #tpu.memory_space<vmem>>
      %get3A_1264 = tpu.memref_squeeze %get3A_1263 : memref<1x32x512xf32, #tpu.memory_space<vmem>> -> memref<32x512xf32, #tpu.memory_space<vmem>>
      %get3A_1265 = arith.index_cast %get3A_1260 : i32 to index
      %get3A_1266 = arith.index_cast %mul3A_1259 : i32 to index
      %get3A_1267 = tpu.vector_load %get3A_1264[%get3A_1265, %get3A_1266] {strides = array<i32>} : memref<32x512xf32, #tpu.memory_space<vmem>>, vector<1x16xf32>,
      %get3A_1268 = vector.shape_cast %get3A_1267 : vector<1x16xf32> to vector<16xf32>
      %sub3A_1269 = arith.subf %get3A_1246, %get3A_1257 : vector<16xf32>
      %abs3A_1270 = math.absf %sub3A_1269 : vector<16xf32>
      %mul3A_1271 = arith.mulf %abs3A_1270, %get3A_1268 : vector<16xf32>
      %mul3A_1272 = arith.constant 16 : i32
      %mul3A_1273 = arith.muli %mul3A_1272, %scan3A_192 : i32
      %get3A_1274 = arith.constant 30 : i32
      %get3A_1275 = arith.constant 0 : i32
      %get3A_1276 = arith.constant 0 : i32
      %get3A_1277 = tpu.memref_slice %arg6[%scan3A, %get3A_1275, %get3A_1276] : memref<2x32x512xf32, #tpu.memory_space<vmem>> -> memref<1x32x512xf32, #tpu.memory_space<vmem>>
      %get3A_1278 = tpu.memref_squeeze %get3A_1277 : memref<1x32x512xf32, #tpu.memory_space<vmem>> -> memref<32x512xf32, #tpu.memory_space<vmem>>
      %get3A_1279 = arith.index_cast %get3A_1274 : i32 to index
      %get3A_1280 = arith.index_cast %mul3A_1273 : i32 to index
      %get3A_1281 = tpu.vector_load %get3A_1278[%get3A_1279, %get3A_1280] {strides = array<i32>} : memref<32x512xf32, #tpu.memory_space<vmem>>, vector<1x16xf32>,
      %get3A_1282 = vector.shape_cast %get3A_1281 : vector<1x16xf32> to vector<16xf32>
      %mul3A_1283 = arith.constant 16 : i32
      %mul3A_1284 = arith.muli %mul3A_1283, %scan3A_192 : i32
      %get3A_1285 = arith.constant 30 : i32
      %get3A_1286 = arith.constant 0 : i32
      %get3A_1287 = arith.constant 0 : i32
      %get3A_1288 = tpu.memref_slice %arg7[%scan3A_125, %get3A_1286, %get3A_1287] : memref<2x32x512xf32, #tpu.memory_space<vmem>> -> memref<1x32x512xf32, #tpu.memory_space<vmem>>
      %get3A_1289 = tpu.memref_squeeze %get3A_1288 : memref<1x32x512xf32, #tpu.memory_space<vmem>> -> memref<32x512xf32, #tpu.memory_space<vmem>>
      %get3A_1290 = arith.index_cast %get3A_1285 : i32 to index
      %get3A_1291 = arith.index_cast %mul3A_1284 : i32 to index
      %get3A_1292 = tpu.vector_load %get3A_1289[%get3A_1290, %get3A_1291] {strides = array<i32>} : memref<32x512xf32, #tpu.memory_space<vmem>>, vector<1x16xf32>,
      %get3A_1293 = vector.shape_cast %get3A_1292 : vector<1x16xf32> to vector<16xf32>
      %mul3A_1294 = arith.constant 16 : i32
      %mul3A_1295 = arith.muli %mul3A_1294, %scan3A_192 : i32
      %get3A_1296 = arith.constant 30 : i32
      %get3A_1297 = arith.constant 0 : i32
      %get3A_1298 = arith.constant 0 : i32
      %get3A_1299 = tpu.memref_slice %arg8[%scan3A_126, %get3A_1297, %get3A_1298] : memref<2x32x512xf32, #tpu.memory_space<vmem>> -> memref<1x32x512xf32, #tpu.memory_space<vmem>>
      %get3A_1300 = tpu.memref_squeeze %get3A_1299 : memref<1x32x512xf32, #tpu.memory_space<vmem>> -> memref<32x512xf32, #tpu.memory_space<vmem>>
      %get3A_1301 = arith.index_cast %get3A_1296 : i32 to index
      %get3A_1302 = arith.index_cast %mul3A_1295 : i32 to index
      %get3A_1303 = tpu.vector_load %get3A_1300[%get3A_1301, %get3A_1302] {strides = array<i32>} : memref<32x512xf32, #tpu.memory_space<vmem>>, vector<1x16xf32>,
      %get3A_1304 = vector.shape_cast %get3A_1303 : vector<1x16xf32> to vector<16xf32>
      %sub3A_1305 = arith.subf %get3A_1282, %get3A_1293 : vector<16xf32>
      %abs3A_1306 = math.absf %sub3A_1305 : vector<16xf32>
      %mul3A_1307 = arith.mulf %abs3A_1306, %get3A_1304 : vector<16xf32>
      %mul3A_1308 = arith.constant 16 : i32
      %mul3A_1309 = arith.muli %mul3A_1308, %scan3A_192 : i32
      %get3A_1310 = arith.constant 31 : i32
      %get3A_1311 = arith.constant 0 : i32
      %get3A_1312 = arith.constant 0 : i32
      %get3A_1313 = tpu.memref_slice %arg6[%scan3A, %get3A_1311, %get3A_1312] : memref<2x32x512xf32, #tpu.memory_space<vmem>> -> memref<1x32x512xf32, #tpu.memory_space<vmem>>
      %get3A_1314 = tpu.memref_squeeze %get3A_1313 : memref<1x32x512xf32, #tpu.memory_space<vmem>> -> memref<32x512xf32, #tpu.memory_space<vmem>>
      %get3A_1315 = arith.index_cast %get3A_1310 : i32 to index
      %get3A_1316 = arith.index_cast %mul3A_1309 : i32 to index
      %get3A_1317 = tpu.vector_load %get3A_1314[%get3A_1315, %get3A_1316] {strides = array<i32>} : memref<32x512xf32, #tpu.memory_space<vmem>>, vector<1x16xf32>,
      %get3A_1318 = vector.shape_cast %get3A_1317 : vector<1x16xf32> to vector<16xf32>
      %mul3A_1319 = arith.constant 16 : i32
      %mul3A_1320 = arith.muli %mul3A_1319, %scan3A_192 : i32
      %get3A_1321 = arith.constant 31 : i32
      %get3A_1322 = arith.constant 0 : i32
      %get3A_1323 = arith.constant 0 : i32
      %get3A_1324 = tpu.memref_slice %arg7[%scan3A_125, %get3A_1322, %get3A_1323] : memref<2x32x512xf32, #tpu.memory_space<vmem>> -> memref<1x32x512xf32, #tpu.memory_space<vmem>>
      %get3A_1325 = tpu.memref_squeeze %get3A_1324 : memref<1x32x512xf32, #tpu.memory_space<vmem>> -> memref<32x512xf32, #tpu.memory_space<vmem>>
      %get3A_1326 = arith.index_cast %get3A_1321 : i32 to index
      %get3A_1327 = arith.index_cast %mul3A_1320 : i32 to index
      %get3A_1328 = tpu.vector_load %get3A_1325[%get3A_1326, %get3A_1327] {strides = array<i32>} : memref<32x512xf32, #tpu.memory_space<vmem>>, vector<1x16xf32>,
      %get3A_1329 = vector.shape_cast %get3A_1328 : vector<1x16xf32> to vector<16xf32>
      %mul3A_1330 = arith.constant 16 : i32
      %mul3A_1331 = arith.muli %mul3A_1330, %scan3A_192 : i32
      %get3A_1332 = arith.constant 31 : i32
      %get3A_1333 = arith.constant 0 : i32
      %get3A_1334 = arith.constant 0 : i32
      %get3A_1335 = tpu.memref_slice %arg8[%scan3A_126, %get3A_1333, %get3A_1334] : memref<2x32x512xf32, #tpu.memory_space<vmem>> -> memref<1x32x512xf32, #tpu.memory_space<vmem>>
      %get3A_1336 = tpu.memref_squeeze %get3A_1335 : memref<1x32x512xf32, #tpu.memory_space<vmem>> -> memref<32x512xf32, #tpu.memory_space<vmem>>
      %get3A_1337 = arith.index_cast %get3A_1332 : i32 to index
      %get3A_1338 = arith.index_cast %mul3A_1331 : i32 to index
      %get3A_1339 = tpu.vector_load %get3A_1336[%get3A_1337, %get3A_1338] {strides = array<i32>} : memref<32x512xf32, #tpu.memory_space<vmem>>, vector<1x16xf32>,
      %get3A_1340 = vector.shape_cast %get3A_1339 : vector<1x16xf32> to vector<16xf32>
      %sub3A_1341 = arith.subf %get3A_1318, %get3A_1329 : vector<16xf32>
      %abs3A_1342 = math.absf %sub3A_1341 : vector<16xf32>
      %mul3A_1343 = arith.mulf %abs3A_1342, %get3A_1340 : vector<16xf32>
      %add3A_1344 = arith.addf %mul3A_227, %mul3A_263 : vector<16xf32>
      %add3A_1345 = arith.addf %mul3A_299, %mul3A_335 : vector<16xf32>
      %add3A_1346 = arith.addf %mul3A_371, %mul3A_407 : vector<16xf32>
      %add3A_1347 = arith.addf %mul3A_443, %mul3A_479 : vector<16xf32>
      %add3A_1348 = arith.addf %mul3A_515, %mul3A_551 : vector<16xf32>
      %add3A_1349 = arith.addf %mul3A_587, %mul3A_623 : vector<16xf32>
      %add3A_1350 = arith.addf %mul3A_659, %mul3A_695 : vector<16xf32>
      %add3A_1351 = arith.addf %mul3A_731, %mul3A_767 : vector<16xf32>
      %add3A_1352 = arith.addf %mul3A_803, %mul3A_839 : vector<16xf32>
      %add3A_1353 = arith.addf %mul3A_875, %mul3A_911 : vector<16xf32>
      %add3A_1354 = arith.addf %mul3A_947, %mul3A_983 : vector<16xf32>
      %add3A_1355 = arith.addf %mul3A_1019, %mul3A_1055 : vector<16xf32>
      %add3A_1356 = arith.addf %mul3A_1091, %mul3A_1127 : vector<16xf32>
      %add3A_1357 = arith.addf %mul3A_1163, %mul3A_1199 : vector<16xf32>
      %add3A_1358 = arith.addf %mul3A_1235, %mul3A_1271 : vector<16xf32>
      %add3A_1359 = arith.addf %mul3A_1307, %mul3A_1343 : vector<16xf32>
      %add3A_1360 = arith.addf %add3A_1344, %add3A_1345 : vector<16xf32>
      %add3A_1361 = arith.addf %add3A_1346, %add3A_1347 : vector<16xf32>
      %add3A_1362 = arith.addf %add3A_1348, %add3A_1349 : vector<16xf32>
      %add3A_1363 = arith.addf %add3A_1350, %add3A_1351 : vector<16xf32>
      %add3A_1364 = arith.addf %add3A_1352, %add3A_1353 : vector<16xf32>
      %add3A_1365 = arith.addf %add3A_1354, %add3A_1355 : vector<16xf32>
      %add3A_1366 = arith.addf %add3A_1356, %add3A_1357 : vector<16xf32>
      %add3A_1367 = arith.addf %add3A_1358, %add3A_1359 : vector<16xf32>
      %add3A_1368 = arith.addf %add3A_1360, %add3A_1361 : vector<16xf32>
      %add3A_1369 = arith.addf %add3A_1362, %add3A_1363 : vector<16xf32>
      %add3A_1370 = arith.addf %add3A_1364, %add3A_1365 : vector<16xf32>
      %add3A_1371 = arith.addf %add3A_1366, %add3A_1367 : vector<16xf32>
      %add3A_1372 = arith.addf %add3A_1368, %add3A_1369 : vector<16xf32>
      %add3A_1373 = arith.addf %add3A_1370, %add3A_1371 : vector<16xf32>
      %add3A_1374 = arith.addf %add3A_1372, %add3A_1373 : vector<16xf32>
      %add3A_1375 = arith.addf %scan3A_193, %add3A_1374 : vector<16xf32>
      %add3A_1376 = arith.addf %get3A_226, %get3A_260 : vector<16xf32>
      %add3A_1377 = arith.addf %get3A_296, %get3A_332 : vector<16xf32>
      %add3A_1378 = arith.addf %get3A_368, %get3A_404 : vector<16xf32>
      %add3A_1379 = arith.addf %get3A_440, %get3A_476 : vector<16xf32>
      %add3A_1380 = arith.addf %get3A_512, %get3A_548 : vector<16xf32>
      %add3A_1381 = arith.addf %get3A_584, %get3A_620 : vector<16xf32>
      %add3A_1382 = arith.addf %get3A_656, %get3A_692 : vector<16xf32>
      %add3A_1383 = arith.addf %get3A_728, %get3A_764 : vector<16xf32>
      %add3A_1384 = arith.addf %get3A_800, %get3A_836 : vector<16xf32>
      %add3A_1385 = arith.addf %get3A_872, %get3A_908 : vector<16xf32>
      %add3A_1386 = arith.addf %get3A_944, %get3A_980 : vector<16xf32>
      %add3A_1387 = arith.addf %get3A_1016, %get3A_1052 : vector<16xf32>
      %add3A_1388 = arith.addf %get3A_1088, %get3A_1124 : vector<16xf32>
      %add3A_1389 = arith.addf %get3A_1160, %get3A_1196 : vector<16xf32>
      %add3A_1390 = arith.addf %get3A_1232, %get3A_1268 : vector<16xf32>
      %add3A_1391 = arith.addf %get3A_1304, %get3A_1340 : vector<16xf32>
      %add3A_1392 = arith.addf %add3A_1376, %add3A_1377 : vector<16xf32>
      %add3A_1393 = arith.addf %add3A_1378, %add3A_1379 : vector<16xf32>
      %add3A_1394 = arith.addf %add3A_1380, %add3A_1381 : vector<16xf32>
      %add3A_1395 = arith.addf %add3A_1382, %add3A_1383 : vector<16xf32>
      %add3A_1396 = arith.addf %add3A_1384, %add3A_1385 : vector<16xf32>
      %add3A_1397 = arith.addf %add3A_1386, %add3A_1387 : vector<16xf32>
      %add3A_1398 = arith.addf %add3A_1388, %add3A_1389 : vector<16xf32>
      %add3A_1399 = arith.addf %add3A_1390, %add3A_1391 : vector<16xf32>
      %add3A_1400 = arith.addf %add3A_1392, %add3A_1393 : vector<16xf32>
      %add3A_1401 = arith.addf %add3A_1394, %add3A_1395 : vector<16xf32>
      %add3A_1402 = arith.addf %add3A_1396, %add3A_1397 : vector<16xf32>
      %add3A_1403 = arith.addf %add3A_1398, %add3A_1399 : vector<16xf32>
      %add3A_1404 = arith.addf %add3A_1400, %add3A_1401 : vector<16xf32>
      %add3A_1405 = arith.addf %add3A_1402, %add3A_1403 : vector<16xf32>
      %add3A_1406 = arith.addf %add3A_1404, %add3A_1405 : vector<16xf32>
      %add3A_1407 = arith.addf %scan3A_194, %add3A_1406 : vector<16xf32>
      scf.yield %add3A_1375, %add3A_1407 : vector<16xf32>, vector<16xf32>
    }
    %scan3A_132 = arith.constant 32 : i32
    %add3A_133 = arith.constant 32 : i32
    %add3A_134 = arith.addi %mul3A_2, %add3A_133 : i32
    %dma_wait3A_135 = arith.constant 1 : i32
    %dma_wait3A_136 = arith.constant 0 : i32
    %dma_wait3A_137 = arith.constant 0 : i32
    %dma_wait3A_138 = tpu.memref_slice %arg6[%dma_wait3A_135, %dma_wait3A_136, %dma_wait3A_137] : memref<2x32x512xf32, #tpu.memory_space<vmem>> -> memref<1x32x512xf32, #tpu.memory_space<vmem>>
    %dma_wait3A_139 = tpu.memref_squeeze %dma_wait3A_138 : memref<1x32x512xf32, #tpu.memory_space<vmem>> -> memref<32x512xf32, #tpu.memory_space<vmem>>
    %dma_wait3A_140 = arith.constant 0 : i32
    %dma_wait3A_141 = tpu.memref_slice %arg2[%add3A_134, %dma_wait3A_140] : memref<16384x512xf32, #tpu.memory_space<hbm>> -> memref<32x512xf32, #tpu.memory_space<hbm>>
    %dma_wait3A_142 = arith.constant 0 : i32
    %dma_wait3A_143 = arith.constant 0 : i32
    %dma_wait3A_144 = tpu.memref_slice %arg6[%dma_wait3A_135, %dma_wait3A_142, %dma_wait3A_143] : memref<2x32x512xf32, #tpu.memory_space<vmem>> -> memref<1x32x512xf32, #tpu.memory_space<vmem>>
    %dma_wait3A_145 = tpu.memref_squeeze %dma_wait3A_144 : memref<1x32x512xf32, #tpu.memory_space<vmem>> -> memref<32x512xf32, #tpu.memory_space<vmem>>
    %dma_wait3A_146 = arith.constant 0 : i32
    %dma_wait3A_147 = tpu.memref_slice %arg2[%add3A_134, %dma_wait3A_146] : memref<16384x512xf32, #tpu.memory_space<hbm>> -> memref<32x512xf32, #tpu.memory_space<hbm>>
    tpu.wait_dma2 semaphore(%arg12 : memref<!tpu.dma_semaphore, #tpu.memory_space<semaphore_mem>>) src(%dma_wait3A_147 : memref<32x512xf32, #tpu.memory_space<hbm>>) dst(%dma_wait3A_145 : memref<32x512xf32, #tpu.memory_space<vmem>>)
    %dma_wait3A_148 = arith.constant 1 : i32
    %dma_wait3A_149 = arith.constant 0 : i32
    %dma_wait3A_150 = arith.constant 0 : i32
    %dma_wait3A_151 = tpu.memref_slice %arg7[%dma_wait3A_148, %dma_wait3A_149, %dma_wait3A_150] : memref<2x32x512xf32, #tpu.memory_space<vmem>> -> memref<1x32x512xf32, #tpu.memory_space<vmem>>
    %dma_wait3A_152 = tpu.memref_squeeze %dma_wait3A_151 : memref<1x32x512xf32, #tpu.memory_space<vmem>> -> memref<32x512xf32, #tpu.memory_space<vmem>>
    %dma_wait3A_153 = arith.constant 0 : i32
    %dma_wait3A_154 = tpu.memref_slice %arg3[%add3A_134, %dma_wait3A_153] : memref<16384x512xf32, #tpu.memory_space<hbm>> -> memref<32x512xf32, #tpu.memory_space<hbm>>
    %dma_wait3A_155 = arith.constant 0 : i32
    %dma_wait3A_156 = arith.constant 0 : i32
    %dma_wait3A_157 = tpu.memref_slice %arg7[%dma_wait3A_148, %dma_wait3A_155, %dma_wait3A_156] : memref<2x32x512xf32, #tpu.memory_space<vmem>> -> memref<1x32x512xf32, #tpu.memory_space<vmem>>
    %dma_wait3A_158 = tpu.memref_squeeze %dma_wait3A_157 : memref<1x32x512xf32, #tpu.memory_space<vmem>> -> memref<32x512xf32, #tpu.memory_space<vmem>>
    %dma_wait3A_159 = arith.constant 0 : i32
    %dma_wait3A_160 = tpu.memref_slice %arg3[%add3A_134, %dma_wait3A_159] : memref<16384x512xf32, #tpu.memory_space<hbm>> -> memref<32x512xf32, #tpu.memory_space<hbm>>
    tpu.wait_dma2 semaphore(%arg14 : memref<!tpu.dma_semaphore, #tpu.memory_space<semaphore_mem>>) src(%dma_wait3A_160 : memref<32x512xf32, #tpu.memory_space<hbm>>) dst(%dma_wait3A_158 : memref<32x512xf32, #tpu.memory_space<vmem>>)
    %dma_wait3A_161 = arith.constant 1 : i32
    %dma_wait3A_162 = arith.constant 0 : i32
    %dma_wait3A_163 = arith.constant 0 : i32
    %dma_wait3A_164 = tpu.memref_slice %arg8[%dma_wait3A_161, %dma_wait3A_162, %dma_wait3A_163] : memref<2x32x512xf32, #tpu.memory_space<vmem>> -> memref<1x32x512xf32, #tpu.memory_space<vmem>>
    %dma_wait3A_165 = tpu.memref_squeeze %dma_wait3A_164 : memref<1x32x512xf32, #tpu.memory_space<vmem>> -> memref<32x512xf32, #tpu.memory_space<vmem>>
    %dma_wait3A_166 = arith.constant 0 : i32
    %dma_wait3A_167 = tpu.memref_slice %arg4[%add3A_134, %dma_wait3A_166] : memref<2048x512xf32, #tpu.memory_space<hbm>> -> memref<32x512xf32, #tpu.memory_space<hbm>>
    %dma_wait3A_168 = arith.constant 0 : i32
    %dma_wait3A_169 = arith.constant 0 : i32
    %dma_wait3A_170 = tpu.memref_slice %arg8[%dma_wait3A_161, %dma_wait3A_168, %dma_wait3A_169] : memref<2x32x512xf32, #tpu.memory_space<vmem>> -> memref<1x32x512xf32, #tpu.memory_space<vmem>>
    %dma_wait3A_171 = tpu.memref_squeeze %dma_wait3A_170 : memref<1x32x512xf32, #tpu.memory_space<vmem>> -> memref<32x512xf32, #tpu.memory_space<vmem>>
    %dma_wait3A_172 = arith.constant 0 : i32
    %dma_wait3A_173 = tpu.memref_slice %arg4[%add3A_134, %dma_wait3A_172] : memref<2048x512xf32, #tpu.memory_space<hbm>> -> memref<32x512xf32, #tpu.memory_space<hbm>>
    tpu.wait_dma2 semaphore(%arg16 : memref<!tpu.dma_semaphore, #tpu.memory_space<semaphore_mem>>) src(%dma_wait3A_173 : memref<32x512xf32, #tpu.memory_space<hbm>>) dst(%dma_wait3A_171 : memref<32x512xf32, #tpu.memory_space<vmem>>)
    %scan3A_174 = arith.constant 1 : i32
    %scan3A_175 = arith.constant 1 : i32
    %scan3A_176 = arith.constant 1 : i32
    %scan3A_177 = arith.constant 0 : i32
    %scan3A_178 = arith.constant 32 : i32
    %scan3A_179 = arith.addi %scan3A_177, %scan3A_178 : i32
    %scan3A_180 = arith.constant 1 : i32
    %scan3A_181:2 = scf.for %scan3A_192 = %scan3A_177 to %scan3A_179 step %scan3A_180 iter_args(%scan3A_193 = %scan3A_131#0, %scan3A_194 = %scan3A_131#1) -> (vector<16xf32>, vector<16xf32>)  : i32 {
      %mul3A_195 = arith.constant 16 : i32
      %mul3A_196 = arith.muli %mul3A_195, %scan3A_192 : i32
      %get3A = arith.constant 0 : i32
      %get3A_197 = arith.constant 0 : i32
      %get3A_198 = arith.constant 0 : i32
      %get3A_199 = tpu.memref_slice %arg6[%scan3A_174, %get3A_197, %get3A_198] : memref<2x32x512xf32, #tpu.memory_space<vmem>> -> memref<1x32x512xf32, #tpu.memory_space<vmem>>
      %get3A_200 = tpu.memref_squeeze %get3A_199 : memref<1x32x512xf32, #tpu.memory_space<vmem>> -> memref<32x512xf32, #tpu.memory_space<vmem>>
      %get3A_201 = arith.index_cast %get3A : i32 to index
      %get3A_202 = arith.index_cast %mul3A_196 : i32 to index
      %get3A_203 = tpu.vector_load %get3A_200[%get3A_201, %get3A_202] {strides = array<i32>} : memref<32x512xf32, #tpu.memory_space<vmem>>, vector<1x16xf32>,
      %get3A_204 = vector.shape_cast %get3A_203 : vector<1x16xf32> to vector<16xf32>
      %mul3A_205 = arith.constant 16 : i32
      %mul3A_206 = arith.muli %mul3A_205, %scan3A_192 : i32
      %get3A_207 = arith.constant 0 : i32
      %get3A_208 = arith.constant 0 : i32
      %get3A_209 = arith.constant 0 : i32
      %get3A_210 = tpu.memref_slice %arg7[%scan3A_175, %get3A_208, %get3A_209] : memref<2x32x512xf32, #tpu.memory_space<vmem>> -> memref<1x32x512xf32, #tpu.memory_space<vmem>>
      %get3A_211 = tpu.memref_squeeze %get3A_210 : memref<1x32x512xf32, #tpu.memory_space<vmem>> -> memref<32x512xf32, #tpu.memory_space<vmem>>
      %get3A_212 = arith.index_cast %get3A_207 : i32 to index
      %get3A_213 = arith.index_cast %mul3A_206 : i32 to index
      %get3A_214 = tpu.vector_load %get3A_211[%get3A_212, %get3A_213] {strides = array<i32>} : memref<32x512xf32, #tpu.memory_space<vmem>>, vector<1x16xf32>,
      %get3A_215 = vector.shape_cast %get3A_214 : vector<1x16xf32> to vector<16xf32>
      %mul3A_216 = arith.constant 16 : i32
      %mul3A_217 = arith.muli %mul3A_216, %scan3A_192 : i32
      %get3A_218 = arith.constant 0 : i32
      %get3A_219 = arith.constant 0 : i32
      %get3A_220 = arith.constant 0 : i32
      %get3A_221 = tpu.memref_slice %arg8[%scan3A_176, %get3A_219, %get3A_220] : memref<2x32x512xf32, #tpu.memory_space<vmem>> -> memref<1x32x512xf32, #tpu.memory_space<vmem>>
      %get3A_222 = tpu.memref_squeeze %get3A_221 : memref<1x32x512xf32, #tpu.memory_space<vmem>> -> memref<32x512xf32, #tpu.memory_space<vmem>>
      %get3A_223 = arith.index_cast %get3A_218 : i32 to index
      %get3A_224 = arith.index_cast %mul3A_217 : i32 to index
      %get3A_225 = tpu.vector_load %get3A_222[%get3A_223, %get3A_224] {strides = array<i32>} : memref<32x512xf32, #tpu.memory_space<vmem>>, vector<1x16xf32>,
      %get3A_226 = vector.shape_cast %get3A_225 : vector<1x16xf32> to vector<16xf32>
      %sub3A = arith.subf %get3A_204, %get3A_215 : vector<16xf32>
      %abs3A = math.absf %sub3A : vector<16xf32>
      %mul3A_227 = arith.mulf %abs3A, %get3A_226 : vector<16xf32>
      %mul3A_228 = arith.constant 16 : i32
      %mul3A_229 = arith.muli %mul3A_228, %scan3A_192 : i32
      %get3A_230 = arith.constant 1 : i32
      %get3A_231 = arith.constant 0 : i32
      %get3A_232 = arith.constant 0 : i32
      %get3A_233 = tpu.memref_slice %arg6[%scan3A_174, %get3A_231, %get3A_232] : memref<2x32x512xf32, #tpu.memory_space<vmem>> -> memref<1x32x512xf32, #tpu.memory_space<vmem>>
      %get3A_234 = tpu.memref_squeeze %get3A_233 : memref<1x32x512xf32, #tpu.memory_space<vmem>> -> memref<32x512xf32, #tpu.memory_space<vmem>>
      %get3A_235 = arith.index_cast %get3A_230 : i32 to index
      %get3A_236 = arith.index_cast %mul3A_229 : i32 to index
      %get3A_237 = tpu.vector_load %get3A_234[%get3A_235, %get3A_236] {strides = array<i32>} : memref<32x512xf32, #tpu.memory_space<vmem>>, vector<1x16xf32>,
      %get3A_238 = vector.shape_cast %get3A_237 : vector<1x16xf32> to vector<16xf32>
      %mul3A_239 = arith.constant 16 : i32
      %mul3A_240 = arith.muli %mul3A_239, %scan3A_192 : i32
      %get3A_241 = arith.constant 1 : i32
      %get3A_242 = arith.constant 0 : i32
      %get3A_243 = arith.constant 0 : i32
      %get3A_244 = tpu.memref_slice %arg7[%scan3A_175, %get3A_242, %get3A_243] : memref<2x32x512xf32, #tpu.memory_space<vmem>> -> memref<1x32x512xf32, #tpu.memory_space<vmem>>
      %get3A_245 = tpu.memref_squeeze %get3A_244 : memref<1x32x512xf32, #tpu.memory_space<vmem>> -> memref<32x512xf32, #tpu.memory_space<vmem>>
      %get3A_246 = arith.index_cast %get3A_241 : i32 to index
      %get3A_247 = arith.index_cast %mul3A_240 : i32 to index
      %get3A_248 = tpu.vector_load %get3A_245[%get3A_246, %get3A_247] {strides = array<i32>} : memref<32x512xf32, #tpu.memory_space<vmem>>, vector<1x16xf32>,
      %get3A_249 = vector.shape_cast %get3A_248 : vector<1x16xf32> to vector<16xf32>
      %mul3A_250 = arith.constant 16 : i32
      %mul3A_251 = arith.muli %mul3A_250, %scan3A_192 : i32
      %get3A_252 = arith.constant 1 : i32
      %get3A_253 = arith.constant 0 : i32
      %get3A_254 = arith.constant 0 : i32
      %get3A_255 = tpu.memref_slice %arg8[%scan3A_176, %get3A_253, %get3A_254] : memref<2x32x512xf32, #tpu.memory_space<vmem>> -> memref<1x32x512xf32, #tpu.memory_space<vmem>>
      %get3A_256 = tpu.memref_squeeze %get3A_255 : memref<1x32x512xf32, #tpu.memory_space<vmem>> -> memref<32x512xf32, #tpu.memory_space<vmem>>
      %get3A_257 = arith.index_cast %get3A_252 : i32 to index
      %get3A_258 = arith.index_cast %mul3A_251 : i32 to index
      %get3A_259 = tpu.vector_load %get3A_256[%get3A_257, %get3A_258] {strides = array<i32>} : memref<32x512xf32, #tpu.memory_space<vmem>>, vector<1x16xf32>,
      %get3A_260 = vector.shape_cast %get3A_259 : vector<1x16xf32> to vector<16xf32>
      %sub3A_261 = arith.subf %get3A_238, %get3A_249 : vector<16xf32>
      %abs3A_262 = math.absf %sub3A_261 : vector<16xf32>
      %mul3A_263 = arith.mulf %abs3A_262, %get3A_260 : vector<16xf32>
      %mul3A_264 = arith.constant 16 : i32
      %mul3A_265 = arith.muli %mul3A_264, %scan3A_192 : i32
      %get3A_266 = arith.constant 2 : i32
      %get3A_267 = arith.constant 0 : i32
      %get3A_268 = arith.constant 0 : i32
      %get3A_269 = tpu.memref_slice %arg6[%scan3A_174, %get3A_267, %get3A_268] : memref<2x32x512xf32, #tpu.memory_space<vmem>> -> memref<1x32x512xf32, #tpu.memory_space<vmem>>
      %get3A_270 = tpu.memref_squeeze %get3A_269 : memref<1x32x512xf32, #tpu.memory_space<vmem>> -> memref<32x512xf32, #tpu.memory_space<vmem>>
      %get3A_271 = arith.index_cast %get3A_266 : i32 to index
      %get3A_272 = arith.index_cast %mul3A_265 : i32 to index
      %get3A_273 = tpu.vector_load %get3A_270[%get3A_271, %get3A_272] {strides = array<i32>} : memref<32x512xf32, #tpu.memory_space<vmem>>, vector<1x16xf32>,
      %get3A_274 = vector.shape_cast %get3A_273 : vector<1x16xf32> to vector<16xf32>
      %mul3A_275 = arith.constant 16 : i32
      %mul3A_276 = arith.muli %mul3A_275, %scan3A_192 : i32
      %get3A_277 = arith.constant 2 : i32
      %get3A_278 = arith.constant 0 : i32
      %get3A_279 = arith.constant 0 : i32
      %get3A_280 = tpu.memref_slice %arg7[%scan3A_175, %get3A_278, %get3A_279] : memref<2x32x512xf32, #tpu.memory_space<vmem>> -> memref<1x32x512xf32, #tpu.memory_space<vmem>>
      %get3A_281 = tpu.memref_squeeze %get3A_280 : memref<1x32x512xf32, #tpu.memory_space<vmem>> -> memref<32x512xf32, #tpu.memory_space<vmem>>
      %get3A_282 = arith.index_cast %get3A_277 : i32 to index
      %get3A_283 = arith.index_cast %mul3A_276 : i32 to index
      %get3A_284 = tpu.vector_load %get3A_281[%get3A_282, %get3A_283] {strides = array<i32>} : memref<32x512xf32, #tpu.memory_space<vmem>>, vector<1x16xf32>,
      %get3A_285 = vector.shape_cast %get3A_284 : vector<1x16xf32> to vector<16xf32>
      %mul3A_286 = arith.constant 16 : i32
      %mul3A_287 = arith.muli %mul3A_286, %scan3A_192 : i32
      %get3A_288 = arith.constant 2 : i32
      %get3A_289 = arith.constant 0 : i32
      %get3A_290 = arith.constant 0 : i32
      %get3A_291 = tpu.memref_slice %arg8[%scan3A_176, %get3A_289, %get3A_290] : memref<2x32x512xf32, #tpu.memory_space<vmem>> -> memref<1x32x512xf32, #tpu.memory_space<vmem>>
      %get3A_292 = tpu.memref_squeeze %get3A_291 : memref<1x32x512xf32, #tpu.memory_space<vmem>> -> memref<32x512xf32, #tpu.memory_space<vmem>>
      %get3A_293 = arith.index_cast %get3A_288 : i32 to index
      %get3A_294 = arith.index_cast %mul3A_287 : i32 to index
      %get3A_295 = tpu.vector_load %get3A_292[%get3A_293, %get3A_294] {strides = array<i32>} : memref<32x512xf32, #tpu.memory_space<vmem>>, vector<1x16xf32>,
      %get3A_296 = vector.shape_cast %get3A_295 : vector<1x16xf32> to vector<16xf32>
      %sub3A_297 = arith.subf %get3A_274, %get3A_285 : vector<16xf32>
      %abs3A_298 = math.absf %sub3A_297 : vector<16xf32>
      %mul3A_299 = arith.mulf %abs3A_298, %get3A_296 : vector<16xf32>
      %mul3A_300 = arith.constant 16 : i32
      %mul3A_301 = arith.muli %mul3A_300, %scan3A_192 : i32
      %get3A_302 = arith.constant 3 : i32
      %get3A_303 = arith.constant 0 : i32
      %get3A_304 = arith.constant 0 : i32
      %get3A_305 = tpu.memref_slice %arg6[%scan3A_174, %get3A_303, %get3A_304] : memref<2x32x512xf32, #tpu.memory_space<vmem>> -> memref<1x32x512xf32, #tpu.memory_space<vmem>>
      %get3A_306 = tpu.memref_squeeze %get3A_305 : memref<1x32x512xf32, #tpu.memory_space<vmem>> -> memref<32x512xf32, #tpu.memory_space<vmem>>
      %get3A_307 = arith.index_cast %get3A_302 : i32 to index
      %get3A_308 = arith.index_cast %mul3A_301 : i32 to index
      %get3A_309 = tpu.vector_load %get3A_306[%get3A_307, %get3A_308] {strides = array<i32>} : memref<32x512xf32, #tpu.memory_space<vmem>>, vector<1x16xf32>,
      %get3A_310 = vector.shape_cast %get3A_309 : vector<1x16xf32> to vector<16xf32>
      %mul3A_311 = arith.constant 16 : i32
      %mul3A_312 = arith.muli %mul3A_311, %scan3A_192 : i32
      %get3A_313 = arith.constant 3 : i32
      %get3A_314 = arith.constant 0 : i32
      %get3A_315 = arith.constant 0 : i32
      %get3A_316 = tpu.memref_slice %arg7[%scan3A_175, %get3A_314, %get3A_315] : memref<2x32x512xf32, #tpu.memory_space<vmem>> -> memref<1x32x512xf32, #tpu.memory_space<vmem>>
      %get3A_317 = tpu.memref_squeeze %get3A_316 : memref<1x32x512xf32, #tpu.memory_space<vmem>> -> memref<32x512xf32, #tpu.memory_space<vmem>>
      %get3A_318 = arith.index_cast %get3A_313 : i32 to index
      %get3A_319 = arith.index_cast %mul3A_312 : i32 to index
      %get3A_320 = tpu.vector_load %get3A_317[%get3A_318, %get3A_319] {strides = array<i32>} : memref<32x512xf32, #tpu.memory_space<vmem>>, vector<1x16xf32>,
      %get3A_321 = vector.shape_cast %get3A_320 : vector<1x16xf32> to vector<16xf32>
      %mul3A_322 = arith.constant 16 : i32
      %mul3A_323 = arith.muli %mul3A_322, %scan3A_192 : i32
      %get3A_324 = arith.constant 3 : i32
      %get3A_325 = arith.constant 0 : i32
      %get3A_326 = arith.constant 0 : i32
      %get3A_327 = tpu.memref_slice %arg8[%scan3A_176, %get3A_325, %get3A_326] : memref<2x32x512xf32, #tpu.memory_space<vmem>> -> memref<1x32x512xf32, #tpu.memory_space<vmem>>
      %get3A_328 = tpu.memref_squeeze %get3A_327 : memref<1x32x512xf32, #tpu.memory_space<vmem>> -> memref<32x512xf32, #tpu.memory_space<vmem>>
      %get3A_329 = arith.index_cast %get3A_324 : i32 to index
      %get3A_330 = arith.index_cast %mul3A_323 : i32 to index
      %get3A_331 = tpu.vector_load %get3A_328[%get3A_329, %get3A_330] {strides = array<i32>} : memref<32x512xf32, #tpu.memory_space<vmem>>, vector<1x16xf32>,
      %get3A_332 = vector.shape_cast %get3A_331 : vector<1x16xf32> to vector<16xf32>
      %sub3A_333 = arith.subf %get3A_310, %get3A_321 : vector<16xf32>
      %abs3A_334 = math.absf %sub3A_333 : vector<16xf32>
      %mul3A_335 = arith.mulf %abs3A_334, %get3A_332 : vector<16xf32>
      %mul3A_336 = arith.constant 16 : i32
      %mul3A_337 = arith.muli %mul3A_336, %scan3A_192 : i32
      %get3A_338 = arith.constant 4 : i32
      %get3A_339 = arith.constant 0 : i32
      %get3A_340 = arith.constant 0 : i32
      %get3A_341 = tpu.memref_slice %arg6[%scan3A_174, %get3A_339, %get3A_340] : memref<2x32x512xf32, #tpu.memory_space<vmem>> -> memref<1x32x512xf32, #tpu.memory_space<vmem>>
      %get3A_342 = tpu.memref_squeeze %get3A_341 : memref<1x32x512xf32, #tpu.memory_space<vmem>> -> memref<32x512xf32, #tpu.memory_space<vmem>>
      %get3A_343 = arith.index_cast %get3A_338 : i32 to index
      %get3A_344 = arith.index_cast %mul3A_337 : i32 to index
      %get3A_345 = tpu.vector_load %get3A_342[%get3A_343, %get3A_344] {strides = array<i32>} : memref<32x512xf32, #tpu.memory_space<vmem>>, vector<1x16xf32>,
      %get3A_346 = vector.shape_cast %get3A_345 : vector<1x16xf32> to vector<16xf32>
      %mul3A_347 = arith.constant 16 : i32
      %mul3A_348 = arith.muli %mul3A_347, %scan3A_192 : i32
      %get3A_349 = arith.constant 4 : i32
      %get3A_350 = arith.constant 0 : i32
      %get3A_351 = arith.constant 0 : i32
      %get3A_352 = tpu.memref_slice %arg7[%scan3A_175, %get3A_350, %get3A_351] : memref<2x32x512xf32, #tpu.memory_space<vmem>> -> memref<1x32x512xf32, #tpu.memory_space<vmem>>
      %get3A_353 = tpu.memref_squeeze %get3A_352 : memref<1x32x512xf32, #tpu.memory_space<vmem>> -> memref<32x512xf32, #tpu.memory_space<vmem>>
      %get3A_354 = arith.index_cast %get3A_349 : i32 to index
      %get3A_355 = arith.index_cast %mul3A_348 : i32 to index
      %get3A_356 = tpu.vector_load %get3A_353[%get3A_354, %get3A_355] {strides = array<i32>} : memref<32x512xf32, #tpu.memory_space<vmem>>, vector<1x16xf32>,
      %get3A_357 = vector.shape_cast %get3A_356 : vector<1x16xf32> to vector<16xf32>
      %mul3A_358 = arith.constant 16 : i32
      %mul3A_359 = arith.muli %mul3A_358, %scan3A_192 : i32
      %get3A_360 = arith.constant 4 : i32
      %get3A_361 = arith.constant 0 : i32
      %get3A_362 = arith.constant 0 : i32
      %get3A_363 = tpu.memref_slice %arg8[%scan3A_176, %get3A_361, %get3A_362] : memref<2x32x512xf32, #tpu.memory_space<vmem>> -> memref<1x32x512xf32, #tpu.memory_space<vmem>>
      %get3A_364 = tpu.memref_squeeze %get3A_363 : memref<1x32x512xf32, #tpu.memory_space<vmem>> -> memref<32x512xf32, #tpu.memory_space<vmem>>
      %get3A_365 = arith.index_cast %get3A_360 : i32 to index
      %get3A_366 = arith.index_cast %mul3A_359 : i32 to index
      %get3A_367 = tpu.vector_load %get3A_364[%get3A_365, %get3A_366] {strides = array<i32>} : memref<32x512xf32, #tpu.memory_space<vmem>>, vector<1x16xf32>,
      %get3A_368 = vector.shape_cast %get3A_367 : vector<1x16xf32> to vector<16xf32>
      %sub3A_369 = arith.subf %get3A_346, %get3A_357 : vector<16xf32>
      %abs3A_370 = math.absf %sub3A_369 : vector<16xf32>
      %mul3A_371 = arith.mulf %abs3A_370, %get3A_368 : vector<16xf32>
      %mul3A_372 = arith.constant 16 : i32
      %mul3A_373 = arith.muli %mul3A_372, %scan3A_192 : i32
      %get3A_374 = arith.constant 5 : i32
      %get3A_375 = arith.constant 0 : i32
      %get3A_376 = arith.constant 0 : i32
      %get3A_377 = tpu.memref_slice %arg6[%scan3A_174, %get3A_375, %get3A_376] : memref<2x32x512xf32, #tpu.memory_space<vmem>> -> memref<1x32x512xf32, #tpu.memory_space<vmem>>
      %get3A_378 = tpu.memref_squeeze %get3A_377 : memref<1x32x512xf32, #tpu.memory_space<vmem>> -> memref<32x512xf32, #tpu.memory_space<vmem>>
      %get3A_379 = arith.index_cast %get3A_374 : i32 to index
      %get3A_380 = arith.index_cast %mul3A_373 : i32 to index
      %get3A_381 = tpu.vector_load %get3A_378[%get3A_379, %get3A_380] {strides = array<i32>} : memref<32x512xf32, #tpu.memory_space<vmem>>, vector<1x16xf32>,
      %get3A_382 = vector.shape_cast %get3A_381 : vector<1x16xf32> to vector<16xf32>
      %mul3A_383 = arith.constant 16 : i32
      %mul3A_384 = arith.muli %mul3A_383, %scan3A_192 : i32
      %get3A_385 = arith.constant 5 : i32
      %get3A_386 = arith.constant 0 : i32
      %get3A_387 = arith.constant 0 : i32
      %get3A_388 = tpu.memref_slice %arg7[%scan3A_175, %get3A_386, %get3A_387] : memref<2x32x512xf32, #tpu.memory_space<vmem>> -> memref<1x32x512xf32, #tpu.memory_space<vmem>>
      %get3A_389 = tpu.memref_squeeze %get3A_388 : memref<1x32x512xf32, #tpu.memory_space<vmem>> -> memref<32x512xf32, #tpu.memory_space<vmem>>
      %get3A_390 = arith.index_cast %get3A_385 : i32 to index
      %get3A_391 = arith.index_cast %mul3A_384 : i32 to index
      %get3A_392 = tpu.vector_load %get3A_389[%get3A_390, %get3A_391] {strides = array<i32>} : memref<32x512xf32, #tpu.memory_space<vmem>>, vector<1x16xf32>,
      %get3A_393 = vector.shape_cast %get3A_392 : vector<1x16xf32> to vector<16xf32>
      %mul3A_394 = arith.constant 16 : i32
      %mul3A_395 = arith.muli %mul3A_394, %scan3A_192 : i32
      %get3A_396 = arith.constant 5 : i32
      %get3A_397 = arith.constant 0 : i32
      %get3A_398 = arith.constant 0 : i32
      %get3A_399 = tpu.memref_slice %arg8[%scan3A_176, %get3A_397, %get3A_398] : memref<2x32x512xf32, #tpu.memory_space<vmem>> -> memref<1x32x512xf32, #tpu.memory_space<vmem>>
      %get3A_400 = tpu.memref_squeeze %get3A_399 : memref<1x32x512xf32, #tpu.memory_space<vmem>> -> memref<32x512xf32, #tpu.memory_space<vmem>>
      %get3A_401 = arith.index_cast %get3A_396 : i32 to index
      %get3A_402 = arith.index_cast %mul3A_395 : i32 to index
      %get3A_403 = tpu.vector_load %get3A_400[%get3A_401, %get3A_402] {strides = array<i32>} : memref<32x512xf32, #tpu.memory_space<vmem>>, vector<1x16xf32>,
      %get3A_404 = vector.shape_cast %get3A_403 : vector<1x16xf32> to vector<16xf32>
      %sub3A_405 = arith.subf %get3A_382, %get3A_393 : vector<16xf32>
      %abs3A_406 = math.absf %sub3A_405 : vector<16xf32>
      %mul3A_407 = arith.mulf %abs3A_406, %get3A_404 : vector<16xf32>
      %mul3A_408 = arith.constant 16 : i32
      %mul3A_409 = arith.muli %mul3A_408, %scan3A_192 : i32
      %get3A_410 = arith.constant 6 : i32
      %get3A_411 = arith.constant 0 : i32
      %get3A_412 = arith.constant 0 : i32
      %get3A_413 = tpu.memref_slice %arg6[%scan3A_174, %get3A_411, %get3A_412] : memref<2x32x512xf32, #tpu.memory_space<vmem>> -> memref<1x32x512xf32, #tpu.memory_space<vmem>>
      %get3A_414 = tpu.memref_squeeze %get3A_413 : memref<1x32x512xf32, #tpu.memory_space<vmem>> -> memref<32x512xf32, #tpu.memory_space<vmem>>
      %get3A_415 = arith.index_cast %get3A_410 : i32 to index
      %get3A_416 = arith.index_cast %mul3A_409 : i32 to index
      %get3A_417 = tpu.vector_load %get3A_414[%get3A_415, %get3A_416] {strides = array<i32>} : memref<32x512xf32, #tpu.memory_space<vmem>>, vector<1x16xf32>,
      %get3A_418 = vector.shape_cast %get3A_417 : vector<1x16xf32> to vector<16xf32>
      %mul3A_419 = arith.constant 16 : i32
      %mul3A_420 = arith.muli %mul3A_419, %scan3A_192 : i32
      %get3A_421 = arith.constant 6 : i32
      %get3A_422 = arith.constant 0 : i32
      %get3A_423 = arith.constant 0 : i32
      %get3A_424 = tpu.memref_slice %arg7[%scan3A_175, %get3A_422, %get3A_423] : memref<2x32x512xf32, #tpu.memory_space<vmem>> -> memref<1x32x512xf32, #tpu.memory_space<vmem>>
      %get3A_425 = tpu.memref_squeeze %get3A_424 : memref<1x32x512xf32, #tpu.memory_space<vmem>> -> memref<32x512xf32, #tpu.memory_space<vmem>>
      %get3A_426 = arith.index_cast %get3A_421 : i32 to index
      %get3A_427 = arith.index_cast %mul3A_420 : i32 to index
      %get3A_428 = tpu.vector_load %get3A_425[%get3A_426, %get3A_427] {strides = array<i32>} : memref<32x512xf32, #tpu.memory_space<vmem>>, vector<1x16xf32>,
      %get3A_429 = vector.shape_cast %get3A_428 : vector<1x16xf32> to vector<16xf32>
      %mul3A_430 = arith.constant 16 : i32
      %mul3A_431 = arith.muli %mul3A_430, %scan3A_192 : i32
      %get3A_432 = arith.constant 6 : i32
      %get3A_433 = arith.constant 0 : i32
      %get3A_434 = arith.constant 0 : i32
      %get3A_435 = tpu.memref_slice %arg8[%scan3A_176, %get3A_433, %get3A_434] : memref<2x32x512xf32, #tpu.memory_space<vmem>> -> memref<1x32x512xf32, #tpu.memory_space<vmem>>
      %get3A_436 = tpu.memref_squeeze %get3A_435 : memref<1x32x512xf32, #tpu.memory_space<vmem>> -> memref<32x512xf32, #tpu.memory_space<vmem>>
      %get3A_437 = arith.index_cast %get3A_432 : i32 to index
      %get3A_438 = arith.index_cast %mul3A_431 : i32 to index
      %get3A_439 = tpu.vector_load %get3A_436[%get3A_437, %get3A_438] {strides = array<i32>} : memref<32x512xf32, #tpu.memory_space<vmem>>, vector<1x16xf32>,
      %get3A_440 = vector.shape_cast %get3A_439 : vector<1x16xf32> to vector<16xf32>
      %sub3A_441 = arith.subf %get3A_418, %get3A_429 : vector<16xf32>
      %abs3A_442 = math.absf %sub3A_441 : vector<16xf32>
      %mul3A_443 = arith.mulf %abs3A_442, %get3A_440 : vector<16xf32>
      %mul3A_444 = arith.constant 16 : i32
      %mul3A_445 = arith.muli %mul3A_444, %scan3A_192 : i32
      %get3A_446 = arith.constant 7 : i32
      %get3A_447 = arith.constant 0 : i32
      %get3A_448 = arith.constant 0 : i32
      %get3A_449 = tpu.memref_slice %arg6[%scan3A_174, %get3A_447, %get3A_448] : memref<2x32x512xf32, #tpu.memory_space<vmem>> -> memref<1x32x512xf32, #tpu.memory_space<vmem>>
      %get3A_450 = tpu.memref_squeeze %get3A_449 : memref<1x32x512xf32, #tpu.memory_space<vmem>> -> memref<32x512xf32, #tpu.memory_space<vmem>>
      %get3A_451 = arith.index_cast %get3A_446 : i32 to index
      %get3A_452 = arith.index_cast %mul3A_445 : i32 to index
      %get3A_453 = tpu.vector_load %get3A_450[%get3A_451, %get3A_452] {strides = array<i32>} : memref<32x512xf32, #tpu.memory_space<vmem>>, vector<1x16xf32>,
      %get3A_454 = vector.shape_cast %get3A_453 : vector<1x16xf32> to vector<16xf32>
      %mul3A_455 = arith.constant 16 : i32
      %mul3A_456 = arith.muli %mul3A_455, %scan3A_192 : i32
      %get3A_457 = arith.constant 7 : i32
      %get3A_458 = arith.constant 0 : i32
      %get3A_459 = arith.constant 0 : i32
      %get3A_460 = tpu.memref_slice %arg7[%scan3A_175, %get3A_458, %get3A_459] : memref<2x32x512xf32, #tpu.memory_space<vmem>> -> memref<1x32x512xf32, #tpu.memory_space<vmem>>
      %get3A_461 = tpu.memref_squeeze %get3A_460 : memref<1x32x512xf32, #tpu.memory_space<vmem>> -> memref<32x512xf32, #tpu.memory_space<vmem>>
      %get3A_462 = arith.index_cast %get3A_457 : i32 to index
      %get3A_463 = arith.index_cast %mul3A_456 : i32 to index
      %get3A_464 = tpu.vector_load %get3A_461[%get3A_462, %get3A_463] {strides = array<i32>} : memref<32x512xf32, #tpu.memory_space<vmem>>, vector<1x16xf32>,
      %get3A_465 = vector.shape_cast %get3A_464 : vector<1x16xf32> to vector<16xf32>
      %mul3A_466 = arith.constant 16 : i32
      %mul3A_467 = arith.muli %mul3A_466, %scan3A_192 : i32
      %get3A_468 = arith.constant 7 : i32
      %get3A_469 = arith.constant 0 : i32
      %get3A_470 = arith.constant 0 : i32
      %get3A_471 = tpu.memref_slice %arg8[%scan3A_176, %get3A_469, %get3A_470] : memref<2x32x512xf32, #tpu.memory_space<vmem>> -> memref<1x32x512xf32, #tpu.memory_space<vmem>>
      %get3A_472 = tpu.memref_squeeze %get3A_471 : memref<1x32x512xf32, #tpu.memory_space<vmem>> -> memref<32x512xf32, #tpu.memory_space<vmem>>
      %get3A_473 = arith.index_cast %get3A_468 : i32 to index
      %get3A_474 = arith.index_cast %mul3A_467 : i32 to index
      %get3A_475 = tpu.vector_load %get3A_472[%get3A_473, %get3A_474] {strides = array<i32>} : memref<32x512xf32, #tpu.memory_space<vmem>>, vector<1x16xf32>,
      %get3A_476 = vector.shape_cast %get3A_475 : vector<1x16xf32> to vector<16xf32>
      %sub3A_477 = arith.subf %get3A_454, %get3A_465 : vector<16xf32>
      %abs3A_478 = math.absf %sub3A_477 : vector<16xf32>
      %mul3A_479 = arith.mulf %abs3A_478, %get3A_476 : vector<16xf32>
      %mul3A_480 = arith.constant 16 : i32
      %mul3A_481 = arith.muli %mul3A_480, %scan3A_192 : i32
      %get3A_482 = arith.constant 8 : i32
      %get3A_483 = arith.constant 0 : i32
      %get3A_484 = arith.constant 0 : i32
      %get3A_485 = tpu.memref_slice %arg6[%scan3A_174, %get3A_483, %get3A_484] : memref<2x32x512xf32, #tpu.memory_space<vmem>> -> memref<1x32x512xf32, #tpu.memory_space<vmem>>
      %get3A_486 = tpu.memref_squeeze %get3A_485 : memref<1x32x512xf32, #tpu.memory_space<vmem>> -> memref<32x512xf32, #tpu.memory_space<vmem>>
      %get3A_487 = arith.index_cast %get3A_482 : i32 to index
      %get3A_488 = arith.index_cast %mul3A_481 : i32 to index
      %get3A_489 = tpu.vector_load %get3A_486[%get3A_487, %get3A_488] {strides = array<i32>} : memref<32x512xf32, #tpu.memory_space<vmem>>, vector<1x16xf32>,
      %get3A_490 = vector.shape_cast %get3A_489 : vector<1x16xf32> to vector<16xf32>
      %mul3A_491 = arith.constant 16 : i32
      %mul3A_492 = arith.muli %mul3A_491, %scan3A_192 : i32
      %get3A_493 = arith.constant 8 : i32
      %get3A_494 = arith.constant 0 : i32
      %get3A_495 = arith.constant 0 : i32
      %get3A_496 = tpu.memref_slice %arg7[%scan3A_175, %get3A_494, %get3A_495] : memref<2x32x512xf32, #tpu.memory_space<vmem>> -> memref<1x32x512xf32, #tpu.memory_space<vmem>>
      %get3A_497 = tpu.memref_squeeze %get3A_496 : memref<1x32x512xf32, #tpu.memory_space<vmem>> -> memref<32x512xf32, #tpu.memory_space<vmem>>
      %get3A_498 = arith.index_cast %get3A_493 : i32 to index
      %get3A_499 = arith.index_cast %mul3A_492 : i32 to index
      %get3A_500 = tpu.vector_load %get3A_497[%get3A_498, %get3A_499] {strides = array<i32>} : memref<32x512xf32, #tpu.memory_space<vmem>>, vector<1x16xf32>,
      %get3A_501 = vector.shape_cast %get3A_500 : vector<1x16xf32> to vector<16xf32>
      %mul3A_502 = arith.constant 16 : i32
      %mul3A_503 = arith.muli %mul3A_502, %scan3A_192 : i32
      %get3A_504 = arith.constant 8 : i32
      %get3A_505 = arith.constant 0 : i32
      %get3A_506 = arith.constant 0 : i32
      %get3A_507 = tpu.memref_slice %arg8[%scan3A_176, %get3A_505, %get3A_506] : memref<2x32x512xf32, #tpu.memory_space<vmem>> -> memref<1x32x512xf32, #tpu.memory_space<vmem>>
      %get3A_508 = tpu.memref_squeeze %get3A_507 : memref<1x32x512xf32, #tpu.memory_space<vmem>> -> memref<32x512xf32, #tpu.memory_space<vmem>>
      %get3A_509 = arith.index_cast %get3A_504 : i32 to index
      %get3A_510 = arith.index_cast %mul3A_503 : i32 to index
      %get3A_511 = tpu.vector_load %get3A_508[%get3A_509, %get3A_510] {strides = array<i32>} : memref<32x512xf32, #tpu.memory_space<vmem>>, vector<1x16xf32>,
      %get3A_512 = vector.shape_cast %get3A_511 : vector<1x16xf32> to vector<16xf32>
      %sub3A_513 = arith.subf %get3A_490, %get3A_501 : vector<16xf32>
      %abs3A_514 = math.absf %sub3A_513 : vector<16xf32>
      %mul3A_515 = arith.mulf %abs3A_514, %get3A_512 : vector<16xf32>
      %mul3A_516 = arith.constant 16 : i32
      %mul3A_517 = arith.muli %mul3A_516, %scan3A_192 : i32
      %get3A_518 = arith.constant 9 : i32
      %get3A_519 = arith.constant 0 : i32
      %get3A_520 = arith.constant 0 : i32
      %get3A_521 = tpu.memref_slice %arg6[%scan3A_174, %get3A_519, %get3A_520] : memref<2x32x512xf32, #tpu.memory_space<vmem>> -> memref<1x32x512xf32, #tpu.memory_space<vmem>>
      %get3A_522 = tpu.memref_squeeze %get3A_521 : memref<1x32x512xf32, #tpu.memory_space<vmem>> -> memref<32x512xf32, #tpu.memory_space<vmem>>
      %get3A_523 = arith.index_cast %get3A_518 : i32 to index
      %get3A_524 = arith.index_cast %mul3A_517 : i32 to index
      %get3A_525 = tpu.vector_load %get3A_522[%get3A_523, %get3A_524] {strides = array<i32>} : memref<32x512xf32, #tpu.memory_space<vmem>>, vector<1x16xf32>,
      %get3A_526 = vector.shape_cast %get3A_525 : vector<1x16xf32> to vector<16xf32>
      %mul3A_527 = arith.constant 16 : i32
      %mul3A_528 = arith.muli %mul3A_527, %scan3A_192 : i32
      %get3A_529 = arith.constant 9 : i32
      %get3A_530 = arith.constant 0 : i32
      %get3A_531 = arith.constant 0 : i32
      %get3A_532 = tpu.memref_slice %arg7[%scan3A_175, %get3A_530, %get3A_531] : memref<2x32x512xf32, #tpu.memory_space<vmem>> -> memref<1x32x512xf32, #tpu.memory_space<vmem>>
      %get3A_533 = tpu.memref_squeeze %get3A_532 : memref<1x32x512xf32, #tpu.memory_space<vmem>> -> memref<32x512xf32, #tpu.memory_space<vmem>>
      %get3A_534 = arith.index_cast %get3A_529 : i32 to index
      %get3A_535 = arith.index_cast %mul3A_528 : i32 to index
      %get3A_536 = tpu.vector_load %get3A_533[%get3A_534, %get3A_535] {strides = array<i32>} : memref<32x512xf32, #tpu.memory_space<vmem>>, vector<1x16xf32>,
      %get3A_537 = vector.shape_cast %get3A_536 : vector<1x16xf32> to vector<16xf32>
      %mul3A_538 = arith.constant 16 : i32
      %mul3A_539 = arith.muli %mul3A_538, %scan3A_192 : i32
      %get3A_540 = arith.constant 9 : i32
      %get3A_541 = arith.constant 0 : i32
      %get3A_542 = arith.constant 0 : i32
      %get3A_543 = tpu.memref_slice %arg8[%scan3A_176, %get3A_541, %get3A_542] : memref<2x32x512xf32, #tpu.memory_space<vmem>> -> memref<1x32x512xf32, #tpu.memory_space<vmem>>
      %get3A_544 = tpu.memref_squeeze %get3A_543 : memref<1x32x512xf32, #tpu.memory_space<vmem>> -> memref<32x512xf32, #tpu.memory_space<vmem>>
      %get3A_545 = arith.index_cast %get3A_540 : i32 to index
      %get3A_546 = arith.index_cast %mul3A_539 : i32 to index
      %get3A_547 = tpu.vector_load %get3A_544[%get3A_545, %get3A_546] {strides = array<i32>} : memref<32x512xf32, #tpu.memory_space<vmem>>, vector<1x16xf32>,
      %get3A_548 = vector.shape_cast %get3A_547 : vector<1x16xf32> to vector<16xf32>
      %sub3A_549 = arith.subf %get3A_526, %get3A_537 : vector<16xf32>
      %abs3A_550 = math.absf %sub3A_549 : vector<16xf32>
      %mul3A_551 = arith.mulf %abs3A_550, %get3A_548 : vector<16xf32>
      %mul3A_552 = arith.constant 16 : i32
      %mul3A_553 = arith.muli %mul3A_552, %scan3A_192 : i32
      %get3A_554 = arith.constant 10 : i32
      %get3A_555 = arith.constant 0 : i32
      %get3A_556 = arith.constant 0 : i32
      %get3A_557 = tpu.memref_slice %arg6[%scan3A_174, %get3A_555, %get3A_556] : memref<2x32x512xf32, #tpu.memory_space<vmem>> -> memref<1x32x512xf32, #tpu.memory_space<vmem>>
      %get3A_558 = tpu.memref_squeeze %get3A_557 : memref<1x32x512xf32, #tpu.memory_space<vmem>> -> memref<32x512xf32, #tpu.memory_space<vmem>>
      %get3A_559 = arith.index_cast %get3A_554 : i32 to index
      %get3A_560 = arith.index_cast %mul3A_553 : i32 to index
      %get3A_561 = tpu.vector_load %get3A_558[%get3A_559, %get3A_560] {strides = array<i32>} : memref<32x512xf32, #tpu.memory_space<vmem>>, vector<1x16xf32>,
      %get3A_562 = vector.shape_cast %get3A_561 : vector<1x16xf32> to vector<16xf32>
      %mul3A_563 = arith.constant 16 : i32
      %mul3A_564 = arith.muli %mul3A_563, %scan3A_192 : i32
      %get3A_565 = arith.constant 10 : i32
      %get3A_566 = arith.constant 0 : i32
      %get3A_567 = arith.constant 0 : i32
      %get3A_568 = tpu.memref_slice %arg7[%scan3A_175, %get3A_566, %get3A_567] : memref<2x32x512xf32, #tpu.memory_space<vmem>> -> memref<1x32x512xf32, #tpu.memory_space<vmem>>
      %get3A_569 = tpu.memref_squeeze %get3A_568 : memref<1x32x512xf32, #tpu.memory_space<vmem>> -> memref<32x512xf32, #tpu.memory_space<vmem>>
      %get3A_570 = arith.index_cast %get3A_565 : i32 to index
      %get3A_571 = arith.index_cast %mul3A_564 : i32 to index
      %get3A_572 = tpu.vector_load %get3A_569[%get3A_570, %get3A_571] {strides = array<i32>} : memref<32x512xf32, #tpu.memory_space<vmem>>, vector<1x16xf32>,
      %get3A_573 = vector.shape_cast %get3A_572 : vector<1x16xf32> to vector<16xf32>
      %mul3A_574 = arith.constant 16 : i32
      %mul3A_575 = arith.muli %mul3A_574, %scan3A_192 : i32
      %get3A_576 = arith.constant 10 : i32
      %get3A_577 = arith.constant 0 : i32
      %get3A_578 = arith.constant 0 : i32
      %get3A_579 = tpu.memref_slice %arg8[%scan3A_176, %get3A_577, %get3A_578] : memref<2x32x512xf32, #tpu.memory_space<vmem>> -> memref<1x32x512xf32, #tpu.memory_space<vmem>>
      %get3A_580 = tpu.memref_squeeze %get3A_579 : memref<1x32x512xf32, #tpu.memory_space<vmem>> -> memref<32x512xf32, #tpu.memory_space<vmem>>
      %get3A_581 = arith.index_cast %get3A_576 : i32 to index
      %get3A_582 = arith.index_cast %mul3A_575 : i32 to index
      %get3A_583 = tpu.vector_load %get3A_580[%get3A_581, %get3A_582] {strides = array<i32>} : memref<32x512xf32, #tpu.memory_space<vmem>>, vector<1x16xf32>,
      %get3A_584 = vector.shape_cast %get3A_583 : vector<1x16xf32> to vector<16xf32>
      %sub3A_585 = arith.subf %get3A_562, %get3A_573 : vector<16xf32>
      %abs3A_586 = math.absf %sub3A_585 : vector<16xf32>
      %mul3A_587 = arith.mulf %abs3A_586, %get3A_584 : vector<16xf32>
      %mul3A_588 = arith.constant 16 : i32
      %mul3A_589 = arith.muli %mul3A_588, %scan3A_192 : i32
      %get3A_590 = arith.constant 11 : i32
      %get3A_591 = arith.constant 0 : i32
      %get3A_592 = arith.constant 0 : i32
      %get3A_593 = tpu.memref_slice %arg6[%scan3A_174, %get3A_591, %get3A_592] : memref<2x32x512xf32, #tpu.memory_space<vmem>> -> memref<1x32x512xf32, #tpu.memory_space<vmem>>
      %get3A_594 = tpu.memref_squeeze %get3A_593 : memref<1x32x512xf32, #tpu.memory_space<vmem>> -> memref<32x512xf32, #tpu.memory_space<vmem>>
      %get3A_595 = arith.index_cast %get3A_590 : i32 to index
      %get3A_596 = arith.index_cast %mul3A_589 : i32 to index
      %get3A_597 = tpu.vector_load %get3A_594[%get3A_595, %get3A_596] {strides = array<i32>} : memref<32x512xf32, #tpu.memory_space<vmem>>, vector<1x16xf32>,
      %get3A_598 = vector.shape_cast %get3A_597 : vector<1x16xf32> to vector<16xf32>
      %mul3A_599 = arith.constant 16 : i32
      %mul3A_600 = arith.muli %mul3A_599, %scan3A_192 : i32
      %get3A_601 = arith.constant 11 : i32
      %get3A_602 = arith.constant 0 : i32
      %get3A_603 = arith.constant 0 : i32
      %get3A_604 = tpu.memref_slice %arg7[%scan3A_175, %get3A_602, %get3A_603] : memref<2x32x512xf32, #tpu.memory_space<vmem>> -> memref<1x32x512xf32, #tpu.memory_space<vmem>>
      %get3A_605 = tpu.memref_squeeze %get3A_604 : memref<1x32x512xf32, #tpu.memory_space<vmem>> -> memref<32x512xf32, #tpu.memory_space<vmem>>
      %get3A_606 = arith.index_cast %get3A_601 : i32 to index
      %get3A_607 = arith.index_cast %mul3A_600 : i32 to index
      %get3A_608 = tpu.vector_load %get3A_605[%get3A_606, %get3A_607] {strides = array<i32>} : memref<32x512xf32, #tpu.memory_space<vmem>>, vector<1x16xf32>,
      %get3A_609 = vector.shape_cast %get3A_608 : vector<1x16xf32> to vector<16xf32>
      %mul3A_610 = arith.constant 16 : i32
      %mul3A_611 = arith.muli %mul3A_610, %scan3A_192 : i32
      %get3A_612 = arith.constant 11 : i32
      %get3A_613 = arith.constant 0 : i32
      %get3A_614 = arith.constant 0 : i32
      %get3A_615 = tpu.memref_slice %arg8[%scan3A_176, %get3A_613, %get3A_614] : memref<2x32x512xf32, #tpu.memory_space<vmem>> -> memref<1x32x512xf32, #tpu.memory_space<vmem>>
      %get3A_616 = tpu.memref_squeeze %get3A_615 : memref<1x32x512xf32, #tpu.memory_space<vmem>> -> memref<32x512xf32, #tpu.memory_space<vmem>>
      %get3A_617 = arith.index_cast %get3A_612 : i32 to index
      %get3A_618 = arith.index_cast %mul3A_611 : i32 to index
      %get3A_619 = tpu.vector_load %get3A_616[%get3A_617, %get3A_618] {strides = array<i32>} : memref<32x512xf32, #tpu.memory_space<vmem>>, vector<1x16xf32>,
      %get3A_620 = vector.shape_cast %get3A_619 : vector<1x16xf32> to vector<16xf32>
      %sub3A_621 = arith.subf %get3A_598, %get3A_609 : vector<16xf32>
      %abs3A_622 = math.absf %sub3A_621 : vector<16xf32>
      %mul3A_623 = arith.mulf %abs3A_622, %get3A_620 : vector<16xf32>
      %mul3A_624 = arith.constant 16 : i32
      %mul3A_625 = arith.muli %mul3A_624, %scan3A_192 : i32
      %get3A_626 = arith.constant 12 : i32
      %get3A_627 = arith.constant 0 : i32
      %get3A_628 = arith.constant 0 : i32
      %get3A_629 = tpu.memref_slice %arg6[%scan3A_174, %get3A_627, %get3A_628] : memref<2x32x512xf32, #tpu.memory_space<vmem>> -> memref<1x32x512xf32, #tpu.memory_space<vmem>>
      %get3A_630 = tpu.memref_squeeze %get3A_629 : memref<1x32x512xf32, #tpu.memory_space<vmem>> -> memref<32x512xf32, #tpu.memory_space<vmem>>
      %get3A_631 = arith.index_cast %get3A_626 : i32 to index
      %get3A_632 = arith.index_cast %mul3A_625 : i32 to index
      %get3A_633 = tpu.vector_load %get3A_630[%get3A_631, %get3A_632] {strides = array<i32>} : memref<32x512xf32, #tpu.memory_space<vmem>>, vector<1x16xf32>,
      %get3A_634 = vector.shape_cast %get3A_633 : vector<1x16xf32> to vector<16xf32>
      %mul3A_635 = arith.constant 16 : i32
      %mul3A_636 = arith.muli %mul3A_635, %scan3A_192 : i32
      %get3A_637 = arith.constant 12 : i32
      %get3A_638 = arith.constant 0 : i32
      %get3A_639 = arith.constant 0 : i32
      %get3A_640 = tpu.memref_slice %arg7[%scan3A_175, %get3A_638, %get3A_639] : memref<2x32x512xf32, #tpu.memory_space<vmem>> -> memref<1x32x512xf32, #tpu.memory_space<vmem>>
      %get3A_641 = tpu.memref_squeeze %get3A_640 : memref<1x32x512xf32, #tpu.memory_space<vmem>> -> memref<32x512xf32, #tpu.memory_space<vmem>>
      %get3A_642 = arith.index_cast %get3A_637 : i32 to index
      %get3A_643 = arith.index_cast %mul3A_636 : i32 to index
      %get3A_644 = tpu.vector_load %get3A_641[%get3A_642, %get3A_643] {strides = array<i32>} : memref<32x512xf32, #tpu.memory_space<vmem>>, vector<1x16xf32>,
      %get3A_645 = vector.shape_cast %get3A_644 : vector<1x16xf32> to vector<16xf32>
      %mul3A_646 = arith.constant 16 : i32
      %mul3A_647 = arith.muli %mul3A_646, %scan3A_192 : i32
      %get3A_648 = arith.constant 12 : i32
      %get3A_649 = arith.constant 0 : i32
      %get3A_650 = arith.constant 0 : i32
      %get3A_651 = tpu.memref_slice %arg8[%scan3A_176, %get3A_649, %get3A_650] : memref<2x32x512xf32, #tpu.memory_space<vmem>> -> memref<1x32x512xf32, #tpu.memory_space<vmem>>
      %get3A_652 = tpu.memref_squeeze %get3A_651 : memref<1x32x512xf32, #tpu.memory_space<vmem>> -> memref<32x512xf32, #tpu.memory_space<vmem>>
      %get3A_653 = arith.index_cast %get3A_648 : i32 to index
      %get3A_654 = arith.index_cast %mul3A_647 : i32 to index
      %get3A_655 = tpu.vector_load %get3A_652[%get3A_653, %get3A_654] {strides = array<i32>} : memref<32x512xf32, #tpu.memory_space<vmem>>, vector<1x16xf32>,
      %get3A_656 = vector.shape_cast %get3A_655 : vector<1x16xf32> to vector<16xf32>
      %sub3A_657 = arith.subf %get3A_634, %get3A_645 : vector<16xf32>
      %abs3A_658 = math.absf %sub3A_657 : vector<16xf32>
      %mul3A_659 = arith.mulf %abs3A_658, %get3A_656 : vector<16xf32>
      %mul3A_660 = arith.constant 16 : i32
      %mul3A_661 = arith.muli %mul3A_660, %scan3A_192 : i32
      %get3A_662 = arith.constant 13 : i32
      %get3A_663 = arith.constant 0 : i32
      %get3A_664 = arith.constant 0 : i32
      %get3A_665 = tpu.memref_slice %arg6[%scan3A_174, %get3A_663, %get3A_664] : memref<2x32x512xf32, #tpu.memory_space<vmem>> -> memref<1x32x512xf32, #tpu.memory_space<vmem>>
      %get3A_666 = tpu.memref_squeeze %get3A_665 : memref<1x32x512xf32, #tpu.memory_space<vmem>> -> memref<32x512xf32, #tpu.memory_space<vmem>>
      %get3A_667 = arith.index_cast %get3A_662 : i32 to index
      %get3A_668 = arith.index_cast %mul3A_661 : i32 to index
      %get3A_669 = tpu.vector_load %get3A_666[%get3A_667, %get3A_668] {strides = array<i32>} : memref<32x512xf32, #tpu.memory_space<vmem>>, vector<1x16xf32>,
      %get3A_670 = vector.shape_cast %get3A_669 : vector<1x16xf32> to vector<16xf32>
      %mul3A_671 = arith.constant 16 : i32
      %mul3A_672 = arith.muli %mul3A_671, %scan3A_192 : i32
      %get3A_673 = arith.constant 13 : i32
      %get3A_674 = arith.constant 0 : i32
      %get3A_675 = arith.constant 0 : i32
      %get3A_676 = tpu.memref_slice %arg7[%scan3A_175, %get3A_674, %get3A_675] : memref<2x32x512xf32, #tpu.memory_space<vmem>> -> memref<1x32x512xf32, #tpu.memory_space<vmem>>
      %get3A_677 = tpu.memref_squeeze %get3A_676 : memref<1x32x512xf32, #tpu.memory_space<vmem>> -> memref<32x512xf32, #tpu.memory_space<vmem>>
      %get3A_678 = arith.index_cast %get3A_673 : i32 to index
      %get3A_679 = arith.index_cast %mul3A_672 : i32 to index
      %get3A_680 = tpu.vector_load %get3A_677[%get3A_678, %get3A_679] {strides = array<i32>} : memref<32x512xf32, #tpu.memory_space<vmem>>, vector<1x16xf32>,
      %get3A_681 = vector.shape_cast %get3A_680 : vector<1x16xf32> to vector<16xf32>
      %mul3A_682 = arith.constant 16 : i32
      %mul3A_683 = arith.muli %mul3A_682, %scan3A_192 : i32
      %get3A_684 = arith.constant 13 : i32
      %get3A_685 = arith.constant 0 : i32
      %get3A_686 = arith.constant 0 : i32
      %get3A_687 = tpu.memref_slice %arg8[%scan3A_176, %get3A_685, %get3A_686] : memref<2x32x512xf32, #tpu.memory_space<vmem>> -> memref<1x32x512xf32, #tpu.memory_space<vmem>>
      %get3A_688 = tpu.memref_squeeze %get3A_687 : memref<1x32x512xf32, #tpu.memory_space<vmem>> -> memref<32x512xf32, #tpu.memory_space<vmem>>
      %get3A_689 = arith.index_cast %get3A_684 : i32 to index
      %get3A_690 = arith.index_cast %mul3A_683 : i32 to index
      %get3A_691 = tpu.vector_load %get3A_688[%get3A_689, %get3A_690] {strides = array<i32>} : memref<32x512xf32, #tpu.memory_space<vmem>>, vector<1x16xf32>,
      %get3A_692 = vector.shape_cast %get3A_691 : vector<1x16xf32> to vector<16xf32>
      %sub3A_693 = arith.subf %get3A_670, %get3A_681 : vector<16xf32>
      %abs3A_694 = math.absf %sub3A_693 : vector<16xf32>
      %mul3A_695 = arith.mulf %abs3A_694, %get3A_692 : vector<16xf32>
      %mul3A_696 = arith.constant 16 : i32
      %mul3A_697 = arith.muli %mul3A_696, %scan3A_192 : i32
      %get3A_698 = arith.constant 14 : i32
      %get3A_699 = arith.constant 0 : i32
      %get3A_700 = arith.constant 0 : i32
      %get3A_701 = tpu.memref_slice %arg6[%scan3A_174, %get3A_699, %get3A_700] : memref<2x32x512xf32, #tpu.memory_space<vmem>> -> memref<1x32x512xf32, #tpu.memory_space<vmem>>
      %get3A_702 = tpu.memref_squeeze %get3A_701 : memref<1x32x512xf32, #tpu.memory_space<vmem>> -> memref<32x512xf32, #tpu.memory_space<vmem>>
      %get3A_703 = arith.index_cast %get3A_698 : i32 to index
      %get3A_704 = arith.index_cast %mul3A_697 : i32 to index
      %get3A_705 = tpu.vector_load %get3A_702[%get3A_703, %get3A_704] {strides = array<i32>} : memref<32x512xf32, #tpu.memory_space<vmem>>, vector<1x16xf32>,
      %get3A_706 = vector.shape_cast %get3A_705 : vector<1x16xf32> to vector<16xf32>
      %mul3A_707 = arith.constant 16 : i32
      %mul3A_708 = arith.muli %mul3A_707, %scan3A_192 : i32
      %get3A_709 = arith.constant 14 : i32
      %get3A_710 = arith.constant 0 : i32
      %get3A_711 = arith.constant 0 : i32
      %get3A_712 = tpu.memref_slice %arg7[%scan3A_175, %get3A_710, %get3A_711] : memref<2x32x512xf32, #tpu.memory_space<vmem>> -> memref<1x32x512xf32, #tpu.memory_space<vmem>>
      %get3A_713 = tpu.memref_squeeze %get3A_712 : memref<1x32x512xf32, #tpu.memory_space<vmem>> -> memref<32x512xf32, #tpu.memory_space<vmem>>
      %get3A_714 = arith.index_cast %get3A_709 : i32 to index
      %get3A_715 = arith.index_cast %mul3A_708 : i32 to index
      %get3A_716 = tpu.vector_load %get3A_713[%get3A_714, %get3A_715] {strides = array<i32>} : memref<32x512xf32, #tpu.memory_space<vmem>>, vector<1x16xf32>,
      %get3A_717 = vector.shape_cast %get3A_716 : vector<1x16xf32> to vector<16xf32>
      %mul3A_718 = arith.constant 16 : i32
      %mul3A_719 = arith.muli %mul3A_718, %scan3A_192 : i32
      %get3A_720 = arith.constant 14 : i32
      %get3A_721 = arith.constant 0 : i32
      %get3A_722 = arith.constant 0 : i32
      %get3A_723 = tpu.memref_slice %arg8[%scan3A_176, %get3A_721, %get3A_722] : memref<2x32x512xf32, #tpu.memory_space<vmem>> -> memref<1x32x512xf32, #tpu.memory_space<vmem>>
      %get3A_724 = tpu.memref_squeeze %get3A_723 : memref<1x32x512xf32, #tpu.memory_space<vmem>> -> memref<32x512xf32, #tpu.memory_space<vmem>>
      %get3A_725 = arith.index_cast %get3A_720 : i32 to index
      %get3A_726 = arith.index_cast %mul3A_719 : i32 to index
      %get3A_727 = tpu.vector_load %get3A_724[%get3A_725, %get3A_726] {strides = array<i32>} : memref<32x512xf32, #tpu.memory_space<vmem>>, vector<1x16xf32>,
      %get3A_728 = vector.shape_cast %get3A_727 : vector<1x16xf32> to vector<16xf32>
      %sub3A_729 = arith.subf %get3A_706, %get3A_717 : vector<16xf32>
      %abs3A_730 = math.absf %sub3A_729 : vector<16xf32>
      %mul3A_731 = arith.mulf %abs3A_730, %get3A_728 : vector<16xf32>
      %mul3A_732 = arith.constant 16 : i32
      %mul3A_733 = arith.muli %mul3A_732, %scan3A_192 : i32
      %get3A_734 = arith.constant 15 : i32
      %get3A_735 = arith.constant 0 : i32
      %get3A_736 = arith.constant 0 : i32
      %get3A_737 = tpu.memref_slice %arg6[%scan3A_174, %get3A_735, %get3A_736] : memref<2x32x512xf32, #tpu.memory_space<vmem>> -> memref<1x32x512xf32, #tpu.memory_space<vmem>>
      %get3A_738 = tpu.memref_squeeze %get3A_737 : memref<1x32x512xf32, #tpu.memory_space<vmem>> -> memref<32x512xf32, #tpu.memory_space<vmem>>
      %get3A_739 = arith.index_cast %get3A_734 : i32 to index
      %get3A_740 = arith.index_cast %mul3A_733 : i32 to index
      %get3A_741 = tpu.vector_load %get3A_738[%get3A_739, %get3A_740] {strides = array<i32>} : memref<32x512xf32, #tpu.memory_space<vmem>>, vector<1x16xf32>,
      %get3A_742 = vector.shape_cast %get3A_741 : vector<1x16xf32> to vector<16xf32>
      %mul3A_743 = arith.constant 16 : i32
      %mul3A_744 = arith.muli %mul3A_743, %scan3A_192 : i32
      %get3A_745 = arith.constant 15 : i32
      %get3A_746 = arith.constant 0 : i32
      %get3A_747 = arith.constant 0 : i32
      %get3A_748 = tpu.memref_slice %arg7[%scan3A_175, %get3A_746, %get3A_747] : memref<2x32x512xf32, #tpu.memory_space<vmem>> -> memref<1x32x512xf32, #tpu.memory_space<vmem>>
      %get3A_749 = tpu.memref_squeeze %get3A_748 : memref<1x32x512xf32, #tpu.memory_space<vmem>> -> memref<32x512xf32, #tpu.memory_space<vmem>>
      %get3A_750 = arith.index_cast %get3A_745 : i32 to index
      %get3A_751 = arith.index_cast %mul3A_744 : i32 to index
      %get3A_752 = tpu.vector_load %get3A_749[%get3A_750, %get3A_751] {strides = array<i32>} : memref<32x512xf32, #tpu.memory_space<vmem>>, vector<1x16xf32>,
      %get3A_753 = vector.shape_cast %get3A_752 : vector<1x16xf32> to vector<16xf32>
      %mul3A_754 = arith.constant 16 : i32
      %mul3A_755 = arith.muli %mul3A_754, %scan3A_192 : i32
      %get3A_756 = arith.constant 15 : i32
      %get3A_757 = arith.constant 0 : i32
      %get3A_758 = arith.constant 0 : i32
      %get3A_759 = tpu.memref_slice %arg8[%scan3A_176, %get3A_757, %get3A_758] : memref<2x32x512xf32, #tpu.memory_space<vmem>> -> memref<1x32x512xf32, #tpu.memory_space<vmem>>
      %get3A_760 = tpu.memref_squeeze %get3A_759 : memref<1x32x512xf32, #tpu.memory_space<vmem>> -> memref<32x512xf32, #tpu.memory_space<vmem>>
      %get3A_761 = arith.index_cast %get3A_756 : i32 to index
      %get3A_762 = arith.index_cast %mul3A_755 : i32 to index
      %get3A_763 = tpu.vector_load %get3A_760[%get3A_761, %get3A_762] {strides = array<i32>} : memref<32x512xf32, #tpu.memory_space<vmem>>, vector<1x16xf32>,
      %get3A_764 = vector.shape_cast %get3A_763 : vector<1x16xf32> to vector<16xf32>
      %sub3A_765 = arith.subf %get3A_742, %get3A_753 : vector<16xf32>
      %abs3A_766 = math.absf %sub3A_765 : vector<16xf32>
      %mul3A_767 = arith.mulf %abs3A_766, %get3A_764 : vector<16xf32>
      %mul3A_768 = arith.constant 16 : i32
      %mul3A_769 = arith.muli %mul3A_768, %scan3A_192 : i32
      %get3A_770 = arith.constant 16 : i32
      %get3A_771 = arith.constant 0 : i32
      %get3A_772 = arith.constant 0 : i32
      %get3A_773 = tpu.memref_slice %arg6[%scan3A_174, %get3A_771, %get3A_772] : memref<2x32x512xf32, #tpu.memory_space<vmem>> -> memref<1x32x512xf32, #tpu.memory_space<vmem>>
      %get3A_774 = tpu.memref_squeeze %get3A_773 : memref<1x32x512xf32, #tpu.memory_space<vmem>> -> memref<32x512xf32, #tpu.memory_space<vmem>>
      %get3A_775 = arith.index_cast %get3A_770 : i32 to index
      %get3A_776 = arith.index_cast %mul3A_769 : i32 to index
      %get3A_777 = tpu.vector_load %get3A_774[%get3A_775, %get3A_776] {strides = array<i32>} : memref<32x512xf32, #tpu.memory_space<vmem>>, vector<1x16xf32>,
      %get3A_778 = vector.shape_cast %get3A_777 : vector<1x16xf32> to vector<16xf32>
      %mul3A_779 = arith.constant 16 : i32
      %mul3A_780 = arith.muli %mul3A_779, %scan3A_192 : i32
      %get3A_781 = arith.constant 16 : i32
      %get3A_782 = arith.constant 0 : i32
      %get3A_783 = arith.constant 0 : i32
      %get3A_784 = tpu.memref_slice %arg7[%scan3A_175, %get3A_782, %get3A_783] : memref<2x32x512xf32, #tpu.memory_space<vmem>> -> memref<1x32x512xf32, #tpu.memory_space<vmem>>
      %get3A_785 = tpu.memref_squeeze %get3A_784 : memref<1x32x512xf32, #tpu.memory_space<vmem>> -> memref<32x512xf32, #tpu.memory_space<vmem>>
      %get3A_786 = arith.index_cast %get3A_781 : i32 to index
      %get3A_787 = arith.index_cast %mul3A_780 : i32 to index
      %get3A_788 = tpu.vector_load %get3A_785[%get3A_786, %get3A_787] {strides = array<i32>} : memref<32x512xf32, #tpu.memory_space<vmem>>, vector<1x16xf32>,
      %get3A_789 = vector.shape_cast %get3A_788 : vector<1x16xf32> to vector<16xf32>
      %mul3A_790 = arith.constant 16 : i32
      %mul3A_791 = arith.muli %mul3A_790, %scan3A_192 : i32
      %get3A_792 = arith.constant 16 : i32
      %get3A_793 = arith.constant 0 : i32
      %get3A_794 = arith.constant 0 : i32
      %get3A_795 = tpu.memref_slice %arg8[%scan3A_176, %get3A_793, %get3A_794] : memref<2x32x512xf32, #tpu.memory_space<vmem>> -> memref<1x32x512xf32, #tpu.memory_space<vmem>>
      %get3A_796 = tpu.memref_squeeze %get3A_795 : memref<1x32x512xf32, #tpu.memory_space<vmem>> -> memref<32x512xf32, #tpu.memory_space<vmem>>
      %get3A_797 = arith.index_cast %get3A_792 : i32 to index
      %get3A_798 = arith.index_cast %mul3A_791 : i32 to index
      %get3A_799 = tpu.vector_load %get3A_796[%get3A_797, %get3A_798] {strides = array<i32>} : memref<32x512xf32, #tpu.memory_space<vmem>>, vector<1x16xf32>,
      %get3A_800 = vector.shape_cast %get3A_799 : vector<1x16xf32> to vector<16xf32>
      %sub3A_801 = arith.subf %get3A_778, %get3A_789 : vector<16xf32>
      %abs3A_802 = math.absf %sub3A_801 : vector<16xf32>
      %mul3A_803 = arith.mulf %abs3A_802, %get3A_800 : vector<16xf32>
      %mul3A_804 = arith.constant 16 : i32
      %mul3A_805 = arith.muli %mul3A_804, %scan3A_192 : i32
      %get3A_806 = arith.constant 17 : i32
      %get3A_807 = arith.constant 0 : i32
      %get3A_808 = arith.constant 0 : i32
      %get3A_809 = tpu.memref_slice %arg6[%scan3A_174, %get3A_807, %get3A_808] : memref<2x32x512xf32, #tpu.memory_space<vmem>> -> memref<1x32x512xf32, #tpu.memory_space<vmem>>
      %get3A_810 = tpu.memref_squeeze %get3A_809 : memref<1x32x512xf32, #tpu.memory_space<vmem>> -> memref<32x512xf32, #tpu.memory_space<vmem>>
      %get3A_811 = arith.index_cast %get3A_806 : i32 to index
      %get3A_812 = arith.index_cast %mul3A_805 : i32 to index
      %get3A_813 = tpu.vector_load %get3A_810[%get3A_811, %get3A_812] {strides = array<i32>} : memref<32x512xf32, #tpu.memory_space<vmem>>, vector<1x16xf32>,
      %get3A_814 = vector.shape_cast %get3A_813 : vector<1x16xf32> to vector<16xf32>
      %mul3A_815 = arith.constant 16 : i32
      %mul3A_816 = arith.muli %mul3A_815, %scan3A_192 : i32
      %get3A_817 = arith.constant 17 : i32
      %get3A_818 = arith.constant 0 : i32
      %get3A_819 = arith.constant 0 : i32
      %get3A_820 = tpu.memref_slice %arg7[%scan3A_175, %get3A_818, %get3A_819] : memref<2x32x512xf32, #tpu.memory_space<vmem>> -> memref<1x32x512xf32, #tpu.memory_space<vmem>>
      %get3A_821 = tpu.memref_squeeze %get3A_820 : memref<1x32x512xf32, #tpu.memory_space<vmem>> -> memref<32x512xf32, #tpu.memory_space<vmem>>
      %get3A_822 = arith.index_cast %get3A_817 : i32 to index
      %get3A_823 = arith.index_cast %mul3A_816 : i32 to index
      %get3A_824 = tpu.vector_load %get3A_821[%get3A_822, %get3A_823] {strides = array<i32>} : memref<32x512xf32, #tpu.memory_space<vmem>>, vector<1x16xf32>,
      %get3A_825 = vector.shape_cast %get3A_824 : vector<1x16xf32> to vector<16xf32>
      %mul3A_826 = arith.constant 16 : i32
      %mul3A_827 = arith.muli %mul3A_826, %scan3A_192 : i32
      %get3A_828 = arith.constant 17 : i32
      %get3A_829 = arith.constant 0 : i32
      %get3A_830 = arith.constant 0 : i32
      %get3A_831 = tpu.memref_slice %arg8[%scan3A_176, %get3A_829, %get3A_830] : memref<2x32x512xf32, #tpu.memory_space<vmem>> -> memref<1x32x512xf32, #tpu.memory_space<vmem>>
      %get3A_832 = tpu.memref_squeeze %get3A_831 : memref<1x32x512xf32, #tpu.memory_space<vmem>> -> memref<32x512xf32, #tpu.memory_space<vmem>>
      %get3A_833 = arith.index_cast %get3A_828 : i32 to index
      %get3A_834 = arith.index_cast %mul3A_827 : i32 to index
      %get3A_835 = tpu.vector_load %get3A_832[%get3A_833, %get3A_834] {strides = array<i32>} : memref<32x512xf32, #tpu.memory_space<vmem>>, vector<1x16xf32>,
      %get3A_836 = vector.shape_cast %get3A_835 : vector<1x16xf32> to vector<16xf32>
      %sub3A_837 = arith.subf %get3A_814, %get3A_825 : vector<16xf32>
      %abs3A_838 = math.absf %sub3A_837 : vector<16xf32>
      %mul3A_839 = arith.mulf %abs3A_838, %get3A_836 : vector<16xf32>
      %mul3A_840 = arith.constant 16 : i32
      %mul3A_841 = arith.muli %mul3A_840, %scan3A_192 : i32
      %get3A_842 = arith.constant 18 : i32
      %get3A_843 = arith.constant 0 : i32
      %get3A_844 = arith.constant 0 : i32
      %get3A_845 = tpu.memref_slice %arg6[%scan3A_174, %get3A_843, %get3A_844] : memref<2x32x512xf32, #tpu.memory_space<vmem>> -> memref<1x32x512xf32, #tpu.memory_space<vmem>>
      %get3A_846 = tpu.memref_squeeze %get3A_845 : memref<1x32x512xf32, #tpu.memory_space<vmem>> -> memref<32x512xf32, #tpu.memory_space<vmem>>
      %get3A_847 = arith.index_cast %get3A_842 : i32 to index
      %get3A_848 = arith.index_cast %mul3A_841 : i32 to index
      %get3A_849 = tpu.vector_load %get3A_846[%get3A_847, %get3A_848] {strides = array<i32>} : memref<32x512xf32, #tpu.memory_space<vmem>>, vector<1x16xf32>,
      %get3A_850 = vector.shape_cast %get3A_849 : vector<1x16xf32> to vector<16xf32>
      %mul3A_851 = arith.constant 16 : i32
      %mul3A_852 = arith.muli %mul3A_851, %scan3A_192 : i32
      %get3A_853 = arith.constant 18 : i32
      %get3A_854 = arith.constant 0 : i32
      %get3A_855 = arith.constant 0 : i32
      %get3A_856 = tpu.memref_slice %arg7[%scan3A_175, %get3A_854, %get3A_855] : memref<2x32x512xf32, #tpu.memory_space<vmem>> -> memref<1x32x512xf32, #tpu.memory_space<vmem>>
      %get3A_857 = tpu.memref_squeeze %get3A_856 : memref<1x32x512xf32, #tpu.memory_space<vmem>> -> memref<32x512xf32, #tpu.memory_space<vmem>>
      %get3A_858 = arith.index_cast %get3A_853 : i32 to index
      %get3A_859 = arith.index_cast %mul3A_852 : i32 to index
      %get3A_860 = tpu.vector_load %get3A_857[%get3A_858, %get3A_859] {strides = array<i32>} : memref<32x512xf32, #tpu.memory_space<vmem>>, vector<1x16xf32>,
      %get3A_861 = vector.shape_cast %get3A_860 : vector<1x16xf32> to vector<16xf32>
      %mul3A_862 = arith.constant 16 : i32
      %mul3A_863 = arith.muli %mul3A_862, %scan3A_192 : i32
      %get3A_864 = arith.constant 18 : i32
      %get3A_865 = arith.constant 0 : i32
      %get3A_866 = arith.constant 0 : i32
      %get3A_867 = tpu.memref_slice %arg8[%scan3A_176, %get3A_865, %get3A_866] : memref<2x32x512xf32, #tpu.memory_space<vmem>> -> memref<1x32x512xf32, #tpu.memory_space<vmem>>
      %get3A_868 = tpu.memref_squeeze %get3A_867 : memref<1x32x512xf32, #tpu.memory_space<vmem>> -> memref<32x512xf32, #tpu.memory_space<vmem>>
      %get3A_869 = arith.index_cast %get3A_864 : i32 to index
      %get3A_870 = arith.index_cast %mul3A_863 : i32 to index
      %get3A_871 = tpu.vector_load %get3A_868[%get3A_869, %get3A_870] {strides = array<i32>} : memref<32x512xf32, #tpu.memory_space<vmem>>, vector<1x16xf32>,
      %get3A_872 = vector.shape_cast %get3A_871 : vector<1x16xf32> to vector<16xf32>
      %sub3A_873 = arith.subf %get3A_850, %get3A_861 : vector<16xf32>
      %abs3A_874 = math.absf %sub3A_873 : vector<16xf32>
      %mul3A_875 = arith.mulf %abs3A_874, %get3A_872 : vector<16xf32>
      %mul3A_876 = arith.constant 16 : i32
      %mul3A_877 = arith.muli %mul3A_876, %scan3A_192 : i32
      %get3A_878 = arith.constant 19 : i32
      %get3A_879 = arith.constant 0 : i32
      %get3A_880 = arith.constant 0 : i32
      %get3A_881 = tpu.memref_slice %arg6[%scan3A_174, %get3A_879, %get3A_880] : memref<2x32x512xf32, #tpu.memory_space<vmem>> -> memref<1x32x512xf32, #tpu.memory_space<vmem>>
      %get3A_882 = tpu.memref_squeeze %get3A_881 : memref<1x32x512xf32, #tpu.memory_space<vmem>> -> memref<32x512xf32, #tpu.memory_space<vmem>>
      %get3A_883 = arith.index_cast %get3A_878 : i32 to index
      %get3A_884 = arith.index_cast %mul3A_877 : i32 to index
      %get3A_885 = tpu.vector_load %get3A_882[%get3A_883, %get3A_884] {strides = array<i32>} : memref<32x512xf32, #tpu.memory_space<vmem>>, vector<1x16xf32>,
      %get3A_886 = vector.shape_cast %get3A_885 : vector<1x16xf32> to vector<16xf32>
      %mul3A_887 = arith.constant 16 : i32
      %mul3A_888 = arith.muli %mul3A_887, %scan3A_192 : i32
      %get3A_889 = arith.constant 19 : i32
      %get3A_890 = arith.constant 0 : i32
      %get3A_891 = arith.constant 0 : i32
      %get3A_892 = tpu.memref_slice %arg7[%scan3A_175, %get3A_890, %get3A_891] : memref<2x32x512xf32, #tpu.memory_space<vmem>> -> memref<1x32x512xf32, #tpu.memory_space<vmem>>
      %get3A_893 = tpu.memref_squeeze %get3A_892 : memref<1x32x512xf32, #tpu.memory_space<vmem>> -> memref<32x512xf32, #tpu.memory_space<vmem>>
      %get3A_894 = arith.index_cast %get3A_889 : i32 to index
      %get3A_895 = arith.index_cast %mul3A_888 : i32 to index
      %get3A_896 = tpu.vector_load %get3A_893[%get3A_894, %get3A_895] {strides = array<i32>} : memref<32x512xf32, #tpu.memory_space<vmem>>, vector<1x16xf32>,
      %get3A_897 = vector.shape_cast %get3A_896 : vector<1x16xf32> to vector<16xf32>
      %mul3A_898 = arith.constant 16 : i32
      %mul3A_899 = arith.muli %mul3A_898, %scan3A_192 : i32
      %get3A_900 = arith.constant 19 : i32
      %get3A_901 = arith.constant 0 : i32
      %get3A_902 = arith.constant 0 : i32
      %get3A_903 = tpu.memref_slice %arg8[%scan3A_176, %get3A_901, %get3A_902] : memref<2x32x512xf32, #tpu.memory_space<vmem>> -> memref<1x32x512xf32, #tpu.memory_space<vmem>>
      %get3A_904 = tpu.memref_squeeze %get3A_903 : memref<1x32x512xf32, #tpu.memory_space<vmem>> -> memref<32x512xf32, #tpu.memory_space<vmem>>
      %get3A_905 = arith.index_cast %get3A_900 : i32 to index
      %get3A_906 = arith.index_cast %mul3A_899 : i32 to index
      %get3A_907 = tpu.vector_load %get3A_904[%get3A_905, %get3A_906] {strides = array<i32>} : memref<32x512xf32, #tpu.memory_space<vmem>>, vector<1x16xf32>,
      %get3A_908 = vector.shape_cast %get3A_907 : vector<1x16xf32> to vector<16xf32>
      %sub3A_909 = arith.subf %get3A_886, %get3A_897 : vector<16xf32>
      %abs3A_910 = math.absf %sub3A_909 : vector<16xf32>
      %mul3A_911 = arith.mulf %abs3A_910, %get3A_908 : vector<16xf32>
      %mul3A_912 = arith.constant 16 : i32
      %mul3A_913 = arith.muli %mul3A_912, %scan3A_192 : i32
      %get3A_914 = arith.constant 20 : i32
      %get3A_915 = arith.constant 0 : i32
      %get3A_916 = arith.constant 0 : i32
      %get3A_917 = tpu.memref_slice %arg6[%scan3A_174, %get3A_915, %get3A_916] : memref<2x32x512xf32, #tpu.memory_space<vmem>> -> memref<1x32x512xf32, #tpu.memory_space<vmem>>
      %get3A_918 = tpu.memref_squeeze %get3A_917 : memref<1x32x512xf32, #tpu.memory_space<vmem>> -> memref<32x512xf32, #tpu.memory_space<vmem>>
      %get3A_919 = arith.index_cast %get3A_914 : i32 to index
      %get3A_920 = arith.index_cast %mul3A_913 : i32 to index
      %get3A_921 = tpu.vector_load %get3A_918[%get3A_919, %get3A_920] {strides = array<i32>} : memref<32x512xf32, #tpu.memory_space<vmem>>, vector<1x16xf32>,
      %get3A_922 = vector.shape_cast %get3A_921 : vector<1x16xf32> to vector<16xf32>
      %mul3A_923 = arith.constant 16 : i32
      %mul3A_924 = arith.muli %mul3A_923, %scan3A_192 : i32
      %get3A_925 = arith.constant 20 : i32
      %get3A_926 = arith.constant 0 : i32
      %get3A_927 = arith.constant 0 : i32
      %get3A_928 = tpu.memref_slice %arg7[%scan3A_175, %get3A_926, %get3A_927] : memref<2x32x512xf32, #tpu.memory_space<vmem>> -> memref<1x32x512xf32, #tpu.memory_space<vmem>>
      %get3A_929 = tpu.memref_squeeze %get3A_928 : memref<1x32x512xf32, #tpu.memory_space<vmem>> -> memref<32x512xf32, #tpu.memory_space<vmem>>
      %get3A_930 = arith.index_cast %get3A_925 : i32 to index
      %get3A_931 = arith.index_cast %mul3A_924 : i32 to index
      %get3A_932 = tpu.vector_load %get3A_929[%get3A_930, %get3A_931] {strides = array<i32>} : memref<32x512xf32, #tpu.memory_space<vmem>>, vector<1x16xf32>,
      %get3A_933 = vector.shape_cast %get3A_932 : vector<1x16xf32> to vector<16xf32>
      %mul3A_934 = arith.constant 16 : i32
      %mul3A_935 = arith.muli %mul3A_934, %scan3A_192 : i32
      %get3A_936 = arith.constant 20 : i32
      %get3A_937 = arith.constant 0 : i32
      %get3A_938 = arith.constant 0 : i32
      %get3A_939 = tpu.memref_slice %arg8[%scan3A_176, %get3A_937, %get3A_938] : memref<2x32x512xf32, #tpu.memory_space<vmem>> -> memref<1x32x512xf32, #tpu.memory_space<vmem>>
      %get3A_940 = tpu.memref_squeeze %get3A_939 : memref<1x32x512xf32, #tpu.memory_space<vmem>> -> memref<32x512xf32, #tpu.memory_space<vmem>>
      %get3A_941 = arith.index_cast %get3A_936 : i32 to index
      %get3A_942 = arith.index_cast %mul3A_935 : i32 to index
      %get3A_943 = tpu.vector_load %get3A_940[%get3A_941, %get3A_942] {strides = array<i32>} : memref<32x512xf32, #tpu.memory_space<vmem>>, vector<1x16xf32>,
      %get3A_944 = vector.shape_cast %get3A_943 : vector<1x16xf32> to vector<16xf32>
      %sub3A_945 = arith.subf %get3A_922, %get3A_933 : vector<16xf32>
      %abs3A_946 = math.absf %sub3A_945 : vector<16xf32>
      %mul3A_947 = arith.mulf %abs3A_946, %get3A_944 : vector<16xf32>
      %mul3A_948 = arith.constant 16 : i32
      %mul3A_949 = arith.muli %mul3A_948, %scan3A_192 : i32
      %get3A_950 = arith.constant 21 : i32
      %get3A_951 = arith.constant 0 : i32
      %get3A_952 = arith.constant 0 : i32
      %get3A_953 = tpu.memref_slice %arg6[%scan3A_174, %get3A_951, %get3A_952] : memref<2x32x512xf32, #tpu.memory_space<vmem>> -> memref<1x32x512xf32, #tpu.memory_space<vmem>>
      %get3A_954 = tpu.memref_squeeze %get3A_953 : memref<1x32x512xf32, #tpu.memory_space<vmem>> -> memref<32x512xf32, #tpu.memory_space<vmem>>
      %get3A_955 = arith.index_cast %get3A_950 : i32 to index
      %get3A_956 = arith.index_cast %mul3A_949 : i32 to index
      %get3A_957 = tpu.vector_load %get3A_954[%get3A_955, %get3A_956] {strides = array<i32>} : memref<32x512xf32, #tpu.memory_space<vmem>>, vector<1x16xf32>,
      %get3A_958 = vector.shape_cast %get3A_957 : vector<1x16xf32> to vector<16xf32>
      %mul3A_959 = arith.constant 16 : i32
      %mul3A_960 = arith.muli %mul3A_959, %scan3A_192 : i32
      %get3A_961 = arith.constant 21 : i32
      %get3A_962 = arith.constant 0 : i32
      %get3A_963 = arith.constant 0 : i32
      %get3A_964 = tpu.memref_slice %arg7[%scan3A_175, %get3A_962, %get3A_963] : memref<2x32x512xf32, #tpu.memory_space<vmem>> -> memref<1x32x512xf32, #tpu.memory_space<vmem>>
      %get3A_965 = tpu.memref_squeeze %get3A_964 : memref<1x32x512xf32, #tpu.memory_space<vmem>> -> memref<32x512xf32, #tpu.memory_space<vmem>>
      %get3A_966 = arith.index_cast %get3A_961 : i32 to index
      %get3A_967 = arith.index_cast %mul3A_960 : i32 to index
      %get3A_968 = tpu.vector_load %get3A_965[%get3A_966, %get3A_967] {strides = array<i32>} : memref<32x512xf32, #tpu.memory_space<vmem>>, vector<1x16xf32>,
      %get3A_969 = vector.shape_cast %get3A_968 : vector<1x16xf32> to vector<16xf32>
      %mul3A_970 = arith.constant 16 : i32
      %mul3A_971 = arith.muli %mul3A_970, %scan3A_192 : i32
      %get3A_972 = arith.constant 21 : i32
      %get3A_973 = arith.constant 0 : i32
      %get3A_974 = arith.constant 0 : i32
      %get3A_975 = tpu.memref_slice %arg8[%scan3A_176, %get3A_973, %get3A_974] : memref<2x32x512xf32, #tpu.memory_space<vmem>> -> memref<1x32x512xf32, #tpu.memory_space<vmem>>
      %get3A_976 = tpu.memref_squeeze %get3A_975 : memref<1x32x512xf32, #tpu.memory_space<vmem>> -> memref<32x512xf32, #tpu.memory_space<vmem>>
      %get3A_977 = arith.index_cast %get3A_972 : i32 to index
      %get3A_978 = arith.index_cast %mul3A_971 : i32 to index
      %get3A_979 = tpu.vector_load %get3A_976[%get3A_977, %get3A_978] {strides = array<i32>} : memref<32x512xf32, #tpu.memory_space<vmem>>, vector<1x16xf32>,
      %get3A_980 = vector.shape_cast %get3A_979 : vector<1x16xf32> to vector<16xf32>
      %sub3A_981 = arith.subf %get3A_958, %get3A_969 : vector<16xf32>
      %abs3A_982 = math.absf %sub3A_981 : vector<16xf32>
      %mul3A_983 = arith.mulf %abs3A_982, %get3A_980 : vector<16xf32>
      %mul3A_984 = arith.constant 16 : i32
      %mul3A_985 = arith.muli %mul3A_984, %scan3A_192 : i32
      %get3A_986 = arith.constant 22 : i32
      %get3A_987 = arith.constant 0 : i32
      %get3A_988 = arith.constant 0 : i32
      %get3A_989 = tpu.memref_slice %arg6[%scan3A_174, %get3A_987, %get3A_988] : memref<2x32x512xf32, #tpu.memory_space<vmem>> -> memref<1x32x512xf32, #tpu.memory_space<vmem>>
      %get3A_990 = tpu.memref_squeeze %get3A_989 : memref<1x32x512xf32, #tpu.memory_space<vmem>> -> memref<32x512xf32, #tpu.memory_space<vmem>>
      %get3A_991 = arith.index_cast %get3A_986 : i32 to index
      %get3A_992 = arith.index_cast %mul3A_985 : i32 to index
      %get3A_993 = tpu.vector_load %get3A_990[%get3A_991, %get3A_992] {strides = array<i32>} : memref<32x512xf32, #tpu.memory_space<vmem>>, vector<1x16xf32>,
      %get3A_994 = vector.shape_cast %get3A_993 : vector<1x16xf32> to vector<16xf32>
      %mul3A_995 = arith.constant 16 : i32
      %mul3A_996 = arith.muli %mul3A_995, %scan3A_192 : i32
      %get3A_997 = arith.constant 22 : i32
      %get3A_998 = arith.constant 0 : i32
      %get3A_999 = arith.constant 0 : i32
      %get3A_1000 = tpu.memref_slice %arg7[%scan3A_175, %get3A_998, %get3A_999] : memref<2x32x512xf32, #tpu.memory_space<vmem>> -> memref<1x32x512xf32, #tpu.memory_space<vmem>>
      %get3A_1001 = tpu.memref_squeeze %get3A_1000 : memref<1x32x512xf32, #tpu.memory_space<vmem>> -> memref<32x512xf32, #tpu.memory_space<vmem>>
      %get3A_1002 = arith.index_cast %get3A_997 : i32 to index
      %get3A_1003 = arith.index_cast %mul3A_996 : i32 to index
      %get3A_1004 = tpu.vector_load %get3A_1001[%get3A_1002, %get3A_1003] {strides = array<i32>} : memref<32x512xf32, #tpu.memory_space<vmem>>, vector<1x16xf32>,
      %get3A_1005 = vector.shape_cast %get3A_1004 : vector<1x16xf32> to vector<16xf32>
      %mul3A_1006 = arith.constant 16 : i32
      %mul3A_1007 = arith.muli %mul3A_1006, %scan3A_192 : i32
      %get3A_1008 = arith.constant 22 : i32
      %get3A_1009 = arith.constant 0 : i32
      %get3A_1010 = arith.constant 0 : i32
      %get3A_1011 = tpu.memref_slice %arg8[%scan3A_176, %get3A_1009, %get3A_1010] : memref<2x32x512xf32, #tpu.memory_space<vmem>> -> memref<1x32x512xf32, #tpu.memory_space<vmem>>
      %get3A_1012 = tpu.memref_squeeze %get3A_1011 : memref<1x32x512xf32, #tpu.memory_space<vmem>> -> memref<32x512xf32, #tpu.memory_space<vmem>>
      %get3A_1013 = arith.index_cast %get3A_1008 : i32 to index
      %get3A_1014 = arith.index_cast %mul3A_1007 : i32 to index
      %get3A_1015 = tpu.vector_load %get3A_1012[%get3A_1013, %get3A_1014] {strides = array<i32>} : memref<32x512xf32, #tpu.memory_space<vmem>>, vector<1x16xf32>,
      %get3A_1016 = vector.shape_cast %get3A_1015 : vector<1x16xf32> to vector<16xf32>
      %sub3A_1017 = arith.subf %get3A_994, %get3A_1005 : vector<16xf32>
      %abs3A_1018 = math.absf %sub3A_1017 : vector<16xf32>
      %mul3A_1019 = arith.mulf %abs3A_1018, %get3A_1016 : vector<16xf32>
      %mul3A_1020 = arith.constant 16 : i32
      %mul3A_1021 = arith.muli %mul3A_1020, %scan3A_192 : i32
      %get3A_1022 = arith.constant 23 : i32
      %get3A_1023 = arith.constant 0 : i32
      %get3A_1024 = arith.constant 0 : i32
      %get3A_1025 = tpu.memref_slice %arg6[%scan3A_174, %get3A_1023, %get3A_1024] : memref<2x32x512xf32, #tpu.memory_space<vmem>> -> memref<1x32x512xf32, #tpu.memory_space<vmem>>
      %get3A_1026 = tpu.memref_squeeze %get3A_1025 : memref<1x32x512xf32, #tpu.memory_space<vmem>> -> memref<32x512xf32, #tpu.memory_space<vmem>>
      %get3A_1027 = arith.index_cast %get3A_1022 : i32 to index
      %get3A_1028 = arith.index_cast %mul3A_1021 : i32 to index
      %get3A_1029 = tpu.vector_load %get3A_1026[%get3A_1027, %get3A_1028] {strides = array<i32>} : memref<32x512xf32, #tpu.memory_space<vmem>>, vector<1x16xf32>,
      %get3A_1030 = vector.shape_cast %get3A_1029 : vector<1x16xf32> to vector<16xf32>
      %mul3A_1031 = arith.constant 16 : i32
      %mul3A_1032 = arith.muli %mul3A_1031, %scan3A_192 : i32
      %get3A_1033 = arith.constant 23 : i32
      %get3A_1034 = arith.constant 0 : i32
      %get3A_1035 = arith.constant 0 : i32
      %get3A_1036 = tpu.memref_slice %arg7[%scan3A_175, %get3A_1034, %get3A_1035] : memref<2x32x512xf32, #tpu.memory_space<vmem>> -> memref<1x32x512xf32, #tpu.memory_space<vmem>>
      %get3A_1037 = tpu.memref_squeeze %get3A_1036 : memref<1x32x512xf32, #tpu.memory_space<vmem>> -> memref<32x512xf32, #tpu.memory_space<vmem>>
      %get3A_1038 = arith.index_cast %get3A_1033 : i32 to index
      %get3A_1039 = arith.index_cast %mul3A_1032 : i32 to index
      %get3A_1040 = tpu.vector_load %get3A_1037[%get3A_1038, %get3A_1039] {strides = array<i32>} : memref<32x512xf32, #tpu.memory_space<vmem>>, vector<1x16xf32>,
      %get3A_1041 = vector.shape_cast %get3A_1040 : vector<1x16xf32> to vector<16xf32>
      %mul3A_1042 = arith.constant 16 : i32
      %mul3A_1043 = arith.muli %mul3A_1042, %scan3A_192 : i32
      %get3A_1044 = arith.constant 23 : i32
      %get3A_1045 = arith.constant 0 : i32
      %get3A_1046 = arith.constant 0 : i32
      %get3A_1047 = tpu.memref_slice %arg8[%scan3A_176, %get3A_1045, %get3A_1046] : memref<2x32x512xf32, #tpu.memory_space<vmem>> -> memref<1x32x512xf32, #tpu.memory_space<vmem>>
      %get3A_1048 = tpu.memref_squeeze %get3A_1047 : memref<1x32x512xf32, #tpu.memory_space<vmem>> -> memref<32x512xf32, #tpu.memory_space<vmem>>
      %get3A_1049 = arith.index_cast %get3A_1044 : i32 to index
      %get3A_1050 = arith.index_cast %mul3A_1043 : i32 to index
      %get3A_1051 = tpu.vector_load %get3A_1048[%get3A_1049, %get3A_1050] {strides = array<i32>} : memref<32x512xf32, #tpu.memory_space<vmem>>, vector<1x16xf32>,
      %get3A_1052 = vector.shape_cast %get3A_1051 : vector<1x16xf32> to vector<16xf32>
      %sub3A_1053 = arith.subf %get3A_1030, %get3A_1041 : vector<16xf32>
      %abs3A_1054 = math.absf %sub3A_1053 : vector<16xf32>
      %mul3A_1055 = arith.mulf %abs3A_1054, %get3A_1052 : vector<16xf32>
      %mul3A_1056 = arith.constant 16 : i32
      %mul3A_1057 = arith.muli %mul3A_1056, %scan3A_192 : i32
      %get3A_1058 = arith.constant 24 : i32
      %get3A_1059 = arith.constant 0 : i32
      %get3A_1060 = arith.constant 0 : i32
      %get3A_1061 = tpu.memref_slice %arg6[%scan3A_174, %get3A_1059, %get3A_1060] : memref<2x32x512xf32, #tpu.memory_space<vmem>> -> memref<1x32x512xf32, #tpu.memory_space<vmem>>
      %get3A_1062 = tpu.memref_squeeze %get3A_1061 : memref<1x32x512xf32, #tpu.memory_space<vmem>> -> memref<32x512xf32, #tpu.memory_space<vmem>>
      %get3A_1063 = arith.index_cast %get3A_1058 : i32 to index
      %get3A_1064 = arith.index_cast %mul3A_1057 : i32 to index
      %get3A_1065 = tpu.vector_load %get3A_1062[%get3A_1063, %get3A_1064] {strides = array<i32>} : memref<32x512xf32, #tpu.memory_space<vmem>>, vector<1x16xf32>,
      %get3A_1066 = vector.shape_cast %get3A_1065 : vector<1x16xf32> to vector<16xf32>
      %mul3A_1067 = arith.constant 16 : i32
      %mul3A_1068 = arith.muli %mul3A_1067, %scan3A_192 : i32
      %get3A_1069 = arith.constant 24 : i32
      %get3A_1070 = arith.constant 0 : i32
      %get3A_1071 = arith.constant 0 : i32
      %get3A_1072 = tpu.memref_slice %arg7[%scan3A_175, %get3A_1070, %get3A_1071] : memref<2x32x512xf32, #tpu.memory_space<vmem>> -> memref<1x32x512xf32, #tpu.memory_space<vmem>>
      %get3A_1073 = tpu.memref_squeeze %get3A_1072 : memref<1x32x512xf32, #tpu.memory_space<vmem>> -> memref<32x512xf32, #tpu.memory_space<vmem>>
      %get3A_1074 = arith.index_cast %get3A_1069 : i32 to index
      %get3A_1075 = arith.index_cast %mul3A_1068 : i32 to index
      %get3A_1076 = tpu.vector_load %get3A_1073[%get3A_1074, %get3A_1075] {strides = array<i32>} : memref<32x512xf32, #tpu.memory_space<vmem>>, vector<1x16xf32>,
      %get3A_1077 = vector.shape_cast %get3A_1076 : vector<1x16xf32> to vector<16xf32>
      %mul3A_1078 = arith.constant 16 : i32
      %mul3A_1079 = arith.muli %mul3A_1078, %scan3A_192 : i32
      %get3A_1080 = arith.constant 24 : i32
      %get3A_1081 = arith.constant 0 : i32
      %get3A_1082 = arith.constant 0 : i32
      %get3A_1083 = tpu.memref_slice %arg8[%scan3A_176, %get3A_1081, %get3A_1082] : memref<2x32x512xf32, #tpu.memory_space<vmem>> -> memref<1x32x512xf32, #tpu.memory_space<vmem>>
      %get3A_1084 = tpu.memref_squeeze %get3A_1083 : memref<1x32x512xf32, #tpu.memory_space<vmem>> -> memref<32x512xf32, #tpu.memory_space<vmem>>
      %get3A_1085 = arith.index_cast %get3A_1080 : i32 to index
      %get3A_1086 = arith.index_cast %mul3A_1079 : i32 to index
      %get3A_1087 = tpu.vector_load %get3A_1084[%get3A_1085, %get3A_1086] {strides = array<i32>} : memref<32x512xf32, #tpu.memory_space<vmem>>, vector<1x16xf32>,
      %get3A_1088 = vector.shape_cast %get3A_1087 : vector<1x16xf32> to vector<16xf32>
      %sub3A_1089 = arith.subf %get3A_1066, %get3A_1077 : vector<16xf32>
      %abs3A_1090 = math.absf %sub3A_1089 : vector<16xf32>
      %mul3A_1091 = arith.mulf %abs3A_1090, %get3A_1088 : vector<16xf32>
      %mul3A_1092 = arith.constant 16 : i32
      %mul3A_1093 = arith.muli %mul3A_1092, %scan3A_192 : i32
      %get3A_1094 = arith.constant 25 : i32
      %get3A_1095 = arith.constant 0 : i32
      %get3A_1096 = arith.constant 0 : i32
      %get3A_1097 = tpu.memref_slice %arg6[%scan3A_174, %get3A_1095, %get3A_1096] : memref<2x32x512xf32, #tpu.memory_space<vmem>> -> memref<1x32x512xf32, #tpu.memory_space<vmem>>
      %get3A_1098 = tpu.memref_squeeze %get3A_1097 : memref<1x32x512xf32, #tpu.memory_space<vmem>> -> memref<32x512xf32, #tpu.memory_space<vmem>>
      %get3A_1099 = arith.index_cast %get3A_1094 : i32 to index
      %get3A_1100 = arith.index_cast %mul3A_1093 : i32 to index
      %get3A_1101 = tpu.vector_load %get3A_1098[%get3A_1099, %get3A_1100] {strides = array<i32>} : memref<32x512xf32, #tpu.memory_space<vmem>>, vector<1x16xf32>,
      %get3A_1102 = vector.shape_cast %get3A_1101 : vector<1x16xf32> to vector<16xf32>
      %mul3A_1103 = arith.constant 16 : i32
      %mul3A_1104 = arith.muli %mul3A_1103, %scan3A_192 : i32
      %get3A_1105 = arith.constant 25 : i32
      %get3A_1106 = arith.constant 0 : i32
      %get3A_1107 = arith.constant 0 : i32
      %get3A_1108 = tpu.memref_slice %arg7[%scan3A_175, %get3A_1106, %get3A_1107] : memref<2x32x512xf32, #tpu.memory_space<vmem>> -> memref<1x32x512xf32, #tpu.memory_space<vmem>>
      %get3A_1109 = tpu.memref_squeeze %get3A_1108 : memref<1x32x512xf32, #tpu.memory_space<vmem>> -> memref<32x512xf32, #tpu.memory_space<vmem>>
      %get3A_1110 = arith.index_cast %get3A_1105 : i32 to index
      %get3A_1111 = arith.index_cast %mul3A_1104 : i32 to index
      %get3A_1112 = tpu.vector_load %get3A_1109[%get3A_1110, %get3A_1111] {strides = array<i32>} : memref<32x512xf32, #tpu.memory_space<vmem>>, vector<1x16xf32>,
      %get3A_1113 = vector.shape_cast %get3A_1112 : vector<1x16xf32> to vector<16xf32>
      %mul3A_1114 = arith.constant 16 : i32
      %mul3A_1115 = arith.muli %mul3A_1114, %scan3A_192 : i32
      %get3A_1116 = arith.constant 25 : i32
      %get3A_1117 = arith.constant 0 : i32
      %get3A_1118 = arith.constant 0 : i32
      %get3A_1119 = tpu.memref_slice %arg8[%scan3A_176, %get3A_1117, %get3A_1118] : memref<2x32x512xf32, #tpu.memory_space<vmem>> -> memref<1x32x512xf32, #tpu.memory_space<vmem>>
      %get3A_1120 = tpu.memref_squeeze %get3A_1119 : memref<1x32x512xf32, #tpu.memory_space<vmem>> -> memref<32x512xf32, #tpu.memory_space<vmem>>
      %get3A_1121 = arith.index_cast %get3A_1116 : i32 to index
      %get3A_1122 = arith.index_cast %mul3A_1115 : i32 to index
      %get3A_1123 = tpu.vector_load %get3A_1120[%get3A_1121, %get3A_1122] {strides = array<i32>} : memref<32x512xf32, #tpu.memory_space<vmem>>, vector<1x16xf32>,
      %get3A_1124 = vector.shape_cast %get3A_1123 : vector<1x16xf32> to vector<16xf32>
      %sub3A_1125 = arith.subf %get3A_1102, %get3A_1113 : vector<16xf32>
      %abs3A_1126 = math.absf %sub3A_1125 : vector<16xf32>
      %mul3A_1127 = arith.mulf %abs3A_1126, %get3A_1124 : vector<16xf32>
      %mul3A_1128 = arith.constant 16 : i32
      %mul3A_1129 = arith.muli %mul3A_1128, %scan3A_192 : i32
      %get3A_1130 = arith.constant 26 : i32
      %get3A_1131 = arith.constant 0 : i32
      %get3A_1132 = arith.constant 0 : i32
      %get3A_1133 = tpu.memref_slice %arg6[%scan3A_174, %get3A_1131, %get3A_1132] : memref<2x32x512xf32, #tpu.memory_space<vmem>> -> memref<1x32x512xf32, #tpu.memory_space<vmem>>
      %get3A_1134 = tpu.memref_squeeze %get3A_1133 : memref<1x32x512xf32, #tpu.memory_space<vmem>> -> memref<32x512xf32, #tpu.memory_space<vmem>>
      %get3A_1135 = arith.index_cast %get3A_1130 : i32 to index
      %get3A_1136 = arith.index_cast %mul3A_1129 : i32 to index
      %get3A_1137 = tpu.vector_load %get3A_1134[%get3A_1135, %get3A_1136] {strides = array<i32>} : memref<32x512xf32, #tpu.memory_space<vmem>>, vector<1x16xf32>,
      %get3A_1138 = vector.shape_cast %get3A_1137 : vector<1x16xf32> to vector<16xf32>
      %mul3A_1139 = arith.constant 16 : i32
      %mul3A_1140 = arith.muli %mul3A_1139, %scan3A_192 : i32
      %get3A_1141 = arith.constant 26 : i32
      %get3A_1142 = arith.constant 0 : i32
      %get3A_1143 = arith.constant 0 : i32
      %get3A_1144 = tpu.memref_slice %arg7[%scan3A_175, %get3A_1142, %get3A_1143] : memref<2x32x512xf32, #tpu.memory_space<vmem>> -> memref<1x32x512xf32, #tpu.memory_space<vmem>>
      %get3A_1145 = tpu.memref_squeeze %get3A_1144 : memref<1x32x512xf32, #tpu.memory_space<vmem>> -> memref<32x512xf32, #tpu.memory_space<vmem>>
      %get3A_1146 = arith.index_cast %get3A_1141 : i32 to index
      %get3A_1147 = arith.index_cast %mul3A_1140 : i32 to index
      %get3A_1148 = tpu.vector_load %get3A_1145[%get3A_1146, %get3A_1147] {strides = array<i32>} : memref<32x512xf32, #tpu.memory_space<vmem>>, vector<1x16xf32>,
      %get3A_1149 = vector.shape_cast %get3A_1148 : vector<1x16xf32> to vector<16xf32>
      %mul3A_1150 = arith.constant 16 : i32
      %mul3A_1151 = arith.muli %mul3A_1150, %scan3A_192 : i32
      %get3A_1152 = arith.constant 26 : i32
      %get3A_1153 = arith.constant 0 : i32
      %get3A_1154 = arith.constant 0 : i32
      %get3A_1155 = tpu.memref_slice %arg8[%scan3A_176, %get3A_1153, %get3A_1154] : memref<2x32x512xf32, #tpu.memory_space<vmem>> -> memref<1x32x512xf32, #tpu.memory_space<vmem>>
      %get3A_1156 = tpu.memref_squeeze %get3A_1155 : memref<1x32x512xf32, #tpu.memory_space<vmem>> -> memref<32x512xf32, #tpu.memory_space<vmem>>
      %get3A_1157 = arith.index_cast %get3A_1152 : i32 to index
      %get3A_1158 = arith.index_cast %mul3A_1151 : i32 to index
      %get3A_1159 = tpu.vector_load %get3A_1156[%get3A_1157, %get3A_1158] {strides = array<i32>} : memref<32x512xf32, #tpu.memory_space<vmem>>, vector<1x16xf32>,
      %get3A_1160 = vector.shape_cast %get3A_1159 : vector<1x16xf32> to vector<16xf32>
      %sub3A_1161 = arith.subf %get3A_1138, %get3A_1149 : vector<16xf32>
      %abs3A_1162 = math.absf %sub3A_1161 : vector<16xf32>
      %mul3A_1163 = arith.mulf %abs3A_1162, %get3A_1160 : vector<16xf32>
      %mul3A_1164 = arith.constant 16 : i32
      %mul3A_1165 = arith.muli %mul3A_1164, %scan3A_192 : i32
      %get3A_1166 = arith.constant 27 : i32
      %get3A_1167 = arith.constant 0 : i32
      %get3A_1168 = arith.constant 0 : i32
      %get3A_1169 = tpu.memref_slice %arg6[%scan3A_174, %get3A_1167, %get3A_1168] : memref<2x32x512xf32, #tpu.memory_space<vmem>> -> memref<1x32x512xf32, #tpu.memory_space<vmem>>
      %get3A_1170 = tpu.memref_squeeze %get3A_1169 : memref<1x32x512xf32, #tpu.memory_space<vmem>> -> memref<32x512xf32, #tpu.memory_space<vmem>>
      %get3A_1171 = arith.index_cast %get3A_1166 : i32 to index
      %get3A_1172 = arith.index_cast %mul3A_1165 : i32 to index
      %get3A_1173 = tpu.vector_load %get3A_1170[%get3A_1171, %get3A_1172] {strides = array<i32>} : memref<32x512xf32, #tpu.memory_space<vmem>>, vector<1x16xf32>,
      %get3A_1174 = vector.shape_cast %get3A_1173 : vector<1x16xf32> to vector<16xf32>
      %mul3A_1175 = arith.constant 16 : i32
      %mul3A_1176 = arith.muli %mul3A_1175, %scan3A_192 : i32
      %get3A_1177 = arith.constant 27 : i32
      %get3A_1178 = arith.constant 0 : i32
      %get3A_1179 = arith.constant 0 : i32
      %get3A_1180 = tpu.memref_slice %arg7[%scan3A_175, %get3A_1178, %get3A_1179] : memref<2x32x512xf32, #tpu.memory_space<vmem>> -> memref<1x32x512xf32, #tpu.memory_space<vmem>>
      %get3A_1181 = tpu.memref_squeeze %get3A_1180 : memref<1x32x512xf32, #tpu.memory_space<vmem>> -> memref<32x512xf32, #tpu.memory_space<vmem>>
      %get3A_1182 = arith.index_cast %get3A_1177 : i32 to index
      %get3A_1183 = arith.index_cast %mul3A_1176 : i32 to index
      %get3A_1184 = tpu.vector_load %get3A_1181[%get3A_1182, %get3A_1183] {strides = array<i32>} : memref<32x512xf32, #tpu.memory_space<vmem>>, vector<1x16xf32>,
      %get3A_1185 = vector.shape_cast %get3A_1184 : vector<1x16xf32> to vector<16xf32>
      %mul3A_1186 = arith.constant 16 : i32
      %mul3A_1187 = arith.muli %mul3A_1186, %scan3A_192 : i32
      %get3A_1188 = arith.constant 27 : i32
      %get3A_1189 = arith.constant 0 : i32
      %get3A_1190 = arith.constant 0 : i32
      %get3A_1191 = tpu.memref_slice %arg8[%scan3A_176, %get3A_1189, %get3A_1190] : memref<2x32x512xf32, #tpu.memory_space<vmem>> -> memref<1x32x512xf32, #tpu.memory_space<vmem>>
      %get3A_1192 = tpu.memref_squeeze %get3A_1191 : memref<1x32x512xf32, #tpu.memory_space<vmem>> -> memref<32x512xf32, #tpu.memory_space<vmem>>
      %get3A_1193 = arith.index_cast %get3A_1188 : i32 to index
      %get3A_1194 = arith.index_cast %mul3A_1187 : i32 to index
      %get3A_1195 = tpu.vector_load %get3A_1192[%get3A_1193, %get3A_1194] {strides = array<i32>} : memref<32x512xf32, #tpu.memory_space<vmem>>, vector<1x16xf32>,
      %get3A_1196 = vector.shape_cast %get3A_1195 : vector<1x16xf32> to vector<16xf32>
      %sub3A_1197 = arith.subf %get3A_1174, %get3A_1185 : vector<16xf32>
      %abs3A_1198 = math.absf %sub3A_1197 : vector<16xf32>
      %mul3A_1199 = arith.mulf %abs3A_1198, %get3A_1196 : vector<16xf32>
      %mul3A_1200 = arith.constant 16 : i32
      %mul3A_1201 = arith.muli %mul3A_1200, %scan3A_192 : i32
      %get3A_1202 = arith.constant 28 : i32
      %get3A_1203 = arith.constant 0 : i32
      %get3A_1204 = arith.constant 0 : i32
      %get3A_1205 = tpu.memref_slice %arg6[%scan3A_174, %get3A_1203, %get3A_1204] : memref<2x32x512xf32, #tpu.memory_space<vmem>> -> memref<1x32x512xf32, #tpu.memory_space<vmem>>
      %get3A_1206 = tpu.memref_squeeze %get3A_1205 : memref<1x32x512xf32, #tpu.memory_space<vmem>> -> memref<32x512xf32, #tpu.memory_space<vmem>>
      %get3A_1207 = arith.index_cast %get3A_1202 : i32 to index
      %get3A_1208 = arith.index_cast %mul3A_1201 : i32 to index
      %get3A_1209 = tpu.vector_load %get3A_1206[%get3A_1207, %get3A_1208] {strides = array<i32>} : memref<32x512xf32, #tpu.memory_space<vmem>>, vector<1x16xf32>,
      %get3A_1210 = vector.shape_cast %get3A_1209 : vector<1x16xf32> to vector<16xf32>
      %mul3A_1211 = arith.constant 16 : i32
      %mul3A_1212 = arith.muli %mul3A_1211, %scan3A_192 : i32
      %get3A_1213 = arith.constant 28 : i32
      %get3A_1214 = arith.constant 0 : i32
      %get3A_1215 = arith.constant 0 : i32
      %get3A_1216 = tpu.memref_slice %arg7[%scan3A_175, %get3A_1214, %get3A_1215] : memref<2x32x512xf32, #tpu.memory_space<vmem>> -> memref<1x32x512xf32, #tpu.memory_space<vmem>>
      %get3A_1217 = tpu.memref_squeeze %get3A_1216 : memref<1x32x512xf32, #tpu.memory_space<vmem>> -> memref<32x512xf32, #tpu.memory_space<vmem>>
      %get3A_1218 = arith.index_cast %get3A_1213 : i32 to index
      %get3A_1219 = arith.index_cast %mul3A_1212 : i32 to index
      %get3A_1220 = tpu.vector_load %get3A_1217[%get3A_1218, %get3A_1219] {strides = array<i32>} : memref<32x512xf32, #tpu.memory_space<vmem>>, vector<1x16xf32>,
      %get3A_1221 = vector.shape_cast %get3A_1220 : vector<1x16xf32> to vector<16xf32>
      %mul3A_1222 = arith.constant 16 : i32
      %mul3A_1223 = arith.muli %mul3A_1222, %scan3A_192 : i32
      %get3A_1224 = arith.constant 28 : i32
      %get3A_1225 = arith.constant 0 : i32
      %get3A_1226 = arith.constant 0 : i32
      %get3A_1227 = tpu.memref_slice %arg8[%scan3A_176, %get3A_1225, %get3A_1226] : memref<2x32x512xf32, #tpu.memory_space<vmem>> -> memref<1x32x512xf32, #tpu.memory_space<vmem>>
      %get3A_1228 = tpu.memref_squeeze %get3A_1227 : memref<1x32x512xf32, #tpu.memory_space<vmem>> -> memref<32x512xf32, #tpu.memory_space<vmem>>
      %get3A_1229 = arith.index_cast %get3A_1224 : i32 to index
      %get3A_1230 = arith.index_cast %mul3A_1223 : i32 to index
      %get3A_1231 = tpu.vector_load %get3A_1228[%get3A_1229, %get3A_1230] {strides = array<i32>} : memref<32x512xf32, #tpu.memory_space<vmem>>, vector<1x16xf32>,
      %get3A_1232 = vector.shape_cast %get3A_1231 : vector<1x16xf32> to vector<16xf32>
      %sub3A_1233 = arith.subf %get3A_1210, %get3A_1221 : vector<16xf32>
      %abs3A_1234 = math.absf %sub3A_1233 : vector<16xf32>
      %mul3A_1235 = arith.mulf %abs3A_1234, %get3A_1232 : vector<16xf32>
      %mul3A_1236 = arith.constant 16 : i32
      %mul3A_1237 = arith.muli %mul3A_1236, %scan3A_192 : i32
      %get3A_1238 = arith.constant 29 : i32
      %get3A_1239 = arith.constant 0 : i32
      %get3A_1240 = arith.constant 0 : i32
      %get3A_1241 = tpu.memref_slice %arg6[%scan3A_174, %get3A_1239, %get3A_1240] : memref<2x32x512xf32, #tpu.memory_space<vmem>> -> memref<1x32x512xf32, #tpu.memory_space<vmem>>
      %get3A_1242 = tpu.memref_squeeze %get3A_1241 : memref<1x32x512xf32, #tpu.memory_space<vmem>> -> memref<32x512xf32, #tpu.memory_space<vmem>>
      %get3A_1243 = arith.index_cast %get3A_1238 : i32 to index
      %get3A_1244 = arith.index_cast %mul3A_1237 : i32 to index
      %get3A_1245 = tpu.vector_load %get3A_1242[%get3A_1243, %get3A_1244] {strides = array<i32>} : memref<32x512xf32, #tpu.memory_space<vmem>>, vector<1x16xf32>,
      %get3A_1246 = vector.shape_cast %get3A_1245 : vector<1x16xf32> to vector<16xf32>
      %mul3A_1247 = arith.constant 16 : i32
      %mul3A_1248 = arith.muli %mul3A_1247, %scan3A_192 : i32
      %get3A_1249 = arith.constant 29 : i32
      %get3A_1250 = arith.constant 0 : i32
      %get3A_1251 = arith.constant 0 : i32
      %get3A_1252 = tpu.memref_slice %arg7[%scan3A_175, %get3A_1250, %get3A_1251] : memref<2x32x512xf32, #tpu.memory_space<vmem>> -> memref<1x32x512xf32, #tpu.memory_space<vmem>>
      %get3A_1253 = tpu.memref_squeeze %get3A_1252 : memref<1x32x512xf32, #tpu.memory_space<vmem>> -> memref<32x512xf32, #tpu.memory_space<vmem>>
      %get3A_1254 = arith.index_cast %get3A_1249 : i32 to index
      %get3A_1255 = arith.index_cast %mul3A_1248 : i32 to index
      %get3A_1256 = tpu.vector_load %get3A_1253[%get3A_1254, %get3A_1255] {strides = array<i32>} : memref<32x512xf32, #tpu.memory_space<vmem>>, vector<1x16xf32>,
      %get3A_1257 = vector.shape_cast %get3A_1256 : vector<1x16xf32> to vector<16xf32>
      %mul3A_1258 = arith.constant 16 : i32
      %mul3A_1259 = arith.muli %mul3A_1258, %scan3A_192 : i32
      %get3A_1260 = arith.constant 29 : i32
      %get3A_1261 = arith.constant 0 : i32
      %get3A_1262 = arith.constant 0 : i32
      %get3A_1263 = tpu.memref_slice %arg8[%scan3A_176, %get3A_1261, %get3A_1262] : memref<2x32x512xf32, #tpu.memory_space<vmem>> -> memref<1x32x512xf32, #tpu.memory_space<vmem>>
      %get3A_1264 = tpu.memref_squeeze %get3A_1263 : memref<1x32x512xf32, #tpu.memory_space<vmem>> -> memref<32x512xf32, #tpu.memory_space<vmem>>
      %get3A_1265 = arith.index_cast %get3A_1260 : i32 to index
      %get3A_1266 = arith.index_cast %mul3A_1259 : i32 to index
      %get3A_1267 = tpu.vector_load %get3A_1264[%get3A_1265, %get3A_1266] {strides = array<i32>} : memref<32x512xf32, #tpu.memory_space<vmem>>, vector<1x16xf32>,
      %get3A_1268 = vector.shape_cast %get3A_1267 : vector<1x16xf32> to vector<16xf32>
      %sub3A_1269 = arith.subf %get3A_1246, %get3A_1257 : vector<16xf32>
      %abs3A_1270 = math.absf %sub3A_1269 : vector<16xf32>
      %mul3A_1271 = arith.mulf %abs3A_1270, %get3A_1268 : vector<16xf32>
      %mul3A_1272 = arith.constant 16 : i32
      %mul3A_1273 = arith.muli %mul3A_1272, %scan3A_192 : i32
      %get3A_1274 = arith.constant 30 : i32
      %get3A_1275 = arith.constant 0 : i32
      %get3A_1276 = arith.constant 0 : i32
      %get3A_1277 = tpu.memref_slice %arg6[%scan3A_174, %get3A_1275, %get3A_1276] : memref<2x32x512xf32, #tpu.memory_space<vmem>> -> memref<1x32x512xf32, #tpu.memory_space<vmem>>
      %get3A_1278 = tpu.memref_squeeze %get3A_1277 : memref<1x32x512xf32, #tpu.memory_space<vmem>> -> memref<32x512xf32, #tpu.memory_space<vmem>>
      %get3A_1279 = arith.index_cast %get3A_1274 : i32 to index
      %get3A_1280 = arith.index_cast %mul3A_1273 : i32 to index
      %get3A_1281 = tpu.vector_load %get3A_1278[%get3A_1279, %get3A_1280] {strides = array<i32>} : memref<32x512xf32, #tpu.memory_space<vmem>>, vector<1x16xf32>,
      %get3A_1282 = vector.shape_cast %get3A_1281 : vector<1x16xf32> to vector<16xf32>
      %mul3A_1283 = arith.constant 16 : i32
      %mul3A_1284 = arith.muli %mul3A_1283, %scan3A_192 : i32
      %get3A_1285 = arith.constant 30 : i32
      %get3A_1286 = arith.constant 0 : i32
      %get3A_1287 = arith.constant 0 : i32
      %get3A_1288 = tpu.memref_slice %arg7[%scan3A_175, %get3A_1286, %get3A_1287] : memref<2x32x512xf32, #tpu.memory_space<vmem>> -> memref<1x32x512xf32, #tpu.memory_space<vmem>>
      %get3A_1289 = tpu.memref_squeeze %get3A_1288 : memref<1x32x512xf32, #tpu.memory_space<vmem>> -> memref<32x512xf32, #tpu.memory_space<vmem>>
      %get3A_1290 = arith.index_cast %get3A_1285 : i32 to index
      %get3A_1291 = arith.index_cast %mul3A_1284 : i32 to index
      %get3A_1292 = tpu.vector_load %get3A_1289[%get3A_1290, %get3A_1291] {strides = array<i32>} : memref<32x512xf32, #tpu.memory_space<vmem>>, vector<1x16xf32>,
      %get3A_1293 = vector.shape_cast %get3A_1292 : vector<1x16xf32> to vector<16xf32>
      %mul3A_1294 = arith.constant 16 : i32
      %mul3A_1295 = arith.muli %mul3A_1294, %scan3A_192 : i32
      %get3A_1296 = arith.constant 30 : i32
      %get3A_1297 = arith.constant 0 : i32
      %get3A_1298 = arith.constant 0 : i32
      %get3A_1299 = tpu.memref_slice %arg8[%scan3A_176, %get3A_1297, %get3A_1298] : memref<2x32x512xf32, #tpu.memory_space<vmem>> -> memref<1x32x512xf32, #tpu.memory_space<vmem>>
      %get3A_1300 = tpu.memref_squeeze %get3A_1299 : memref<1x32x512xf32, #tpu.memory_space<vmem>> -> memref<32x512xf32, #tpu.memory_space<vmem>>
      %get3A_1301 = arith.index_cast %get3A_1296 : i32 to index
      %get3A_1302 = arith.index_cast %mul3A_1295 : i32 to index
      %get3A_1303 = tpu.vector_load %get3A_1300[%get3A_1301, %get3A_1302] {strides = array<i32>} : memref<32x512xf32, #tpu.memory_space<vmem>>, vector<1x16xf32>,
      %get3A_1304 = vector.shape_cast %get3A_1303 : vector<1x16xf32> to vector<16xf32>
      %sub3A_1305 = arith.subf %get3A_1282, %get3A_1293 : vector<16xf32>
      %abs3A_1306 = math.absf %sub3A_1305 : vector<16xf32>
      %mul3A_1307 = arith.mulf %abs3A_1306, %get3A_1304 : vector<16xf32>
      %mul3A_1308 = arith.constant 16 : i32
      %mul3A_1309 = arith.muli %mul3A_1308, %scan3A_192 : i32
      %get3A_1310 = arith.constant 31 : i32
      %get3A_1311 = arith.constant 0 : i32
      %get3A_1312 = arith.constant 0 : i32
      %get3A_1313 = tpu.memref_slice %arg6[%scan3A_174, %get3A_1311, %get3A_1312] : memref<2x32x512xf32, #tpu.memory_space<vmem>> -> memref<1x32x512xf32, #tpu.memory_space<vmem>>
      %get3A_1314 = tpu.memref_squeeze %get3A_1313 : memref<1x32x512xf32, #tpu.memory_space<vmem>> -> memref<32x512xf32, #tpu.memory_space<vmem>>
      %get3A_1315 = arith.index_cast %get3A_1310 : i32 to index
      %get3A_1316 = arith.index_cast %mul3A_1309 : i32 to index
      %get3A_1317 = tpu.vector_load %get3A_1314[%get3A_1315, %get3A_1316] {strides = array<i32>} : memref<32x512xf32, #tpu.memory_space<vmem>>, vector<1x16xf32>,
      %get3A_1318 = vector.shape_cast %get3A_1317 : vector<1x16xf32> to vector<16xf32>
      %mul3A_1319 = arith.constant 16 : i32
      %mul3A_1320 = arith.muli %mul3A_1319, %scan3A_192 : i32
      %get3A_1321 = arith.constant 31 : i32
      %get3A_1322 = arith.constant 0 : i32
      %get3A_1323 = arith.constant 0 : i32
      %get3A_1324 = tpu.memref_slice %arg7[%scan3A_175, %get3A_1322, %get3A_1323] : memref<2x32x512xf32, #tpu.memory_space<vmem>> -> memref<1x32x512xf32, #tpu.memory_space<vmem>>
      %get3A_1325 = tpu.memref_squeeze %get3A_1324 : memref<1x32x512xf32, #tpu.memory_space<vmem>> -> memref<32x512xf32, #tpu.memory_space<vmem>>
      %get3A_1326 = arith.index_cast %get3A_1321 : i32 to index
      %get3A_1327 = arith.index_cast %mul3A_1320 : i32 to index
      %get3A_1328 = tpu.vector_load %get3A_1325[%get3A_1326, %get3A_1327] {strides = array<i32>} : memref<32x512xf32, #tpu.memory_space<vmem>>, vector<1x16xf32>,
      %get3A_1329 = vector.shape_cast %get3A_1328 : vector<1x16xf32> to vector<16xf32>
      %mul3A_1330 = arith.constant 16 : i32
      %mul3A_1331 = arith.muli %mul3A_1330, %scan3A_192 : i32
      %get3A_1332 = arith.constant 31 : i32
      %get3A_1333 = arith.constant 0 : i32
      %get3A_1334 = arith.constant 0 : i32
      %get3A_1335 = tpu.memref_slice %arg8[%scan3A_176, %get3A_1333, %get3A_1334] : memref<2x32x512xf32, #tpu.memory_space<vmem>> -> memref<1x32x512xf32, #tpu.memory_space<vmem>>
      %get3A_1336 = tpu.memref_squeeze %get3A_1335 : memref<1x32x512xf32, #tpu.memory_space<vmem>> -> memref<32x512xf32, #tpu.memory_space<vmem>>
      %get3A_1337 = arith.index_cast %get3A_1332 : i32 to index
      %get3A_1338 = arith.index_cast %mul3A_1331 : i32 to index
      %get3A_1339 = tpu.vector_load %get3A_1336[%get3A_1337, %get3A_1338] {strides = array<i32>} : memref<32x512xf32, #tpu.memory_space<vmem>>, vector<1x16xf32>,
      %get3A_1340 = vector.shape_cast %get3A_1339 : vector<1x16xf32> to vector<16xf32>
      %sub3A_1341 = arith.subf %get3A_1318, %get3A_1329 : vector<16xf32>
      %abs3A_1342 = math.absf %sub3A_1341 : vector<16xf32>
      %mul3A_1343 = arith.mulf %abs3A_1342, %get3A_1340 : vector<16xf32>
      %add3A_1344 = arith.addf %mul3A_227, %mul3A_263 : vector<16xf32>
      %add3A_1345 = arith.addf %mul3A_299, %mul3A_335 : vector<16xf32>
      %add3A_1346 = arith.addf %mul3A_371, %mul3A_407 : vector<16xf32>
      %add3A_1347 = arith.addf %mul3A_443, %mul3A_479 : vector<16xf32>
      %add3A_1348 = arith.addf %mul3A_515, %mul3A_551 : vector<16xf32>
      %add3A_1349 = arith.addf %mul3A_587, %mul3A_623 : vector<16xf32>
      %add3A_1350 = arith.addf %mul3A_659, %mul3A_695 : vector<16xf32>
      %add3A_1351 = arith.addf %mul3A_731, %mul3A_767 : vector<16xf32>
      %add3A_1352 = arith.addf %mul3A_803, %mul3A_839 : vector<16xf32>
      %add3A_1353 = arith.addf %mul3A_875, %mul3A_911 : vector<16xf32>
      %add3A_1354 = arith.addf %mul3A_947, %mul3A_983 : vector<16xf32>
      %add3A_1355 = arith.addf %mul3A_1019, %mul3A_1055 : vector<16xf32>
      %add3A_1356 = arith.addf %mul3A_1091, %mul3A_1127 : vector<16xf32>
      %add3A_1357 = arith.addf %mul3A_1163, %mul3A_1199 : vector<16xf32>
      %add3A_1358 = arith.addf %mul3A_1235, %mul3A_1271 : vector<16xf32>
      %add3A_1359 = arith.addf %mul3A_1307, %mul3A_1343 : vector<16xf32>
      %add3A_1360 = arith.addf %add3A_1344, %add3A_1345 : vector<16xf32>
      %add3A_1361 = arith.addf %add3A_1346, %add3A_1347 : vector<16xf32>
      %add3A_1362 = arith.addf %add3A_1348, %add3A_1349 : vector<16xf32>
      %add3A_1363 = arith.addf %add3A_1350, %add3A_1351 : vector<16xf32>
      %add3A_1364 = arith.addf %add3A_1352, %add3A_1353 : vector<16xf32>
      %add3A_1365 = arith.addf %add3A_1354, %add3A_1355 : vector<16xf32>
      %add3A_1366 = arith.addf %add3A_1356, %add3A_1357 : vector<16xf32>
      %add3A_1367 = arith.addf %add3A_1358, %add3A_1359 : vector<16xf32>
      %add3A_1368 = arith.addf %add3A_1360, %add3A_1361 : vector<16xf32>
      %add3A_1369 = arith.addf %add3A_1362, %add3A_1363 : vector<16xf32>
      %add3A_1370 = arith.addf %add3A_1364, %add3A_1365 : vector<16xf32>
      %add3A_1371 = arith.addf %add3A_1366, %add3A_1367 : vector<16xf32>
      %add3A_1372 = arith.addf %add3A_1368, %add3A_1369 : vector<16xf32>
      %add3A_1373 = arith.addf %add3A_1370, %add3A_1371 : vector<16xf32>
      %add3A_1374 = arith.addf %add3A_1372, %add3A_1373 : vector<16xf32>
      %add3A_1375 = arith.addf %scan3A_193, %add3A_1374 : vector<16xf32>
      %add3A_1376 = arith.addf %get3A_226, %get3A_260 : vector<16xf32>
      %add3A_1377 = arith.addf %get3A_296, %get3A_332 : vector<16xf32>
      %add3A_1378 = arith.addf %get3A_368, %get3A_404 : vector<16xf32>
      %add3A_1379 = arith.addf %get3A_440, %get3A_476 : vector<16xf32>
      %add3A_1380 = arith.addf %get3A_512, %get3A_548 : vector<16xf32>
      %add3A_1381 = arith.addf %get3A_584, %get3A_620 : vector<16xf32>
      %add3A_1382 = arith.addf %get3A_656, %get3A_692 : vector<16xf32>
      %add3A_1383 = arith.addf %get3A_728, %get3A_764 : vector<16xf32>
      %add3A_1384 = arith.addf %get3A_800, %get3A_836 : vector<16xf32>
      %add3A_1385 = arith.addf %get3A_872, %get3A_908 : vector<16xf32>
      %add3A_1386 = arith.addf %get3A_944, %get3A_980 : vector<16xf32>
      %add3A_1387 = arith.addf %get3A_1016, %get3A_1052 : vector<16xf32>
      %add3A_1388 = arith.addf %get3A_1088, %get3A_1124 : vector<16xf32>
      %add3A_1389 = arith.addf %get3A_1160, %get3A_1196 : vector<16xf32>
      %add3A_1390 = arith.addf %get3A_1232, %get3A_1268 : vector<16xf32>
      %add3A_1391 = arith.addf %get3A_1304, %get3A_1340 : vector<16xf32>
      %add3A_1392 = arith.addf %add3A_1376, %add3A_1377 : vector<16xf32>
      %add3A_1393 = arith.addf %add3A_1378, %add3A_1379 : vector<16xf32>
      %add3A_1394 = arith.addf %add3A_1380, %add3A_1381 : vector<16xf32>
      %add3A_1395 = arith.addf %add3A_1382, %add3A_1383 : vector<16xf32>
      %add3A_1396 = arith.addf %add3A_1384, %add3A_1385 : vector<16xf32>
      %add3A_1397 = arith.addf %add3A_1386, %add3A_1387 : vector<16xf32>
      %add3A_1398 = arith.addf %add3A_1388, %add3A_1389 : vector<16xf32>
      %add3A_1399 = arith.addf %add3A_1390, %add3A_1391 : vector<16xf32>
      %add3A_1400 = arith.addf %add3A_1392, %add3A_1393 : vector<16xf32>
      %add3A_1401 = arith.addf %add3A_1394, %add3A_1395 : vector<16xf32>
      %add3A_1402 = arith.addf %add3A_1396, %add3A_1397 : vector<16xf32>
      %add3A_1403 = arith.addf %add3A_1398, %add3A_1399 : vector<16xf32>
      %add3A_1404 = arith.addf %add3A_1400, %add3A_1401 : vector<16xf32>
      %add3A_1405 = arith.addf %add3A_1402, %add3A_1403 : vector<16xf32>
      %add3A_1406 = arith.addf %add3A_1404, %add3A_1405 : vector<16xf32>
      %add3A_1407 = arith.addf %scan3A_194, %add3A_1406 : vector<16xf32>
      scf.yield %add3A_1375, %add3A_1407 : vector<16xf32>, vector<16xf32>
    }
    %scan3A_182 = arith.constant 32 : i32
    %swap3A = arith.constant 0 : index
    %swap3A_183 = tpu.vector_load %arg9[%swap3A] {strides = array<i32>} : memref<16xf32, #tpu.memory_space<vmem>>, vector<16xf32>,
    %swap3A_184 = vector.shape_cast %swap3A_183 : vector<16xf32> to vector<16xf32>
    %swap3A_185 = vector.shape_cast %scan3A_181#0 : vector<16xf32> to vector<16xf32>
    tpu.vector_store %arg9[%swap3A], %swap3A_185 {strides = array<i32>} : memref<16xf32, #tpu.memory_space<vmem>>, vector<16xf32>,
    %swap3A_186 = arith.constant 0 : index
    %swap3A_187 = tpu.vector_load %arg10[%swap3A_186] {strides = array<i32>} : memref<16xf32, #tpu.memory_space<vmem>>, vector<16xf32>,
    %swap3A_188 = vector.shape_cast %swap3A_187 : vector<16xf32> to vector<16xf32>
    %swap3A_189 = vector.shape_cast %scan3A_181#1 : vector<16xf32> to vector<16xf32>
    tpu.vector_store %arg10[%swap3A_186], %swap3A_189 {strides = array<i32>} : memref<16xf32, #tpu.memory_space<vmem>>, vector<16xf32>,
    "tpu.region"() ({
      %run_scoped3A = tpu.sem_alloc : memref<!tpu.dma_semaphore, #tpu.memory_space<semaphore_mem>>
      %dma_start3A_192 = arith.constant 0 : i32
      %dma_start3A_193 = tpu.memref_slice %arg5[%add3A, %dma_start3A_192] : memref<64x16xf32, #tpu.memory_space<hbm>> -> memref<1x16xf32, #tpu.memory_space<hbm>>
      %dma_start3A_194 = tpu.memref_squeeze %dma_start3A_193 : memref<1x16xf32, #tpu.memory_space<hbm>> -> memref<16xf32, #tpu.memory_space<hbm>>
      %dma_start3A_195 = arith.constant 0 : i32
      %dma_start3A_196 = tpu.memref_slice %arg5[%add3A, %dma_start3A_195] : memref<64x16xf32, #tpu.memory_space<hbm>> -> memref<1x16xf32, #tpu.memory_space<hbm>>
      %dma_start3A_197 = tpu.memref_squeeze %dma_start3A_196 : memref<1x16xf32, #tpu.memory_space<hbm>> -> memref<16xf32, #tpu.memory_space<hbm>>
      tpu.enqueue_dma source(%arg9 : memref<16xf32, #tpu.memory_space<vmem>>) target(%dma_start3A_197 : memref<16xf32, #tpu.memory_space<hbm>>) target_semaphore(%run_scoped3A : memref<!tpu.dma_semaphore, #tpu.memory_space<semaphore_mem>>)
      %dma_wait3A_198 = arith.constant 0 : i32
      %dma_wait3A_199 = tpu.memref_slice %arg5[%add3A, %dma_wait3A_198] : memref<64x16xf32, #tpu.memory_space<hbm>> -> memref<1x16xf32, #tpu.memory_space<hbm>>
      %dma_wait3A_200 = tpu.memref_squeeze %dma_wait3A_199 : memref<1x16xf32, #tpu.memory_space<hbm>> -> memref<16xf32, #tpu.memory_space<hbm>>
      %dma_wait3A_201 = arith.constant 0 : i32
      %dma_wait3A_202 = tpu.memref_slice %arg5[%add3A, %dma_wait3A_201] : memref<64x16xf32, #tpu.memory_space<hbm>> -> memref<1x16xf32, #tpu.memory_space<hbm>>
      %dma_wait3A_203 = tpu.memref_squeeze %dma_wait3A_202 : memref<1x16xf32, #tpu.memory_space<hbm>> -> memref<16xf32, #tpu.memory_space<hbm>>
      tpu.wait_dma2 semaphore(%run_scoped3A : memref<!tpu.dma_semaphore, #tpu.memory_space<semaphore_mem>>) src(%arg9 : memref<16xf32, #tpu.memory_space<vmem>>) dst(%dma_wait3A_203 : memref<16xf32, #tpu.memory_space<hbm>>)
      tpu.yield
    }) : () -> ()
    %add3A_190 = arith.constant 32 : i32
    %add3A_191 = arith.addi %add3A_190, %add3A : i32
    "tpu.region"() ({
      %run_scoped3A = tpu.sem_alloc : memref<!tpu.dma_semaphore, #tpu.memory_space<semaphore_mem>>
      %dma_start3A_192 = arith.constant 0 : i32
      %dma_start3A_193 = tpu.memref_slice %arg5[%add3A_191, %dma_start3A_192] : memref<64x16xf32, #tpu.memory_space<hbm>> -> memref<1x16xf32, #tpu.memory_space<hbm>>
      %dma_start3A_194 = tpu.memref_squeeze %dma_start3A_193 : memref<1x16xf32, #tpu.memory_space<hbm>> -> memref<16xf32, #tpu.memory_space<hbm>>
      %dma_start3A_195 = arith.constant 0 : i32
      %dma_start3A_196 = tpu.memref_slice %arg5[%add3A_191, %dma_start3A_195] : memref<64x16xf32, #tpu.memory_space<hbm>> -> memref<1x16xf32, #tpu.memory_space<hbm>>
      %dma_start3A_197 = tpu.memref_squeeze %dma_start3A_196 : memref<1x16xf32, #tpu.memory_space<hbm>> -> memref<16xf32, #tpu.memory_space<hbm>>
      tpu.enqueue_dma source(%arg10 : memref<16xf32, #tpu.memory_space<vmem>>) target(%dma_start3A_197 : memref<16xf32, #tpu.memory_space<hbm>>) target_semaphore(%run_scoped3A : memref<!tpu.dma_semaphore, #tpu.memory_space<semaphore_mem>>)
      %dma_wait3A_198 = arith.constant 0 : i32
      %dma_wait3A_199 = tpu.memref_slice %arg5[%add3A_191, %dma_wait3A_198] : memref<64x16xf32, #tpu.memory_space<hbm>> -> memref<1x16xf32, #tpu.memory_space<hbm>>
      %dma_wait3A_200 = tpu.memref_squeeze %dma_wait3A_199 : memref<1x16xf32, #tpu.memory_space<hbm>> -> memref<16xf32, #tpu.memory_space<hbm>>
      %dma_wait3A_201 = arith.constant 0 : i32
      %dma_wait3A_202 = tpu.memref_slice %arg5[%add3A_191, %dma_wait3A_201] : memref<64x16xf32, #tpu.memory_space<hbm>> -> memref<1x16xf32, #tpu.memory_space<hbm>>
      %dma_wait3A_203 = tpu.memref_squeeze %dma_wait3A_202 : memref<1x16xf32, #tpu.memory_space<hbm>> -> memref<16xf32, #tpu.memory_space<hbm>>
      tpu.wait_dma2 semaphore(%run_scoped3A : memref<!tpu.dma_semaphore, #tpu.memory_space<semaphore_mem>>) src(%arg10 : memref<16xf32, #tpu.memory_space<vmem>>) dst(%dma_wait3A_203 : memref<16xf32, #tpu.memory_space<hbm>>)
      tpu.yield
    }) : () -> ()
    return
  }
}

module attributes {stable_mosaic.version = 14 : i64} {
  func.func @_tc_body(%arg0: i32, %arg1: memref<2048x512xf32, #tpu.memory_space<vmem>>, %arg2: memref<2048x512xf32, #tpu.memory_space<vmem>>, %arg3: memref<2048x512xi32, #tpu.memory_space<vmem>>, %arg4: memref<1x2x8x512xf32, #tpu.memory_space<vmem>>) attributes {dimension_semantics = [#tpu.dimension_semantics<parallel>], iteration_bounds = array<i64: 7>, scalar_prefetch = 0 : i64, scratch_operands = 0 : i64, tpu.core_type = #tpu.core_type<tc>, window_params = [{transform_indices = @transform_0, window_bounds = array<i64: 2048, 512>}, {transform_indices = @transform_1, window_bounds = array<i64: 2048, 512>}, {transform_indices = @transform_2, window_bounds = array<i64: 2048, 512>}, {transform_indices = @transform_3, window_bounds = array<i64: 1, 2, 8, 512>}]} {
    %get3A = arith.constant 0 : index
    %get3A_0 = arith.constant 0 : index
    %get3A_1 = vector.load %arg3[%get3A, %get3A_0] : memref<2048x512xi32, #tpu.memory_space<vmem>>, vector<2048x512xi32>
    %get3A_2 = arith.constant dense<0> : vector<2048x512xi32>
    %get3A_3 = arith.cmpi ne, %get3A_1, %get3A_2 : vector<2048x512xi32>
    %convert_element_type3A = arith.extui %get3A_3 : vector<2048x512xi1> to vector<2048x512xi32>
    %convert_element_type3A_4 = arith.sitofp %convert_element_type3A : vector<2048x512xi32> to vector<2048x512xf32>
    %get3A_5 = arith.constant 0 : index
    %get3A_6 = arith.constant 0 : index
    %get3A_7 = vector.load %arg1[%get3A_5, %get3A_6] : memref<2048x512xf32, #tpu.memory_space<vmem>>, vector<2048x512xf32>
    %get3A_8 = arith.constant 0 : index
    %get3A_9 = arith.constant 0 : index
    %get3A_10 = vector.load %arg2[%get3A_8, %get3A_9] : memref<2048x512xf32, #tpu.memory_space<vmem>>, vector<2048x512xf32>
    %sub3A = arith.subf %get3A_7, %get3A_10 : vector<2048x512xf32>
    %abs3A = math.absf %sub3A : vector<2048x512xf32>
    %mul3A = arith.mulf %abs3A, %convert_element_type3A_4 : vector<2048x512xf32>
    %reshape3A = vector.shape_cast %mul3A : vector<2048x512xf32> to vector<256x8x512xf32>
    %reduce_sum3A = arith.constant dense<0.000000e+00> : vector<8x512xf32>
    %reduce_sum3A_11 = vector.multi_reduction <add>, %reshape3A, %reduce_sum3A [0] : vector<256x8x512xf32> to vector<8x512xf32>
    %swap3A = arith.constant 0 : index
    %swap3A_12 = arith.constant 0 : index
    %swap3A_13 = arith.constant 0 : index
    %swap3A_14 = arith.constant 0 : index
    %swap3A_15 = vector.load %arg4[%swap3A, %swap3A_12, %swap3A_13, %swap3A_14] : memref<1x2x8x512xf32, #tpu.memory_space<vmem>>, vector<1x1x8x512xf32>
    %swap3A_16 = vector.shape_cast %swap3A_15 : vector<1x1x8x512xf32> to vector<8x512xf32>
    %swap3A_17 = vector.shape_cast %reduce_sum3A_11 : vector<8x512xf32> to vector<1x1x8x512xf32>
    tpu.vector_store %arg4[%swap3A, %swap3A_12, %swap3A_13, %swap3A_14], %swap3A_17 {strides = array<i32>} : memref<1x2x8x512xf32, #tpu.memory_space<vmem>>, vector<1x1x8x512xf32>,
    %reshape3A_18 = vector.shape_cast %convert_element_type3A_4 : vector<2048x512xf32> to vector<256x8x512xf32>
    %reduce_sum3A_19 = arith.constant dense<0.000000e+00> : vector<8x512xf32>
    %reduce_sum3A_20 = vector.multi_reduction <add>, %reshape3A_18, %reduce_sum3A_19 [0] : vector<256x8x512xf32> to vector<8x512xf32>
    %swap3A_21 = arith.constant 0 : index
    %swap3A_22 = arith.constant 1 : index
    %swap3A_23 = arith.constant 0 : index
    %swap3A_24 = arith.constant 0 : index
    %swap3A_25 = vector.load %arg4[%swap3A_21, %swap3A_22, %swap3A_23, %swap3A_24] : memref<1x2x8x512xf32, #tpu.memory_space<vmem>>, vector<1x1x8x512xf32>
    %swap3A_26 = vector.shape_cast %swap3A_25 : vector<1x1x8x512xf32> to vector<8x512xf32>
    %swap3A_27 = vector.shape_cast %reduce_sum3A_20 : vector<8x512xf32> to vector<1x1x8x512xf32>
    tpu.vector_store %arg4[%swap3A_21, %swap3A_22, %swap3A_23, %swap3A_24], %swap3A_27 {strides = array<i32>} : memref<1x2x8x512xf32, #tpu.memory_space<vmem>>, vector<1x1x8x512xf32>,
    return
  }
  func.func @transform_0(%arg0: i32) -> (i32, i32) {
    %add3A = arith.constant 1 : i32
    %add3A_0 = arith.addi %add3A, %arg0 : i32
    %c0_i32 = arith.constant 0 : i32
    %c0_i32_1 = arith.constant 0 : i32
    return %add3A_0, %c0_i32 : i32, i32
  }
  func.func @transform_1(%arg0: i32) -> (i32, i32) {
    %add3A = arith.constant 1 : i32
    %add3A_0 = arith.addi %add3A, %arg0 : i32
    %c0_i32 = arith.constant 0 : i32
    %c0_i32_1 = arith.constant 0 : i32
    return %add3A_0, %c0_i32 : i32, i32
  }
  func.func @transform_2(%arg0: i32) -> (i32, i32) {
    %add3A = arith.constant 1 : i32
    %add3A_0 = arith.addi %add3A, %arg0 : i32
    %c0_i32 = arith.constant 0 : i32
    %c0_i32_1 = arith.constant 0 : i32
    return %add3A_0, %c0_i32 : i32, i32
  }
  func.func @transform_3(%arg0: i32) -> (i32, i32, i32, i32) {
    %c0_i32 = arith.constant 0 : i32
    %c0_i32_0 = arith.constant 0 : i32
    %c0_i32_1 = arith.constant 0 : i32
    %c0_i32_2 = arith.constant 0 : i32
    return %arg0, %c0_i32, %c0_i32_0, %c0_i32_1 : i32, i32, i32, i32
  }
}

</mosaic_0001>

<sc_bundles>
// kernel: kernel.4.cloned.1.call-start
scs
__scs_entry_jumppad:
0x0: {  	(pc) =	sbr.rel $0x88, $3  }
0x1: {  	(tag) =	ssettag $0x0;
	lr =	simm.s32 $0x1  }
0x2: {  	[smem:$0x3F9E] =	sst lr;
	_ =	strace $0xD0000000  }
0x3: {  	_ = 	snop  }
0x4: {  	_ = 	snop  }
0x5: {  	_ = 	snop  }
0x6: {  	_ = 	snop  }
0x7: {  	_ = 	snop  }
__scs_overlays_trampoline_lowered:
0x8: {  	[smem:$0x3FAD] =	sst s0  }
0x9: {  	[smem:$0x3FAE] =	sst s1  }
0xa: {  	[smem:$0x3FAF] =	sst s2  }
0xb: {  	[smem:$0x3FB0] =	sst s3  }
0xc: {  	[smem:$0x3FB1] =	sst s4  }
0xd: {  	[smem:$0x3FB2] =	sst s5  }
0xe: {  	[smem:$0x3FB3] =	sst s6  }
0xf: {  	[smem:$0x3FB4] =	sst s7  }
0x10: {  	[smem:$0x3FB5] =	sst s8  }
0x11: {  	[smem:$0x3FB6] =	sst s9;
	s0 =	simm.s32 @!p0 $0x0  }
0x12: {  	s1 =	sld [smem:$0x3F9C];
	s0 =	simm.s32 @p0 $0x1  }
0x13: {  	[smem:$0x3FB7] =	sst s0;
	s0 =	simm.s32 @!p1 $0x0  }
0x14: {  	s2 =	sld [smem:$0x3F9B];
	s0 =	simm.s32 @p1 $0x1  }
0x15: {  	[smem:$0x3FB8] =	sst s0;
	s0 =	simm.s32 @!p2 $0x0  }
0x16: {  	s3 =	sld [smem:$0x3FDB];
	s0 =	simm.s32 @p2 $0x1  }
0x17: {  	s4 =	simm.s32 $0x1BF5;
	[smem:$0x3FBA] =	sst s0  }
0x18: {  	s0 =	sld [smem:$0x3F9D];
	_ =	swait.ge [sflag:s4], $0x0  }
0x19: {  	s7 =	sld [smem:$0x3F9E]  }
0x1a: {  	s8 =	sadd.s32 $0xFFFFE003, lr  }
0x1b: {  	s9 =	sadd.s32 $0xFFFFFEF7, lr;
	s5 =	simm.s32 $0xFFFFFFFF;
	p2 =	slt.u32 s8, $0xFFFFF086  }
0x1c: {  	p1 =	slt.u32 s9, $0xF7A;
	s5 =	simm.s32 @!p2 $0x0  }
0x1d: {  	s5 =	simm.s32 @p1 $0x1;
	p0 =	seq.s32 s7, s2  }
0x1e: {  	s7 =	smul.u32 @!p0 $0xF7A, s2;
	p2 =	seq.s32 @!p0 s5, $0x0  }
0x1f: {  	s9 =	smul.u32 $0xF7A, s1;
	s8 =	simm.s32 @!p0 $0x1BF5;
	p2 =	por !p2, p0  }
0x20: {  	[sflag:s8] =	ssyncset.s32 @!p0 $0xFFFFF086;
	s6 =	sadd.s32 @!p0 s3, s7;
	s7 =	simm.s32 @!p0 $0x108  }
0x21: {  	s3 =	sadd.s32 s3, s9;
	s6 =	sadd.s32 @!p0 $0x88, s6;
	s7 =	simm.s32 @p2 $0x1082  }
0x22: {  	[simem:s7], [sflag:s8] =	dma.local @!p0 [hbm:s6], $0xF7A  }
0x23: {  	s9 =	sor.u32 $0xD0000000, s2;
	s6 =	simm.s32 $0x108;
	_ =	swait.ge @!p0 [sflag:s8], $0x0  }
0x24: {  	s3 =	sadd.s32 $0x88, s3;
	s6 =	simm.s32 @!p1 $0x1082;
	[sflag:s4] =	ssyncset.s32 $0xFFFFF086  }
0x25: {  	[simem:s6], [sflag:s4] =	dma.local [hbm:s3], $0xF7A  }
0x26: {  	[smem:$0x3F9E] =	sst s1;
	(tag) =	ssettag s2;
	_ =	strace s9  }
0x27: {  	s1 =	sld [smem:$0x3FAE]  }
0x28: {  	s2 =	sld [smem:$0x3FAF]  }
0x29: {  	s4 =	sld [smem:$0x3FB1]  }
0x2a: {  	p0 =	seq.s32 s5, $0x0;
	s5 =	sld [smem:$0x3FB2]  }
0x2b: {  	s6 =	sld [smem:$0x3FB3]  }
0x2c: {  	s7 =	sld [smem:$0x3FB4]  }
0x2d: {  	s3 =	simm.s32 $0x108;
	s8 =	sld [smem:$0x3FB5]  }
0x2e: {  	s3 =	simm.s32 @!p0 $0x1082;
	s9 =	sld [smem:$0x3FB6]  }
0x2f: {  	lr =	sadd.s32 s0, s3;
	s0 =	sld [smem:$0x3FAD]  }
0x30: {  	s3 =	sld [smem:$0x3FB0]  }
0x31: {  	[smem:$0x3FB9] =	sst s10  }
0x32: {  	s10 =	sld [smem:$0x3FB7];
	_ =	sdelay $0x3  }
0x33: {  	p0 =	seq.s32 s10, $0x1;
	s10 =	sld [smem:$0x3FB9];
	_ =	sdelay $0x3  }
0x34: {  	[smem:$0x3FB9] =	sst s10  }
0x35: {  	s10 =	sld [smem:$0x3FB8];
	_ =	sdelay $0x3  }
0x36: {  	p1 =	seq.s32 s10, $0x1;
	s10 =	sld [smem:$0x3FB9];
	_ =	sdelay $0x3  }
0x37: {  	[smem:$0x3FB9] =	sst s10  }
0x38: {  	s10 =	sld [smem:$0x3FBA]  }
0x39: {  	_ = 	snop;
	(pc) =	sbr.ind lr, $3  }
0x3a: {  	_ = 	snop  }
0x3b: {  	_ = 	snop  }
0x3c: {  	p2 =	seq.s32 s10, $0x1;
	s10 =	sld [smem:$0x3FB9]  }
0x3d: {  	_ =	shalt  }
0x3e: {  	_ =	shalt  }
0x3f: {  	_ =	shalt  }
0x40: {  	_ =	shalt  }
0x41: {  	_ =	shalt  }
0x42: {  	_ =	shalt  }
0x43: {  	_ =	shalt  }
0x44: {  	_ =	shalt  }
0x45: {  	_ =	shalt  }
0x46: {  	_ =	shalt  }
0x47: {  	_ =	shalt  }
0x48: {  	_ =	shalt  }
0x49: {  	_ =	shalt  }
0x4a: {  	_ =	shalt  }
0x4b: {  	_ =	shalt  }
0x4c: {  	_ =	shalt  }
0x4d: {  	_ =	shalt  }
0x4e: {  	_ =	shalt  }
0x4f: {  	_ =	shalt  }
0x50: {  	_ =	shalt  }
0x51: {  	_ =	shalt  }
0x52: {  	_ =	shalt  }
0x53: {  	_ =	shalt  }
0x54: {  	_ =	shalt  }
0x55: {  	_ =	shalt  }
0x56: {  	_ =	shalt  }
0x57: {  	_ =	shalt  }
0x58: {  	_ =	shalt  }
0x59: {  	_ =	shalt  }
0x5a: {  	_ =	shalt  }
0x5b: {  	_ =	shalt  }
0x5c: {  	_ =	shalt  }
0x5d: {  	_ =	shalt  }
0x5e: {  	_ =	shalt  }
0x5f: {  	_ =	shalt  }
0x60: {  	_ =	shalt  }
0x61: {  	_ =	shalt  }
0x62: {  	_ =	shalt  }
0x63: {  	_ =	shalt  }
0x64: {  	_ =	shalt  }
0x65: {  	_ =	shalt  }
0x66: {  	_ =	shalt  }
0x67: {  	_ =	shalt  }
0x68: {  	_ =	shalt  }
0x69: {  	_ =	shalt  }
0x6a: {  	_ =	shalt  }
0x6b: {  	_ =	shalt  }
0x6c: {  	_ =	shalt  }
0x6d: {  	_ =	shalt  }
0x6e: {  	_ =	shalt  }
0x6f: {  	_ =	shalt  }
0x70: {  	_ =	shalt  }
0x71: {  	_ =	shalt  }
0x72: {  	_ =	shalt  }
0x73: {  	_ =	shalt  }
0x74: {  	_ =	shalt  }
0x75: {  	_ =	shalt  }
0x76: {  	_ =	shalt  }
0x77: {  	_ =	shalt  }
0x78: {  	_ =	shalt  }
0x79: {  	_ =	shalt  }
0x7a: {  	_ =	shalt  }
0x7b: {  	_ =	shalt  }
0x7c: {  	_ =	shalt  }
0x7d: {  	_ =	shalt  }
0x7e: {  	_ =	shalt  }
0x7f: {  	_ =	shalt  }
0x80: {  	_ =	shalt  }
0x81: {  	_ =	shalt  }
0x82: {  	_ =	shalt  }
0x83: {  	_ =	shalt  }
0x84: {  	_ =	shalt  }
0x85: {  	_ =	shalt  }
0x86: {  	_ =	shalt  }
0x87: {  	_ =	shalt  }
.Lfunc_end0:
.L_simem_size_0:
called_computation_lowered:
.L_overlay_start_0:
0x88: {  	s2 =	sld [smem:$0x3FD9]  }
0x89: {  	s3 =	sld [smem:$0x3FFE];
	_ =	sdelay $0x1  }
0x8a: {  	s1 =	srdreg.scid  }
0x8b: {  	s0 =	sand.u32 $0x1, s1  }
0x8c: {  	s17 =	sshll.u32 s0, $0xA;
	s2 =	sadd.s32 s3, s2  }
0x8d: {  	s2 =	sadd.s32 s2, s17  }
0x8e: {  	[smem:$0x3FC5] =	sst s2  }
0x8f: {  	_ = 	snop  }
0x90: {  	s2 =	sld [smem:$0x3FC9]  }
0x91: {  	s18 =	sld [smem:$0x3FC8];
	(tm) =	ssettm $0x1  }
0x92: {  	s4 =	sld [smem:$0x3FFB];
	_ =	sdelay $0x3  }
0x93: {  	_ =	strace s4  }
0x94: {  	s4 =	sld [smem:$0x3FFC];
	_ =	sdelay $0x3  }
0x95: {  	_ =	strace s4  }
0x96: {  	s4 =	sld [smem:$0x3FFD];
	_ =	sdelay $0x3  }
0x97: {  	_ =	strace s4  }
0x98: {  	_ =	strace $0x8FFFFFFF  }
0x99: {  	s19 =	sld [smem:$0x3FDB];
	_ =	sdelay $0x1  }
0x9a: {  	s5 =	simm.s32 $_scs_section_size  }
0x9b: {  	s6 =	simm.s32 $_size__tile_overlayer_lowered;
	s7 =	simm.s32 $_tile_overlayer_lowered  }
0x9c: {  	s22 =	simm.s32 $0x1BFF;
	s21 =	sshll.u32 s7, $0x1;
	s4 =	sadd.s32 s5, s19  }
0x9d: {  	s8 =	simm.s32 $0x0;
	s20 =	sshll.u32 s6, $0x1;
	s6 =	sadd.s32 s21, s4  }
0x9e: {  	[timem:s8], [sflag:s22] =	dma.local [hbm:s6], s20  }
0x9f: {  	_ =	swait.ge [sflag:s22], s20  }
0xa0: {  	s5 =	ssub.s32 $0x0, s20;
	[sflag:s22] =	ssyncset.done $0x0  }
0xa1: {  	[sflag:s22] =	ssyncadd.s32 s5;
	_ =	sdelay $0x1  }
0xa2: {  	s23 =	simm.s32 $0x1B8B  }
0xa3: {  	_ =	swait.ge [sflag:s23], $0x1  }
0xa4: {  	[sflag:s23] =	ssyncset.done $0x0  }
0xa5: {  	s25 =	simm.s32 $0x1B8E;
	s24 =	sld [smem:$0x3FFE];
	[sflag:s23] =	ssyncadd.s32 $0xFFFFFFFF  }
0xa6: {  	s26 =	simm.s32 $execute0_lowered;
	[smem:$0x3FD2] =	sst s25  }
0xa7: {  	s6 =	sshll.u32 s26, $0x1;
	_ =	strace $0x80000046;
	[dreg:$0x1] =	wrdreg $0xFFFFFFFF  }
0xa8: {  	s28 =	simm.s32 $_size_execute0_lowered;
	s4 =	sadd.s32 s4, s6;
	[dreg:$0x0] =	wrdreg $0x0  }
0xa9: {  	s6 =	sshll.u32 s28, $0x1;
	[dreg:$0x2] =	wrdreg s4  }
0xaa: {  	[dreg:$0x3] =	wrdreg s6  }
0xab: {  	[dreg:$0x4] =	wrdreg $0xC0  }
0xac: {  	_ =	task [dreg:s8], $0x5FFFF  }
0xad: {  	[dreg:$0x1] =	wrdreg $0xFFFFFFFF  }
0xae: {  	[dreg:$0x0] =	wrdreg $0x60  }
0xaf: {  	[dreg:$0x2] =	wrdreg s2  }
0xb0: {  	[dreg:$0x3] =	wrdreg s18  }
0xb1: {  	[dreg:$0x4] =	wrdreg s24  }
0xb2: {  	[dreg:$0x5] =	wrdreg $0x9  }
0xb3: {  	_ =	task.clear_ibuf [dreg:s8], $0x6FFFF;
	_ =	strace $0x90000046  }
0xb4: {  	s29 =	simm.s32 $0x9;
	_ =	strace $0x80000048  }
0xb5: {  	_ =	swait.ge [sflag:s29], $0x1  }
0xb6: {  	[sflag:s29] =	ssyncadd.s32 $0xFFFFFFFF  }
0xb7: {  	_ =	strace $0x90000048  }
0xb8: {  	_ =	sfence  }
0xb9: {  	s30 =	sld [smem:$0x0];
	_ =	sdelay $0x2  }
0xba: {  	s31 =	sshll.u32 s1, $0xD;
	s1 =	sshrl.u32 s1, $0x2  }
0xbb: {  	s3 =	sand.u32 $0x4000, s31;
	s1 =	sadd.s32 s1, s30  }
0xbc: {  	s0 =	sor.u32 s3, s0;
	s1 =	sshll.u32 s1, $0x11  }
0xbd: {  	s0 =	sor.u32 s1, s0  }
0xbe: {  	s0 =	sadd.s32 $0x8F2B, s0  }
0xbf: {  	[sflag:s0] =	ssyncadd.remote.s32 $0x1  }
0xc0: {  	_ =	sfence.sel $0xFFFF  }
0xc1: {  	[dreg:$0x0] =	wrdreg $0xFFFFFFFF;
	(pc) =	sbr.abs _section_cstart, $3  }
0xc2: {  	[dreg:$0x1] =	wrdreg $0xFFFFFFFF  }
0xc3: {  	_ =	task.clear_ibuf [dreg:s8], $0x2FFFF;
	_ =	strace $0x9FFFFFFF  }
0xc4: {  	(tm) =	ssettm $0x7FFFFFFF  }
0xc5: {  	_ =	shalt  }
tec
execute0_lowered:
.L_overlay_start_1:
0x0: {  	(tag) =	ssettag $0x1  }
0x1: {  	s0 =	rddreg [dreg:$0x0]  }
0x2: {  	s1 =	rddreg [dreg:$0x1]  }
0x3: {  	s8 =	rddreg [dreg:$0x2];
	s2 =	simm.s32 $0x0;
	s3 =	srdreg.scid  }
0x4: {  	s4 =	stileid.u32;
	s16 =	simm.s32 $0x14000;
	s17 =	simm.s32 $0x1  }
0x5: {  	s18 =	simm.s32 $0x3;
	s19 =	simm.s32 $0x5;
	s20 =	simm.s32 $0x2  }
0x6: {  	s21 =	simm.s32 $0x4;
	s22 =	simm.s32 $0x6;
	s23 =	simm.s32 $0x18000  }
0x7: {  	s24 =	simm.s32 $0x7;
	s25 =	simm.s32 $0x18080;
	s26 =	simm.s32 $0x0  }
0x8: {  	[smem:$0x7FF] =	sst s2;
	s3 =	sand.u32 $0x1, s3;
	s4 =	sshll.u32 s4, $0x1  }
0x9: {  	_ =	strace $0x80000047;
	s4 =	sor.u32 s3, s4;
	s3 =	ssub.s32 $0x2, s3  }
0xa: {  	s5 =	sshll.u32 s4, $0x4;
	s6 =	sshrl.u32 s3, $0x1;
	s7 =	sshll.u32 s4, $0xC  }
0xb: {  	s10 =	sadd.s32 s5, s8;
	s11 =	ssub.s32 s3, s6;
	s3 =	sadd.s32 s0, s7  }
0xc: {  	s4 =	sadd.s32 s1, s7;
	s5 =	sadd.s32 s8, s7;
	s9 =	sor.u32 $0x800, s7  }
0xd: {  	s6 =	sadd.s32 s0, s9;
	s7 =	sadd.s32 s1, s9;
	s8 =	sadd.s32 s8, s9  }
0xe: {  	s9 =	sadd.s32 $0x20000, s10;
	s10 =	sadd.s32 $0x20200, s10;
	s11 =	smax.u32 s11, $0x1  }
.LBB2_1:
0xf: {  	[tilespmem:s2], [sflag:$0x1] =	stream.linear.gather [hbm4b:s3+s2], $0x4000, $0x38;
	[tilespmem:$0x18100] =	vst v63  }
0x10: {  	s0 =	simm.s32 $0x8000  }
0x11: {  	[tilespmem:s0], [sflag:$0x3] =	stream.linear.gather [hbm4b:s4+s2], $0x4000, $0x38;
	[tilespmem:$0x18100] =	vst v63  }
0x12: {  	s15 =	simm.s32 $0x10000  }
0x13: {  	[tilespmem:s15], [sflag:$0x5] =	stream.linear.gather [hbm4b:s5+s2], $0x4000, $0x38;
	[tilespmem:$0x18100] =	vst v63  }
0x14: {  	s30 =	simm.s32 $0x4000  }
0x15: {  	[tilespmem:s30], [sflag:$0x2] =	stream.linear.gather [hbm4b:s6+s2], $0x4000, $0x38;
	[tilespmem:$0x18100] =	vst v63  }
0x16: {  	s1 =	simm.s32 $0xC000  }
0x17: {  	[tilespmem:s1], [sflag:$0x4] =	stream.linear.gather [hbm4b:s7+s2], $0x4000, $0x38;
	[tilespmem:$0x18100] =	vst v63  }
0x18: {  	_ = 	snop  }
0x19: {  	[tilespmem:s16], [sflag:$0x6] =	stream.linear.gather [hbm4b:s8+s2], $0x4000, $0x38;
	[tilespmem:$0x18100] =	vst v63  }
0x1a: {  	_ =	swait.ge [sflag:s17], $0x4000  }
0x1b: {  	[sflag:s17] =	ssyncset.done $0x0  }
0x1c: {  	[sflag:s17] =	ssyncadd.s32 $0xFFFFC000  }
0x1d: {  	_ =	swait.ge [sflag:s18], $0x4000  }
0x1e: {  	[sflag:s18] =	ssyncset.done $0x0  }
0x1f: {  	[sflag:s18] =	ssyncadd.s32 $0xFFFFC000  }
0x20: {  	_ =	swait.ge [sflag:s19], $0x4000  }
0x21: {  	s12 =	sand.u32 $0x70, s2;
	s1 =	sand.u32 $0xC00, s2;
	[sflag:s19] =	ssyncset.done $0x0  }
0x22: {  	s28 =	sor.u32 s12, s1;
	[sflag:s19] =	ssyncadd.s32 $0xFFFFC000  }
0x23: {  	v16 =	vld [tilespmem:s28+$0x10000]  }
0x24: {  	v14 =	vld [tilespmem:s28+$0x10080]  }
0x25: {  	v15 =	vld [tilespmem:s28+$0x10200]  }
0x26: {  	s13 =	sor.u32 s2, s2;
	v17 =	vld [tilespmem:s28+$0x10280]  }
0x27: {  	s15 =	sor.u32 $0x380, s13;
	v18 =	vld [tilespmem:s28+$0x10300]  }
0x28: {  	v5 =	vld [tilespmem:s15+$0x10000]  }
0x29: {  	v13 =	vld [tilespmem:s28+$0x11000]  }
0x2a: {  	v19 =	vld [tilespmem:s28+$0x11080]  }
0x2b: {  	v1 =	vld [tilespmem:s28+$0x0]  }
0x2c: {  	v2 =	vld [tilespmem:s28+$0x8000]  }
0x2d: {  	v3 =	vld [tilespmem:s28+$0x80]  }
0x2e: {  	v4 =	vld [tilespmem:s28+$0x8080]  }
0x2f: {  	v6 =	vld [tilespmem:s28+$0x100]  }
0x30: {  	v7 =	vld [tilespmem:s28+$0x8100]  }
0x31: {  	v8 =	vld [tilespmem:s28+$0x200]  }
0x32: {  	v9 =	vld [tilespmem:s28+$0x8200]  }
0x33: {  	v10 =	vld [tilespmem:s28+$0x280]  }
0x34: {  	v11 =	vld [tilespmem:s28+$0x8280]  }
0x35: {  	v12 =	vld [tilespmem:s28+$0x300]  }
0x36: {  	v20 =	vld [tilespmem:s28+$0x8300]  }
0x37: {  	v21 =	vld [tilespmem:s15+$0x0]  }
0x38: {  	v22 =	vld [tilespmem:s15+$0x8000]  }
0x39: {  	v23 =	vld [tilespmem:s28+$0x1000]  }
0x3a: {  	v24 =	vld [tilespmem:s28+$0x9000]  }
0x3b: {  	v25 =	vld [tilespmem:s28+$0x1080]  }
0x3c: {  	v26 =	vld [tilespmem:s28+$0x9080]  }
0x3d: {  	v27 =	vld [tilespmem:s28+$0x1100]  }
0x3e: {  	v28 =	vld [tilespmem:s28+$0x9100]  }
0x3f: {  	v29 =	vld [tilespmem:s28+$0x1200]  }
0x40: {  	v30 =	vld [tilespmem:s28+$0x9200]  }
0x41: {  	v31 =	vld [tilespmem:s28+$0x1280]  }
0x42: {  	v32 =	vld [tilespmem:s28+$0x9280]  }
0x43: {  	v33 =	vld [tilespmem:s28+$0x1300]  }
0x44: {  	v34 =	vld [tilespmem:s28+$0x9300]  }
0x45: {  	v37 =	vld [tilespmem:s28+$0x2000]  }
0x46: {  	v38 =	vld [tilespmem:s28+$0xA000]  }
0x47: {  	v39 =	vld [tilespmem:s28+$0x2080]  }
0x48: {  	v40 =	vld [tilespmem:s28+$0xA080]  }
0x49: {  	v41 =	vld [tilespmem:s28+$0x2100]  }
0x4a: {  	v42 =	vld [tilespmem:s28+$0xA100]  }
0x4b: {  	v43 =	vld [tilespmem:s28+$0x2200]  }
0x4c: {  	v44 =	vld [tilespmem:s28+$0xA200]  }
0x4d: {  	v45 =	vld [tilespmem:s28+$0x2280]  }
0x4e: {  	v46 =	vld [tilespmem:s28+$0xA280]  }
0x4f: {  	v47 =	vld [tilespmem:s28+$0x2300]  }
0x50: {  	s14 =	sor.u32 $0x2380, s13;
	v48 =	vld [tilespmem:s28+$0xA300]  }
0x51: {  	v49 =	vld [tilespmem:s14+$0x0]  }
0x52: {  	v50 =	vld [tilespmem:s14+$0x8000]  }
0x53: {  	v51 =	vld [tilespmem:s28+$0x3000]  }
0x54: {  	v52 =	vld [tilespmem:s28+$0xB000]  }
0x55: {  	v53 =	vld [tilespmem:s28+$0x3080]  }
0x56: {  	v54 =	vld [tilespmem:s28+$0xB080]  }
0x57: {  	v55 =	vld [tilespmem:s28+$0x3100]  }
0x58: {  	v56 =	vld [tilespmem:s28+$0xB100]  }
0x59: {  	v57 =	vld [tilespmem:s28+$0x3200]  }
0x5a: {  	v59 =	vld [tilespmem:s28+$0xB200]  }
0x5b: {  	v60 =	vld [tilespmem:s28+$0x3280]  }
0x5c: {  	s15 =	sor.u32 $0x1380, s13;
	v63 =	vld [tilespmem:s28+$0x3300]  }
0x5d: {  	v35 =	vld [tilespmem:s15+$0x0]  }
0x5e: {  	v36 =	vld [tilespmem:s15+$0x8000]  }
0x5f: {  	s30 =	sand.u32 $0xFFFFFC00, s2;
	s13 =	sor.u32 $0x3380, s13;
	v62 =	vsub.f32 v3, v4;
	v3 =	vsub.f32 v6, v7;
	v6 =	vld [tilespmem:s28+$0xB300]  }
0x60: {  	s12 =	sadd.s32 $0x0, s30;
	v58 =	vadd.f32 v5, v18;
	v7 =	vld [tilespmem:s13+$0x0]  }
0x61: {  	s31 =	sor.u32 $0x180, s12;
	[tilespmem:$0x1FFB0] =	vst v5;
	v5 =	vsub.f32 v8, v9;
	v10 =	vsub.f32 v10, v11;
	v8 =	vld [tilespmem:s13+$0x8000]  }
0x62: {  	v11 =	vsub.f32 v12, v20;
	v12 =	vsub.f32 v21, v22;
	v22 =	vld [tilespmem:s31+$0x0]  }
0x63: {  	s0 =	sor.u32 $0x1180, s12;
	v21 =	vsub.f32 v25, v26;
	v25 =	vld [tilespmem:s31+$0x8000]  }
0x64: {  	v20 =	vsub.f32 v23, v24;
	v23 =	vsub.f32 v27, v28;
	v27 =	vld [tilespmem:s0+$0x0]  }
0x65: {  	s1 =	sor.u32 $0x2180, s12;
	v24 =	vsub.f32 v29, v30;
	v30 =	vld [tilespmem:s0+$0x8000]  }
0x66: {  	s12 =	sor.u32 $0x3180, s12;
	v61 =	vsub.f32 v1, v2;
	v28 =	vsub.f32 v33, v34;
	v33 =	vld [tilespmem:s1+$0x0]  }
0x67: {  	v34 =	vadd.f32 v19, v13;
	v2 =	vmov v19;
	v19 =	vsub.f32 v47, v48;
	v48 =	vld [tilespmem:s12+$0x0]  }
0x68: {  	v49 =	vsub.f32 v49, v50;
	v50 =	vsub.f32 v51, v52;
	v51 =	vld [tilespmem:s12+$0x8000]  }
0x69: {  	v53 =	vsub.f32 v53, v54;
	v54 =	vld [tilespmem:s28+$0x10100]  }
0x6a: {  	v9 =	vld [tilespmem:s28+$0x11100]  }
0x6b: {  	v0 =	vadd.f32 v17, v15;
	v26 =	vsub.f32 v31, v32;
	v4 =	vmov v13;
	v13 =	vld [tilespmem:s28+$0x12200]  }
0x6c: {  	v32 =	vsub.f32 v39, v40;
	v29 =	vsub.f32 v35, v36;
	v36 =	vld [tilespmem:s1+$0x8000]  }
0x6d: {  	v59 =	vsub.f32 v57, v59;
	v0 =	vadd.f32 v58, v0;
	v58 =	vld [tilespmem:s28+$0xB280];
	v57 =	vand.u32 $0x7FFFFFFF, v5  }
0x6e: {  	v40 =	vsub.f32 v41, v42;
	v42 =	vsub.f32 v45, v46;
	v45 =	vmul.f32 v57, v15;
	v15 =	vld [tilespmem:s28+$0x12300]  }
0x6f: {  	v31 =	vsub.f32 v37, v38;
	v41 =	vsub.f32 v43, v44;
	v21 =	vand.u32 $0x7FFFFFFF, v21;
	v57 =	vld [tilespmem:$0x1FFB0]  }
0x70: {  	v55 =	vsub.f32 v55, v56;
	[tilespmem:$0x1FFC0] =	vst v49;
	v49 =	vmul.f32 v21, v2;
	v21 =	vand.u32 $0x7FFFFFFF, v19;
	v19 =	vld [tilespmem:s28+$0x13080]  }
0x71: {  	v56 =	vimm.f32 $0.0e+00;
	v20 =	vand.u32 $0x7FFFFFFF, v20;
	v39 =	vsub.f32 v63, v6;
	v6 =	vld [tilespmem:s28+$0x11200]  }
0x72: {  	v23 =	vand.u32 $0x7FFFFFFF, v23;
	v26 =	vand.u32 $0x7FFFFFFF, v26;
	v37 =	vsub.f32 v7, v8;
	v7 =	vld [tilespmem:s28+$0x11280]  }
0x73: {  	v28 =	vand.u32 $0x7FFFFFFF, v28;
	[tilespmem:$0x1FF70] =	vst v0;
	v0 =	vadd.f32 v14, v16;
	v35 =	vsub.f32 v22, v25;
	v8 =	vld [tilespmem:s28+$0x11300]  }
0x74: {  	[tilespmem:$0x1FF90] =	vst v34;
	v34 =	vsub.f32 v27, v30;
	v22 =	vand.u32 $0x7FFFFFFF, v61;
	v30 =	vand.u32 $0x7FFFFFFF, v10;
	v10 =	vld [tilespmem:s15+$0x10000]  }
0x75: {  	v25 =	vand.u32 $0x7FFFFFFF, v62;
	v27 =	vand.u32 $0x7FFFFFFF, v3;
	v61 =	vand.u32 $0x7FFFFFFF, v12;
	v12 =	vld [tilespmem:s28+$0x12080]  }
0x76: {  	v62 =	vand.u32 $0x7FFFFFFF, v24;
	v63 =	vand.u32 $0x7FFFFFFF, v40;
	v43 =	vmul.f32 v22, v16;
	v16 =	vld [tilespmem:s28+$0x12100]  }
0x77: {  	v36 =	vsub.f32 v33, v36;
	v33 =	vsub.f32 v48, v51;
	v44 =	vmul.f32 v25, v14;
	v14 =	vld [tilespmem:s28+$0x12280]  }
0x78: {  	v22 =	vand.u32 $0x7FFFFFFF, v29;
	v38 =	vmul.f32 v27, v54;
	v24 =	vmul.f32 v30, v17;
	v17 =	vld [tilespmem:s14+$0x10000]  }
0x79: {  	v48 =	vmul.f32 v20, v4;
	v60 =	vsub.f32 v60, v58;
	v58 =	vand.u32 $0x7FFFFFFF, v11;
	v11 =	vld [tilespmem:s28+$0x12000]  }
0x7a: {  	[tilespmem:$0x1FFD0] =	vst v50;
	v27 =	vand.u32 $0x7FFFFFFF, v41;
	v41 =	vmul.f32 v23, v9;
	v46 =	vmul.f32 v58, v18;
	v58 =	vld [tilespmem:$0x1FFC0]  }
0x7b: {  	[tilespmem:$0x1FFE0] =	vst v53;
	v29 =	vand.u32 $0x7FFFFFFF, v31;
	v40 =	vmul.f32 v27, v13;
	v47 =	vmul.f32 v61, v57;
	v61 =	vld [tilespmem:$0x1FFD0]  }
0x7c: {  	v27 =	vand.u32 $0x7FFFFFFF, v55;
	v55 =	vmul.f32 v21, v15;
	v50 =	vmul.f32 v62, v6;
	v62 =	vld [tilespmem:$0x1FFE0]  }
0x7d: {  	v25 =	vand.u32 $0x7FFFFFFF, v32;
	v18 =	vld [tilespmem:s28+$0x13000];
	v51 =	vmul.f32 v26, v7;
	v52 =	vmul.f32 v28, v8  }
0x7e: {  	v5 =	vmovc v54;
	v20 =	vand.u32 $0x7FFFFFFF, v42;
	v32 =	vld [tilespmem:s28+$0x13100];
	v54 =	vmul.f32 v22, v10;
	v25 =	vmul.f32 v25, v12  }
0x7f: {  	[tilespmem:$0x1FFA0] =	vst v56;
	v31 =	vld [tilespmem:s13+$0x10000];
	v28 =	vand.u32 $0x7FFFFFFF, v59;
	v42 =	vmul.f32 v63, v16;
	v56 =	vmul.f32 v20, v14  }
0x80: {  	v22 =	vld [tilespmem:s28+$0x13200];
	v63 =	vimm.f32 $0.0e+00;
	v53 =	vmul.f32 v29, v11;
	v23 =	vand.u32 $0x7FFFFFFF, v58  }
0x81: {  	[tilespmem:$0x1FF80] =	vst v0;
	v26 =	vld [tilespmem:s28+$0x13280];
	v30 =	vand.u32 $0x7FFFFFFF, v61;
	v57 =	vmul.f32 v23, v17;
	v0 =	vand.u32 $0x7FFFFFFF, v62  }
0x82: {  	s29 =	simm.s32 $0x0;
	v29 =	vld [tilespmem:s28+$0x13300];
	s28 =	simm.s32 $0x10;
	[tilespmem:$0x1FFF0] =	vst v63;
	v58 =	vmul.f32 v30, v18;
	v30 =	vand.u32 $0x7FFFFFFF, v60;
	v59 =	vmul.f32 v0, v19  }
.LBB2_2:
0x83: {  	v60 =	vld [tilespmem:s31+$0x10000]  }
0x84: {  	v20 =	vand.u32 $0x7FFFFFFF, v39;
	v39 =	vld [tilespmem:s0+$0x10000];
	s29 =	sadd.s32 $0x80, s29  }
0x85: {  	s30 =	sand.u32 $0x70, s28;
	v62 =	vld [tilespmem:s1+$0x10000];
	s13 =	sand.u32 $0xC00, s29  }
0x86: {  	v63 =	vld [tilespmem:s12+$0x10000];
	s30 =	sor.u32 s30, s13  }
0x87: {  	v6 =	vadd.f32 v7, v6;
	v0 =	vld [tilespmem:s30+$0x10080]  }
0x88: {  	v1 =	vadd.f32 v51, v50;
	v50 =	vadd.f32 v25, v53;
	v25 =	vld [tilespmem:s30+$0x10300]  }
0x89: {  	v7 =	vadd.f32 v10, v8;
	v10 =	vadd.f32 v12, v11;
	v8 =	vld [tilespmem:s30+$0x8300]  }
0x8a: {  	v11 =	vadd.f32 v14, v13;
	v14 =	vadd.f32 v19, v18;
	v19 =	vld [tilespmem:s30+$0x1000]  }
0x8b: {  	v6 =	vadd.f32 v7, v6;
	v7 =	vld [tilespmem:s30+$0x9080];
	v61 =	vmul.f32 v27, v32  }
0x8c: {  	v2 =	vadd.f32 v54, v52;
	v52 =	vld [tilespmem:s30+$0x2300];
	v27 =	vmul.f32 v28, v22;
	v28 =	vmul.f32 v30, v26  }
0x8d: {  	v3 =	vld [tilespmem:s30+$0x3300];
	v30 =	vmul.f32 v20, v29;
	v20 =	vand.u32 $0x7FFFFFFF, v37;
	v37 =	vadd.f32 v44, v43  }
0x8e: {  	s13 =	sor.u32 s28, s29;
	v43 =	vadd.f32 v24, v45;
	v45 =	vadd.f32 v49, v48;
	v49 =	vld [tilespmem:s30+$0x10100]  }
0x8f: {  	s15 =	sor.u32 $0x380, s13;
	v24 =	vld [tilespmem:s30+$0x10280]  }
0x90: {  	v12 =	vld [tilespmem:s15+$0x0]  }
0x91: {  	v13 =	vadd.f32 v17, v15;
	v15 =	vld [tilespmem:s15+$0x8000]  }
0x92: {  	v18 =	vadd.f32 v31, v29;
	v29 =	vld [tilespmem:s30+$0x9000]  }
0x93: {  	v23 =	vand.u32 $0x7FFFFFFF, v35;
	v40 =	vadd.f32 v56, v40;
	v35 =	vmul.f32 v20, v31;
	v20 =	vld [tilespmem:s30+$0x10000]  }
0x94: {  	v56 =	vadd.f32 v57, v55;
	v44 =	vadd.f32 v47, v46;
	v46 =	vmul.f32 v23, v60;
	v23 =	vld [tilespmem:s30+$0x10200]  }
0x95: {  	v54 =	vadd.f32 v39, v9;
	v9 =	vld [tilespmem:s30+$0x8100]  }
0x96: {  	v34 =	vand.u32 $0x7FFFFFFF, v34;
	v40 =	vadd.f32 v56, v40;
	v56 =	vadd.f32 v62, v16;
	v16 =	vld [tilespmem:s30+$0x8200]  }
0x97: {  	v36 =	vand.u32 $0x7FFFFFFF, v36;
	v34 =	vmul.f32 v34, v39;
	v39 =	vld [tilespmem:s30+$0x8280]  }
0x98: {  	v36 =	vmul.f32 v36, v62;
	v62 =	vld [tilespmem:$0x1FFA0]  }
0x99: {  	v57 =	vadd.f32 v59, v58;
	v31 =	vld [tilespmem:s30+$0x1080]  }
0x9a: {  	v17 =	vadd.f32 v26, v22;
	v58 =	vadd.f32 v28, v27;
	v27 =	vld [tilespmem:s15+$0x10000]  }
0x9b: {  	v33 =	vand.u32 $0x7FFFFFFF, v33;
	v28 =	vld [tilespmem:s30+$0x11000]  }
0x9c: {  	v11 =	vadd.f32 v13, v11;
	v33 =	vmul.f32 v33, v63;
	v13 =	vadd.f32 v18, v17;
	v17 =	vld [tilespmem:s30+$0x1100]  }
0x9d: {  	v35 =	vadd.f32 v35, v30;
	v30 =	vld [tilespmem:s30+$0x11080]  }
0x9e: {  	v59 =	vadd.f32 v33, v61;
	v33 =	vld [tilespmem:s30+$0x0]  }
0x9f: {  	v61 =	vadd.f32 v44, v43;
	v43 =	vld [tilespmem:$0x1FF90]  }
0xa0: {  	v38 =	vadd.f32 v46, v38;
	v34 =	vadd.f32 v34, v41;
	v46 =	vld [tilespmem:$0x1FF70]  }
0xa1: {  	v10 =	vadd.f32 v56, v10;
	v56 =	vld [tilespmem:s30+$0x3000]  }
0xa2: {  	v36 =	vadd.f32 v36, v42;
	v48 =	vadd.f32 v34, v45;
	v34 =	vld [tilespmem:s30+$0x8000]  }
0xa3: {  	v1 =	vadd.f32 v2, v1;
	v2 =	vadd.f32 v35, v58;
	v35 =	vld [tilespmem:s30+$0x80]  }
0xa4: {  	v51 =	vadd.f32 v36, v50;
	v36 =	vld [tilespmem:s30+$0x8080]  }
0xa5: {  	v41 =	vadd.f32 v59, v57;
	v57 =	vadd.f32 v63, v32;
	v32 =	vld [tilespmem:s30+$0x280]  }
0xa6: {  	s12 =	sand.u32 $0xFFFFFC00, s29;
	v63 =	vld [tilespmem:$0x1FF80]  }
0xa7: {  	s12 =	sadd.s32 s12, s28;
	v21 =	vmov v49;
	v49 =	vld [tilespmem:s30+$0xA200]  }
0xa8: {  	s31 =	sor.u32 $0x180, s12;
	v37 =	vadd.f32 v38, v37;
	v50 =	vld [tilespmem:s30+$0x2280]  }
0xa9: {  	v12 =	vsub.f32 v12, v15;
	v15 =	vsub.f32 v19, v29;
	v19 =	vld [tilespmem:s31+$0x8000]  }
0xaa: {  	v29 =	vsub.f32 v31, v7;
	v7 =	vld [tilespmem:s30+$0x11280]  }
0xab: {  	v42 =	vadd.f32 v61, v37;
	v37 =	vld [tilespmem:s30+$0x100]  }
0xac: {  	v38 =	vadd.f32 v1, v48;
	v48 =	vld [tilespmem:$0x1FFF0]  }
0xad: {  	v40 =	vadd.f32 v40, v51;
	v51 =	vld [tilespmem:s30+$0xA280]  }
0xae: {  	v14 =	vadd.f32 v57, v14;
	v57 =	vld [tilespmem:s30+$0xB000]  }
0xaf: {  	v41 =	vadd.f32 v2, v41;
	v2 =	vld [tilespmem:s30+$0xB280]  }
0xb0: {  	s14 =	sor.u32 $0x2380, s13;
	v58 =	vadd.f32 v0, v20;
	v26 =	vadd.f32 v54, v43;
	v43 =	vld [tilespmem:s30+$0xA000]  }
0xb1: {  	v54 =	vld [tilespmem:s14+$0x0]  }
0xb2: {  	v1 =	vmov v58;
	v58 =	vld [tilespmem:s30+$0x3080]  }
0xb3: {  	v55 =	vadd.f32 v38, v42;
	v38 =	vld [tilespmem:s30+$0x200]  }
0xb4: {  	v10 =	vadd.f32 v11, v10;
	v11 =	vadd.f32 v13, v14;
	v13 =	vld [tilespmem:s30+$0x1200]  }
0xb5: {  	v53 =	vadd.f32 v60, v5;
	s15 =	sor.u32 $0x1380, s13;
	v59 =	vadd.f32 v24, v23;
	v14 =	vld [tilespmem:s30+$0x9200]  }
0xb6: {  	v60 =	vadd.f32 v27, v25;
	v40 =	vadd.f32 v41, v40;
	v41 =	vld [tilespmem:s15+$0x8000]  }
0xb7: {  	v42 =	vld [tilespmem:s30+$0x2000]  }
0xb8: {  	v45 =	vadd.f32 v60, v59;
	v59 =	vld [tilespmem:s30+$0xB080]  }
0xb9: {  	v60 =	vld [tilespmem:s30+$0x3100]  }
0xba: {  	v61 =	vadd.f32 v30, v28;
	v6 =	vadd.f32 v6, v26;
	v26 =	vld [tilespmem:s30+$0x9300]  }
0xbb: {  	v22 =	vadd.f32 v53, v63;
	v53 =	vld [tilespmem:s30+$0xA300]  }
0xbc: {  	v44 =	vmov v61;
	v61 =	vld [tilespmem:s30+$0xB100]  }
0xbd: {  	v63 =	vld [tilespmem:s30+$0xB200]  }
0xbe: {  	s13 =	sor.u32 $0x3380, s13;
	v33 =	vsub.f32 v33, v34;
	v34 =	vld [tilespmem:s30+$0xB300]  }
0xbf: {  	v4 =	vsub.f32 v35, v36;
	v35 =	vld [tilespmem:s13+$0x0]  }
0xc0: {  	v36 =	vld [tilespmem:s31+$0x0]  }
0xc1: {  	v10 =	vadd.f32 v11, v10;
	v11 =	vld [tilespmem:s30+$0x1280]  }
0xc2: {  	[tilespmem:$0x1FF90] =	vst v44;
	v44 =	vld [tilespmem:s30+$0x2080]  }
0xc3: {  	v47 =	vmov v45;
	v45 =	vld [tilespmem:s30+$0xA080]  }
0xc4: {  	v40 =	vadd.f32 v40, v55;
	v55 =	vld [tilespmem:s14+$0x8000]  }
0xc5: {  	v18 =	vadd.f32 v46, v22;
	v22 =	vld [tilespmem:s30+$0x9100]  }
0xc6: {  	v46 =	vld [tilespmem:s30+$0x2100]  }
0xc7: {  	[tilespmem:$0x1FF70] =	vst v47;
	v47 =	vld [tilespmem:s30+$0xA100]  }
0xc8: {  	[tilespmem:$0x1FF80] =	vst v1;
	v1 =	vsub.f32 v37, v9;
	v9 =	vld [tilespmem:s30+$0x11100]  }
0xc9: {  	v5 =	vmov v0;
	v0 =	vadd.f32 v40, v62;
	v40 =	vld [tilespmem:s30+$0x300]  }
0xca: {  	v62 =	vld [tilespmem:s30+$0x3200]  }
0xcb: {  	s1 =	sor.u32 $0x2180, s12;
	v32 =	vsub.f32 v32, v39;
	v6 =	vadd.f32 v6, v18;
	v18 =	vld [tilespmem:s30+$0x9280]  }
0xcc: {  	s0 =	sor.u32 $0x1180, s12;
	s12 =	sor.u32 $0x3180, s12;
	v50 =	vsub.f32 v50, v51;
	v31 =	vsub.f32 v42, v43;
	v43 =	vld [tilespmem:s1+$0x8000]  }
0xcd: {  	v16 =	vsub.f32 v38, v16;
	v51 =	vsub.f32 v52, v53;
	v52 =	vld [tilespmem:s12+$0x8000]  }
0xce: {  	v13 =	vsub.f32 v13, v14;
	v6 =	vadd.f32 v10, v6;
	v10 =	vld [tilespmem:s30+$0x1300]  }
0xcf: {  	v39 =	vsub.f32 v3, v34;
	v3 =	vand.u32 $0x7FFFFFFF, v4;
	v4 =	vand.u32 $0x7FFFFFFF, v16;
	v16 =	vld [tilespmem:s30+$0x12100]  }
0xd0: {  	v53 =	vsub.f32 v54, v55;
	v54 =	vand.u32 $0x7FFFFFFF, v13;
	v13 =	vld [tilespmem:s30+$0x12200]  }
0xd1: {  	v17 =	vsub.f32 v17, v22;
	v22 =	vld [tilespmem:s0+$0x0]  }
0xd2: {  	[tilespmem:$0x1FFA0] =	vst v0;
	v0 =	vadd.f32 v6, v48;
	v6 =	vld [tilespmem:s15+$0x0]  }
0xd3: {  	v29 =	vand.u32 $0x7FFFFFFF, v29;
	v55 =	vsub.f32 v56, v57;
	v56 =	vsub.f32 v58, v59;
	v48 =	vld [tilespmem:s30+$0x2200]  }
0xd4: {  	v1 =	vand.u32 $0x7FFFFFFF, v1;
	v57 =	vsub.f32 v60, v61;
	v38 =	vsub.f32 v40, v8;
	v8 =	vld [tilespmem:s13+$0x8000]  }
0xd5: {  	v42 =	vsub.f32 v46, v47;
	v47 =	vand.u32 $0x7FFFFFFF, v33;
	v14 =	vsub.f32 v11, v18;
	v11 =	vld [tilespmem:s0+$0x8000]  }
0xd6: {  	v40 =	vsub.f32 v44, v45;
	v58 =	vsub.f32 v62, v63;
	v44 =	vmul.f32 v3, v5;
	[tilespmem:$0x1FFF0] =	vst v0;
	v0 =	vld [tilespmem:s30+$0x3280]  }
0xd7: {  	v45 =	vmul.f32 v4, v23;
	v23 =	vand.u32 $0x7FFFFFFF, v51;
	v18 =	vsub.f32 v10, v26;
	v10 =	vld [tilespmem:s15+$0x10000]  }
0xd8: {  	v62 =	vand.u32 $0x7FFFFFFF, v55;
	v3 =	vand.u32 $0x7FFFFFFF, v42;
	v59 =	vand.u32 $0x7FFFFFFF, v14;
	v14 =	vld [tilespmem:s30+$0x12280]  }
0xd9: {  	v61 =	vand.u32 $0x7FFFFFFF, v40;
	v42 =	vmul.f32 v3, v16;
	v26 =	vsub.f32 v6, v41;
	v41 =	vld [tilespmem:s1+$0x0]  }
0xda: {  	v51 =	vmul.f32 v59, v7;
	v48 =	vsub.f32 v48, v49;
	v49 =	vld [tilespmem:s12+$0x0];
	v37 =	vsub.f32 v35, v8  }
0xdb: {  	v6 =	vld [tilespmem:s30+$0x11200];
	v35 =	vsub.f32 v36, v19;
	v19 =	vand.u32 $0x7FFFFFFF, v32;
	v32 =	vand.u32 $0x7FFFFFFF, v12  }
0xdc: {  	v8 =	vld [tilespmem:s30+$0x11300];
	v60 =	vand.u32 $0x7FFFFFFF, v18;
	v34 =	vsub.f32 v22, v11;
	v22 =	vand.u32 $0x7FFFFFFF, v38  }
0xdd: {  	v5 =	vmovc v21;
	v12 =	vld [tilespmem:s30+$0x12080];
	v38 =	vmul.f32 v1, v21;
	v24 =	vmul.f32 v19, v24;
	v21 =	vand.u32 $0x7FFFFFFF, v50  }
0xde: {  	v18 =	vld [tilespmem:s30+$0x13000];
	v0 =	vsub.f32 v0, v2;
	v63 =	vand.u32 $0x7FFFFFFF, v26;
	v4 =	vand.u32 $0x7FFFFFFF, v48  }
0xdf: {  	v11 =	vld [tilespmem:s30+$0x12000];
	v46 =	vmul.f32 v22, v25;
	v40 =	vmul.f32 v4, v13;
	v36 =	vsub.f32 v41, v43  }
0xe0: {  	v19 =	vld [tilespmem:s30+$0x13080];
	v33 =	vsub.f32 v49, v52;
	v49 =	vand.u32 $0x7FFFFFFF, v15;
	v43 =	vmul.f32 v47, v20  }
0xe1: {  	v52 =	vand.u32 $0x7FFFFFFF, v17;
	v15 =	vld [tilespmem:s30+$0x12300];
	v47 =	vmul.f32 v32, v27;
	v50 =	vmul.f32 v54, v6  }
0xe2: {  	p0 =	sne.s32 s28, $0x1F0;
	v20 =	vand.u32 $0x7FFFFFFF, v31;
	v17 =	vld [tilespmem:s14+$0x10000];
	v54 =	vmul.f32 v63, v10;
	v25 =	vmul.f32 v61, v12  }
.Ltmp0:
0xe3: {  	v22 =	vld [tilespmem:s30+$0x13200];
	v63 =	vand.u32 $0x7FFFFFFF, v56;
	v56 =	vmul.f32 v21, v14;
	v48 =	vmul.f32 v49, v28;
	(pc) =	sbr.rel @p0 .LBB2_2-.Ltmp0, $4  }
0xe4: {  	v26 =	vld [tilespmem:s30+$0x13280];
	v27 =	vand.u32 $0x7FFFFFFF, v57;
	v49 =	vmul.f32 v29, v30;
	v41 =	vmul.f32 v52, v9  }
0xe5: {  	v32 =	vld [tilespmem:s30+$0x13100];
	v52 =	vmul.f32 v60, v8;
	v28 =	vand.u32 $0x7FFFFFFF, v53;
	v53 =	vmul.f32 v20, v11  }
0xe6: {  	v31 =	vld [tilespmem:s13+$0x10000];
	v59 =	vmul.f32 v63, v19;
	v30 =	vand.u32 $0x7FFFFFFF, v0;
	v55 =	vmul.f32 v23, v15  }
0xe7: {  	s28 =	sadd.s32 $0x10, s28;
	v29 =	vld [tilespmem:s30+$0x13300];
	v57 =	vmul.f32 v28, v17;
	v28 =	vand.u32 $0x7FFFFFFF, v58;
	v58 =	vmul.f32 v62, v18  }
0xe8: {  	v0 =	vld [tilespmem:s31+$0x10000]  }
0xe9: {  	v1 =	vld [tilespmem:s0+$0x10000]  }
0xea: {  	v2 =	vld [tilespmem:s1+$0x10000]  }
0xeb: {  	v3 =	vld [tilespmem:s12+$0x10000];
	_ =	swait.ge [sflag:s20], $0x4000  }
0xec: {  	[sflag:s20] =	ssyncset.done $0x0  }
0xed: {  	[sflag:s20] =	ssyncadd.s32 $0xFFFFC000  }
0xee: {  	_ =	swait.ge [sflag:s21], $0x4000  }
0xef: {  	[sflag:s21] =	ssyncset.done $0x0  }
0xf0: {  	[sflag:s21] =	ssyncadd.s32 $0xFFFFC000  }
0xf1: {  	s28 =	simm.s32 $0x0;
	_ =	swait.ge [sflag:s22], $0x4000  }
0xf2: {  	s13 =	sand.u32 $0x70, s28;
	s14 =	sand.u32 $0xC00, s28;
	[sflag:s22] =	ssyncset.done $0x0  }
0xf3: {  	s29 =	sor.u32 s13, s14;
	[sflag:s22] =	ssyncadd.s32 $0xFFFFC000  }
0xf4: {  	v4 =	vld [tilespmem:s29+$0x14000];
	_ =	sdelay $0x4  }
0xf5: {  	[tilespmem:$0x1FEE0] =	vst v4;
	v4 =	vld [tilespmem:s29+$0x14080];
	_ =	sdelay $0x4  }
0xf6: {  	[tilespmem:$0x1FED0] =	vst v4;
	v4 =	vld [tilespmem:s29+$0x15000];
	_ =	sdelay $0x4  }
0xf7: {  	[tilespmem:$0x1FF00] =	vst v4;
	v4 =	vld [tilespmem:s29+$0x15080];
	_ =	sdelay $0x4  }
0xf8: {  	[tilespmem:$0x1FF10] =	vst v4;
	v4 =	vld [tilespmem:s29+$0x4000];
	_ =	sdelay $0x4  }
0xf9: {  	[tilespmem:$0x1FE10] =	vst v4;
	v4 =	vld [tilespmem:s29+$0xC000];
	_ =	sdelay $0x4  }
0xfa: {  	[tilespmem:$0x1FE20] =	vst v4;
	v4 =	vld [tilespmem:s29+$0x4080];
	_ =	sdelay $0x4  }
0xfb: {  	[tilespmem:$0x1FE30] =	vst v4;
	v4 =	vld [tilespmem:s29+$0x4100];
	_ =	sdelay $0x4  }
0xfc: {  	[tilespmem:$0x1FE40] =	vst v4;
	v4 =	vld [tilespmem:s29+$0x4200];
	_ =	sdelay $0x4  }
0xfd: {  	[tilespmem:$0x1FE50] =	vst v4;
	v4 =	vld [tilespmem:s29+$0x4280];
	_ =	sdelay $0x4  }
0xfe: {  	[tilespmem:$0x1FE60] =	vst v4;
	v4 =	vld [tilespmem:s29+$0xC280];
	_ =	sdelay $0x4  }
0xff: {  	[tilespmem:$0x1FE70] =	vst v4;
	v4 =	vld [tilespmem:s29+$0x4300];
	_ =	sdelay $0x4  }
0x100: {  	v24 =	vadd.f32 v24, v45;
	v25 =	vadd.f32 v25, v53;
	[tilespmem:$0x1FE80] =	vst v4;
	v4 =	vld [tilespmem:s29+$0xC300]  }
0x101: {  	v28 =	vmul.f32 v28, v22;
	v39 =	vand.u32 $0x7FFFFFFF, v39;
	v37 =	vand.u32 $0x7FFFFFFF, v37  }
0x102: {  	v40 =	vadd.f32 v56, v40;
	v35 =	vand.u32 $0x7FFFFFFF, v35;
	v6 =	vadd.f32 v7, v6  }
0x103: {  	v34 =	vand.u32 $0x7FFFFFFF, v34;
	v8 =	vadd.f32 v10, v8;
	v10 =	vadd.f32 v12, v11;
	s15 =	sor.u32 s28, s28  }
0x104: {  	v36 =	vand.u32 $0x7FFFFFFF, v36;
	v12 =	vadd.f32 v14, v13;
	v13 =	vadd.f32 v17, v15;
	s30 =	sor.u32 $0x380, s15  }
0x105: {  	v33 =	vand.u32 $0x7FFFFFFF, v33;
	v15 =	vadd.f32 v19, v18;
	v18 =	vadd.f32 v31, v29;
	[tilespmem:$0x1FE90] =	vst v4;
	v4 =	vld [tilespmem:s30+$0x4000]  }
0x106: {  	v36 =	vmul.f32 v36, v2;
	v2 =	vadd.f32 v2, v16;
	v16 =	vadd.f32 v26, v22;
	v19 =	vld [tilespmem:$0x1FF80]  }
0x107: {  	v30 =	vmul.f32 v30, v26;
	v53 =	vadd.f32 v57, v55;
	v6 =	vadd.f32 v8, v6;
	v22 =	vld [tilespmem:$0x1FF90]  }
0x108: {  	v12 =	vadd.f32 v13, v12;
	v37 =	vmul.f32 v37, v31;
	v13 =	vadd.f32 v18, v16;
	v16 =	vld [tilespmem:$0x1FF70]  }
0x109: {  	v28 =	vadd.f32 v30, v28;
	v40 =	vadd.f32 v53, v40;
	v39 =	vmul.f32 v39, v29;
	v60 =	vld [tilespmem:s29+$0x14200]  }
0x10a: {  	v35 =	vmul.f32 v35, v0;
	v34 =	vmul.f32 v34, v1;
	v0 =	vadd.f32 v0, v5;
	[tilespmem:$0x1FEA0] =	vst v4;
	v4 =	vld [tilespmem:s30+$0xC000]  }
0x10b: {  	v33 =	vmul.f32 v33, v3;
	v1 =	vadd.f32 v1, v9;
	v3 =	vadd.f32 v3, v32;
	v23 =	vld [tilespmem:s29+$0x14280]  }
0x10c: {  	v27 =	vmul.f32 v27, v32;
	v30 =	vadd.f32 v37, v39;
	v35 =	vadd.f32 v35, v38;
	v21 =	vld [tilespmem:s29+$0x14300]  }
0x10d: {  	v34 =	vadd.f32 v34, v41;
	v36 =	vadd.f32 v36, v42;
	v20 =	vld [tilespmem:s30+$0x14000]  }
0x10e: {  	v27 =	vadd.f32 v33, v27;
	v2 =	vadd.f32 v2, v10;
	v63 =	vld [tilespmem:s29+$0xC080]  }
0x10f: {  	v3 =	vadd.f32 v3, v15;
	v28 =	vadd.f32 v30, v28;
	[tilespmem:$0x1FEB0] =	vst v4;
	v4 =	vld [tilespmem:s29+$0x5000]  }
0x110: {  	v61 =	vld [tilespmem:s29+$0xC100];
	v0 =	vadd.f32 v0, v19;
	v1 =	vadd.f32 v1, v22  }
0x111: {  	v62 =	vld [tilespmem:s29+$0xC200];
	v25 =	vadd.f32 v36, v25;
	v2 =	vadd.f32 v12, v2  }
0x112: {  	v45 =	vld [tilespmem:s29+$0x5080];
	v0 =	vadd.f32 v16, v0;
	v1 =	vadd.f32 v6, v1  }
0x113: {  	v55 =	vld [tilespmem:s29+$0xD200];
	v3 =	vadd.f32 v13, v3;
	v25 =	vadd.f32 v40, v25  }
0x114: {  	v37 =	vld [tilespmem:s29+$0x5280];
	v0 =	vadd.f32 v1, v0;
	[tilespmem:$0x1FEC0] =	vst v4;
	v4 =	vadd.f32 v44, v43  }
0x115: {  	v39 =	vld [tilespmem:s29+$0xD280];
	v44 =	vadd.f32 v47, v46;
	v46 =	vadd.f32 v49, v48  }
0x116: {  	v56 =	vld [tilespmem:s29+$0x5300];
	v47 =	vadd.f32 v51, v50;
	v49 =	vadd.f32 v54, v52  }
0x117: {  	v38 =	vld [tilespmem:s29+$0xD300];
	v54 =	vadd.f32 v59, v58;
	v24 =	vadd.f32 v44, v24  }
0x118: {  	v30 =	vld [tilespmem:s29+$0xE000];
	v49 =	vadd.f32 v49, v47;
	v4 =	vadd.f32 v35, v4  }
0x119: {  	v36 =	vld [tilespmem:s29+$0x6100];
	v34 =	vadd.f32 v34, v46;
	v27 =	vadd.f32 v27, v54  }
0x11a: {  	v9 =	vld [tilespmem:s29+$0x6200];
	v1 =	vadd.f32 v3, v2;
	v4 =	vadd.f32 v24, v4  }
0x11b: {  	v7 =	vld [tilespmem:s29+$0xE200];
	v34 =	vadd.f32 v49, v34;
	v27 =	vadd.f32 v28, v27  }
0x11c: {  	v1 =	vadd.f32 v1, v0;
	v0 =	vld [tilespmem:$0x1FFA0]  }
0x11d: {  	v11 =	vld [tilespmem:s29+$0x6280];
	v4 =	vadd.f32 v34, v4;
	v13 =	vadd.f32 v27, v25  }
0x11e: {  	v14 =	vld [tilespmem:s29+$0xE280]  }
0x11f: {  	s13 =	sor.u32 $0x2380, s15;
	v57 =	vld [tilespmem:s29+$0x6300];
	v2 =	vadd.f32 v13, v4  }
0x120: {  	v10 =	vld [tilespmem:s13+$0x4000]  }
0x121: {  	v0 =	vadd.f32 v2, v0;
	v2 =	vld [tilespmem:$0x1FFF0]  }
0x122: {  	v8 =	vld [tilespmem:s13+$0xC000]  }
0x123: {  	v15 =	vld [tilespmem:s29+$0x7000]  }
0x124: {  	v12 =	vld [tilespmem:s29+$0x7080];
	v3 =	vadd.f32 v23, v60;
	v4 =	vadd.f32 v20, v21  }
0x125: {  	v18 =	vld [tilespmem:s29+$0x7100]  }
0x126: {  	v26 =	vld [tilespmem:s29+$0x7280];
	v1 =	vadd.f32 v1, v2;
	v2 =	vadd.f32 v4, v3  }
0x127: {  	v3 =	vld [tilespmem:$0x1FE20]  }
0x128: {  	[tilespmem:$0x1FE00] =	vst v2;
	v2 =	vld [tilespmem:$0x1FE10]  }
0x129: {  	v31 =	vld [tilespmem:s29+$0x7300]  }
0x12a: {  	v32 =	vld [tilespmem:s29+$0xF300]  }
0x12b: {  	v19 =	vld [tilespmem:s29+$0xE300]  }
0x12c: {  	v22 =	vld [tilespmem:s29+$0xF100]  }
0x12d: {  	v29 =	vsub.f32 v2, v3;
	v2 =	vld [tilespmem:$0x1FE30]  }
0x12e: {  	v6 =	vld [tilespmem:s29+$0xF000];
	s30 =	sor.u32 $0x1380, s15  }
0x12f: {  	v41 =	vld [tilespmem:s30+$0x4000]  }
0x130: {  	v33 =	vld [tilespmem:s30+$0xC000]  }
0x131: {  	s12 =	sand.u32 $0xFFFFFC00, s28;
	v16 =	vld [tilespmem:s29+$0xF080]  }
0x132: {  	s14 =	sor.u32 $0x3380, s15;
	[tilespmem:$0x1FF50] =	vst v20;
	s15 =	sadd.s32 $0x0, s12;
	v20 =	vsub.f32 v2, v63;
	v2 =	vld [tilespmem:$0x1FE40]  }
0x133: {  	v5 =	vld [tilespmem:$0x1FF00];
	s0 =	sor.u32 $0x1180, s15  }
0x134: {  	v53 =	vld [tilespmem:s0+$0x4000]  }
0x135: {  	v41 =	vsub.f32 v41, v33;
	v33 =	vld [tilespmem:s0+$0xC000]  }
0x136: {  	v43 =	vld [tilespmem:s29+$0xD000]  }
0x137: {  	[tilespmem:$0x1FF40] =	vst v21;
	v21 =	vsub.f32 v2, v61;
	v2 =	vld [tilespmem:$0x1FE50]  }
0x138: {  	v48 =	vld [tilespmem:s29+$0xD080]  }
0x139: {  	v50 =	vld [tilespmem:s29+$0x5100]  }
0x13a: {  	v51 =	vld [tilespmem:s29+$0xD100]  }
0x13b: {  	v3 =	vld [tilespmem:$0x1FE70]  }
0x13c: {  	v17 =	vsub.f32 v2, v62;
	v2 =	vld [tilespmem:$0x1FE60]  }
0x13d: {  	s12 =	sor.u32 $0x3180, s15;
	v52 =	vld [tilespmem:s29+$0x5200]  }
0x13e: {  	v58 =	vsub.f32 v10, v8;
	v8 =	vld [tilespmem:s12+$0xC000]  }
0x13f: {  	v10 =	vld [tilespmem:s30+$0x14000]  }
0x140: {  	v44 =	vld [tilespmem:s29+$0x6000]  }
0x141: {  	v40 =	vsub.f32 v2, v3;
	v2 =	vld [tilespmem:$0x1FE80]  }
0x142: {  	v3 =	vld [tilespmem:$0x1FE90]  }
0x143: {  	v35 =	vld [tilespmem:s29+$0x6080]  }
0x144: {  	v47 =	vld [tilespmem:s14+$0xC000]  }
0x145: {  	v54 =	vsub.f32 v9, v7;
	v9 =	vld [tilespmem:s29+$0x15100]  }
0x146: {  	v7 =	vld [tilespmem:s29+$0x15280]  }
0x147: {  	v42 =	vsub.f32 v2, v3;
	v2 =	vld [tilespmem:$0x1FEA0]  }
0x148: {  	v3 =	vld [tilespmem:$0x1FEB0]  }
0x149: {  	v24 =	vld [tilespmem:s29+$0xE080]  }
0x14a: {  	s31 =	sor.u32 $0x180, s15;
	v28 =	vld [tilespmem:s29+$0xE100]  }
0x14b: {  	v49 =	vld [tilespmem:s31+$0x4000]  }
0x14c: {  	v4 =	vld [tilespmem:$0x1FED0]  }
0x14d: {  	v46 =	vsub.f32 v2, v3;
	v2 =	vld [tilespmem:$0x1FEC0]  }
0x14e: {  	v3 =	vld [tilespmem:$0x1FEE0]  }
0x14f: {  	v45 =	vsub.f32 v45, v48;
	v48 =	vsub.f32 v50, v51;
	v51 =	vld [tilespmem:s31+$0xC000]  }
0x150: {  	[tilespmem:$0x1FF30] =	vst v23;
	v23 =	vsub.f32 v36, v28;
	v28 =	vld [tilespmem:$0x1FF10]  }
0x151: {  	v25 =	vld [tilespmem:s29+$0xF200]  }
0x152: {  	s1 =	sor.u32 $0x2180, s15;
	v50 =	vsub.f32 v52, v55;
	v13 =	vld [tilespmem:s29+$0x7200]  }
0x153: {  	v55 =	vld [tilespmem:s1+$0xC000];
	v43 =	vsub.f32 v2, v43;
	v2 =	vadd.f32 v4, v3  }
0x154: {  	v52 =	vsub.f32 v56, v38;
	v56 =	vsub.f32 v11, v14;
	v11 =	vld [tilespmem:s12+$0x4000]  }
0x155: {  	v27 =	vld [tilespmem:s29+$0xF280];
	[tilespmem:$0x1FEF0] =	vst v2;
	v2 =	vadd.f32 v28, v5  }
0x156: {  	v37 =	vsub.f32 v37, v39;
	v34 =	vld [tilespmem:s14+$0x4000]  }
0x157: {  	v39 =	vsub.f32 v31, v32;
	v63 =	vsub.f32 v13, v25;
	v13 =	vand.u32 $0x7FFFFFFF, v29;
	[tilespmem:$0x1FF20] =	vst v2;
	v2 =	vld [tilespmem:s29+$0x14100]  }
0x158: {  	v59 =	vsub.f32 v15, v6;
	v30 =	vsub.f32 v44, v30;
	v13 =	vmul.f32 v13, v3;
	v3 =	vld [tilespmem:$0x1FF30]  }
0x159: {  	v31 =	vand.u32 $0x7FFFFFFF, v37;
	v44 =	vsub.f32 v35, v24;
	v24 =	vld [tilespmem:s1+$0x4000];
	v36 =	vsub.f32 v53, v33  }
0x15a: {  	v33 =	vsub.f32 v11, v8;
	v8 =	vld [tilespmem:s29+$0x15300];
	v6 =	vsub.f32 v26, v27;
	v27 =	vand.u32 $0x7FFFFFFF, v48  }
0x15b: {  	v11 =	vld [tilespmem:s29+$0x16000];
	v48 =	vand.u32 $0x7FFFFFFF, v23;
	v61 =	vsub.f32 v12, v16;
	v15 =	vand.u32 $0x7FFFFFFF, v21  }
0x15c: {  	v23 =	vld [tilespmem:s29+$0x16300];
	v16 =	vand.u32 $0x7FFFFFFF, v17;
	v17 =	vand.u32 $0x7FFFFFFF, v40;
	v37 =	vmul.f32 v15, v2  }
0x15d: {  	v57 =	vsub.f32 v57, v19;
	v15 =	vmul.f32 v16, v60;
	v16 =	vmul.f32 v17, v3;
	v3 =	vld [tilespmem:$0x1FF40]  }
0x15e: {  	[tilespmem:$0x1FF60] =	vst v6;
	v6 =	vld [tilespmem:s29+$0x15200]  }
0x15f: {  	v57 =	vand.u32 $0x7FFFFFFF, v57;
	v38 =	vsub.f32 v34, v47;
	v34 =	vsub.f32 v24, v55;
	v24 =	vld [tilespmem:s29+$0x16100]  }
0x160: {  	v58 =	vand.u32 $0x7FFFFFFF, v58;
	v32 =	vand.u32 $0x7FFFFFFF, v52;
	v56 =	vand.u32 $0x7FFFFFFF, v56;
	v25 =	vld [tilespmem:s13+$0x14000]  }
0x161: {  	v30 =	vand.u32 $0x7FFFFFFF, v30;
	v35 =	vsub.f32 v49, v51;
	v12 =	vld [tilespmem:s29+$0x16080];
	v19 =	vand.u32 $0x7FFFFFFF, v42  }
0x162: {  	v26 =	vand.u32 $0x7FFFFFFF, v45;
	v47 =	vand.u32 $0x7FFFFFFF, v44;
	v17 =	vmul.f32 v19, v3;
	v3 =	vld [tilespmem:$0x1FF50]  }
0x163: {  	v44 =	vmul.f32 v31, v7;
	v45 =	vmul.f32 v30, v11;
	v62 =	vsub.f32 v18, v22;
	v18 =	vld [tilespmem:s29+$0x16200]  }
0x164: {  	v29 =	vand.u32 $0x7FFFFFFF, v50;
	v50 =	vmul.f32 v57, v23;
	v22 =	vld [tilespmem:s29+$0x16280];
	v21 =	vand.u32 $0x7FFFFFFF, v43  }
0x165: {  	v55 =	vand.u32 $0x7FFFFFFF, v41;
	v41 =	vmul.f32 v21, v5;
	v21 =	vmul.f32 v26, v28;
	v26 =	vld [tilespmem:s29+$0x17000]  }
0x166: {  	v14 =	vand.u32 $0x7FFFFFFF, v20;
	v20 =	vand.u32 $0x7FFFFFFF, v46;
	v19 =	vmul.f32 v27, v9;
	v27 =	vld [tilespmem:s29+$0x17080]  }
0x167: {  	v49 =	vand.u32 $0x7FFFFFFF, v54;
	v14 =	vmul.f32 v14, v4;
	v40 =	vmul.f32 v20, v3;
	v3 =	vld [tilespmem:$0x1FF60]  }
0x168: {  	v31 =	vld [tilespmem:s29+$0x17100];
	v51 =	vmul.f32 v58, v25;
	v61 =	vand.u32 $0x7FFFFFFF, v61;
	v47 =	vmul.f32 v47, v12  }
0x169: {  	v30 =	vld [tilespmem:s29+$0x17300];
	v42 =	vmul.f32 v29, v6;
	v46 =	vmul.f32 v55, v10;
	v60 =	vand.u32 $0x7FFFFFFF, v59  }
0x16a: {  	v54 =	vand.u32 $0x7FFFFFFF, v62;
	v29 =	vld [tilespmem:s29+$0x17280];
	v43 =	vmul.f32 v32, v8;
	v52 =	vmul.f32 v60, v26  }
0x16b: {  	v55 =	vand.u32 $0x7FFFFFFF, v63;
	v32 =	vld [tilespmem:s14+$0x14000];
	v20 =	vmul.f32 v48, v24;
	v48 =	vmul.f32 v49, v18  }
0x16c: {  	v28 =	vld [tilespmem:s29+$0x17200];
	v63 =	vmovc v2;
	s29 =	simm.s32 $0x10;
	v49 =	vmul.f32 v56, v22;
	v53 =	vmul.f32 v61, v27;
	v56 =	vand.u32 $0x7FFFFFFF, v3  }
.LBB2_4:
0x16d: {  	v57 =	vld [tilespmem:s31+$0x14000]  }
0x16e: {  	v58 =	vld [tilespmem:s0+$0x14000];
	s28 =	sadd.s32 $0x80, s28  }
0x16f: {  	s30 =	sand.u32 $0x70, s29;
	v59 =	vld [tilespmem:s1+$0x14000];
	s13 =	sand.u32 $0xC00, s28  }
0x170: {  	v60 =	vld [tilespmem:s12+$0x14000];
	s30 =	sor.u32 s30, s13  }
0x171: {  	v61 =	vadd.f32 v14, v13;
	v13 =	vld [tilespmem:s30+$0x14000]  }
0x172: {  	v14 =	vld [tilespmem:s30+$0x14080]  }
0x173: {  	v62 =	vadd.f32 v16, v15;
	v15 =	vld [tilespmem:s30+$0x14200]  }
0x174: {  	v16 =	vld [tilespmem:s30+$0x14280]  }
0x175: {  	v6 =	vadd.f32 v7, v6;
	v40 =	vadd.f32 v40, v17;
	v17 =	vld [tilespmem:s30+$0x14300]  }
0x176: {  	v7 =	vadd.f32 v10, v8;
	v10 =	vadd.f32 v12, v11;
	v8 =	vld [tilespmem:s30+$0xC300]  }
0x177: {  	v11 =	vadd.f32 v22, v18;
	v22 =	vadd.f32 v27, v26;
	v27 =	vld [tilespmem:s30+$0x5000]  }
0x178: {  	s13 =	sor.u32 s29, s28;
	v6 =	vadd.f32 v7, v6;
	v7 =	vld [tilespmem:s30+$0xD080]  }
0x179: {  	s15 =	sor.u32 $0x380, s13;
	v4 =	vld [tilespmem:s30+$0x7300]  }
0x17a: {  	v12 =	vld [tilespmem:s15+$0x4000]  }
0x17b: {  	v39 =	vand.u32 $0x7FFFFFFF, v39;
	v18 =	vadd.f32 v25, v23;
	v23 =	vld [tilespmem:s15+$0xC000]  }
0x17c: {  	v38 =	vand.u32 $0x7FFFFFFF, v38;
	v39 =	vmul.f32 v39, v30;
	v26 =	vadd.f32 v32, v30;
	v30 =	vld [tilespmem:s30+$0xD000]  }
0x17d: {  	v35 =	vand.u32 $0x7FFFFFFF, v35;
	v41 =	vadd.f32 v21, v41;
	v38 =	vmul.f32 v38, v32;
	v32 =	vld [tilespmem:s30+$0x5080]  }
0x17e: {  	v21 =	vmul.f32 v35, v57;
	v35 =	vadd.f32 v44, v42;
	v42 =	vadd.f32 v46, v43;
	v43 =	vld [tilespmem:s30+$0x14100]  }
0x17f: {  	v40 =	vadd.f32 v40, v62;
	v62 =	vadd.f32 v59, v24;
	v24 =	vld [tilespmem:s30+$0xC200]  }
0x180: {  	v54 =	vmul.f32 v54, v31;
	v57 =	vadd.f32 v57, v63;
	v63 =	vadd.f32 v60, v31;
	v31 =	vld [tilespmem:s30+$0x4280]  }
0x181: {  	v44 =	vadd.f32 v47, v45;
	v45 =	vadd.f32 v49, v48;
	v48 =	vld [tilespmem:s30+$0x6200]  }
0x182: {  	v49 =	vld [tilespmem:s30+$0xE200]  }
0x183: {  	v46 =	vadd.f32 v51, v50;
	v50 =	vld [tilespmem:s30+$0x6280]  }
0x184: {  	v36 =	vand.u32 $0x7FFFFFFF, v36;
	v34 =	vand.u32 $0x7FFFFFFF, v34;
	v51 =	vld [tilespmem:s30+$0xE280]  }
0x185: {  	v33 =	vand.u32 $0x7FFFFFFF, v33;
	v25 =	vadd.f32 v29, v28;
	v34 =	vmul.f32 v34, v59;
	v59 =	vld [tilespmem:s30+$0xF080]  }
0x186: {  	v36 =	vmul.f32 v36, v58;
	v33 =	vmul.f32 v33, v60;
	v60 =	vld [tilespmem:s30+$0x7100]  }
0x187: {  	v11 =	vadd.f32 v18, v11;
	v18 =	vadd.f32 v26, v25;
	v25 =	vld [tilespmem:s30+$0x5100]  }
0x188: {  	v55 =	vmul.f32 v55, v28;
	v36 =	vadd.f32 v36, v19;
	v19 =	vld [tilespmem:s15+$0x14000]  }
0x189: {  	v56 =	vmul.f32 v56, v29;
	v47 =	vadd.f32 v53, v52;
	v53 =	vadd.f32 v34, v20;
	v20 =	vld [tilespmem:s30+$0x15000]  }
0x18a: {  	v37 =	vadd.f32 v21, v37;
	v21 =	vld [tilespmem:s30+$0x15080]  }
0x18b: {  	v52 =	vadd.f32 v56, v55;
	v55 =	vadd.f32 v33, v54;
	v33 =	vld [tilespmem:s30+$0x4000]  }
0x18c: {  	v34 =	vld [tilespmem:s30+$0xC000]  }
0x18d: {  	v42 =	vadd.f32 v42, v35;
	v35 =	vld [tilespmem:s30+$0x4080]  }
0x18e: {  	v45 =	vadd.f32 v46, v45;
	v46 =	vld [tilespmem:s30+$0x6100]  }
0x18f: {  	v10 =	vadd.f32 v62, v10;
	v62 =	vld [tilespmem:s30+$0x7200]  }
0x190: {  	v22 =	vadd.f32 v63, v22;
	v63 =	vld [tilespmem:s30+$0xF200]  }
0x191: {  	v37 =	vadd.f32 v37, v61;
	v61 =	vadd.f32 v58, v9;
	v9 =	vld [tilespmem:s30+$0xC100]  }
0x192: {  	v10 =	vadd.f32 v11, v10;
	v11 =	vadd.f32 v18, v22;
	v18 =	vld [tilespmem:s30+$0x5200]  }
0x193: {  	s15 =	sor.u32 $0x1380, s13;
	v22 =	vld [tilespmem:s30+$0xD200]  }
0x194: {  	v36 =	vadd.f32 v36, v41;
	v41 =	vld [tilespmem:s15+$0xC000]  }
0x195: {  	s12 =	sand.u32 $0xFFFFFC00, s28;
	v38 =	vadd.f32 v38, v39;
	v39 =	vadd.f32 v53, v44;
	v44 =	vld [tilespmem:s30+$0x6080]  }
0x196: {  	s12 =	sadd.s32 s12, s29;
	v56 =	vadd.f32 v55, v47;
	v47 =	vld [tilespmem:s30+$0xE100]  }
0x197: {  	s31 =	sor.u32 $0x180, s12;
	v38 =	vadd.f32 v38, v52;
	v58 =	vld [tilespmem:s30+$0x7080]  }
0x198: {  	v12 =	vsub.f32 v12, v23;
	v23 =	vsub.f32 v27, v30;
	v27 =	vld [tilespmem:s31+$0xC000]  }
0x199: {  	v52 =	vadd.f32 v14, v13;
	v30 =	vsub.f32 v32, v7;
	v7 =	vld [tilespmem:s30+$0x15280]  }
0x19a: {  	v2 =	vmov v43;
	v43 =	vld [tilespmem:s30+$0xE000]  }
0x19b: {  	v3 =	vmov v52;
	v52 =	vld [tilespmem:s30+$0x6300]  }
0x19c: {  	v42 =	vadd.f32 v42, v36;
	v36 =	vld [tilespmem:s30+$0xC080]  }
0x19d: {  	v40 =	vadd.f32 v40, v37;
	v37 =	vld [tilespmem:s30+$0x4100]  }
0x19e: {  	[tilespmem:$0x1FDF0] =	vst v2;
	v2 =	vld [tilespmem:$0x1FEF0]  }
0x19f: {  	v10 =	vadd.f32 v11, v10;
	v11 =	vld [tilespmem:s30+$0x5280]  }
0x1a0: {  	v39 =	vadd.f32 v45, v39;
	v45 =	vld [tilespmem:s30+$0xE080]  }
0x1a1: {  	v38 =	vadd.f32 v38, v56;
	[tilespmem:$0x1FEF0] =	vst v3;
	v3 =	vld [tilespmem:s30+$0xF280]  }
0x1a2: {  	v53 =	vadd.f32 v16, v15;
	v33 =	vsub.f32 v33, v34;
	v34 =	vld [tilespmem:s30+$0xF300]  }
0x1a3: {  	v54 =	vadd.f32 v19, v17;
	v39 =	vadd.f32 v38, v39;
	v38 =	vld [tilespmem:s30+$0x4200]  }
0x1a4: {  	v40 =	vadd.f32 v42, v40;
	v42 =	vld [tilespmem:s30+$0x6000]  }
0x1a5: {  	s14 =	sor.u32 $0x2380, s13;
	v56 =	vadd.f32 v54, v53;
	v53 =	vld [tilespmem:s30+$0xE300]  }
0x1a6: {  	v54 =	vld [tilespmem:s14+$0x4000]  }
0x1a7: {  	v40 =	vadd.f32 v39, v40;
	v39 =	vld [tilespmem:s30+$0xC280]  }
0x1a8: {  	v28 =	vadd.f32 v57, v2;
	v2 =	vld [tilespmem:$0x1FF20]  }
0x1a9: {  	s13 =	sor.u32 $0x3380, s13;
	v57 =	vld [tilespmem:s30+$0xF000]  }
0x1aa: {  	v5 =	vsub.f32 v35, v36;
	v35 =	vld [tilespmem:s13+$0x4000]  }
0x1ab: {  	v36 =	vld [tilespmem:s31+$0x4000]  }
0x1ac: {  	v37 =	vsub.f32 v37, v9;
	v9 =	vld [tilespmem:s30+$0x15100]  }
0x1ad: {  	s1 =	sor.u32 $0x2180, s12;
	v55 =	vadd.f32 v21, v20;
	v0 =	vadd.f32 v40, v0;
	v40 =	vld [tilespmem:s30+$0x4300]  }
0x1ae: {  	v32 =	vsub.f32 v42, v43;
	v42 =	vld [tilespmem:s1+$0x4000];
	v43 =	vsub.f32 v46, v47  }
0x1af: {  	v47 =	vsub.f32 v52, v53;
	v52 =	vsub.f32 v58, v59;
	v59 =	vand.u32 $0x7FFFFFFF, v12;
	v12 =	vld [tilespmem:s30+$0x16080]  }
0x1b0: {  	v29 =	vadd.f32 v61, v2;
	v2 =	vmov v55;
	v61 =	vld [tilespmem:s30+$0xF100]  }
0x1b1: {  	[tilespmem:$0x1FF20] =	vst v2;
	v2 =	vld [tilespmem:$0x1FE00]  }
0x1b2: {  	v55 =	vld [tilespmem:s14+$0xC000]  }
0x1b3: {  	v18 =	vsub.f32 v18, v22;
	v40 =	vsub.f32 v40, v8;
	v8 =	vld [tilespmem:s13+$0xC000]  }
0x1b4: {  	v6 =	vadd.f32 v6, v29;
	v29 =	vld [tilespmem:s30+$0xD300]  }
0x1b5: {  	v53 =	vsub.f32 v60, v61;
	v61 =	vand.u32 $0x7FFFFFFF, v18;
	v18 =	vld [tilespmem:s30+$0x16200]  }
0x1b6: {  	v60 =	vand.u32 $0x7FFFFFFF, v23;
	v23 =	vld [tilespmem:s30+$0x16300];
	v26 =	vadd.f32 v2, v28  }
0x1b7: {  	v28 =	vld [tilespmem:s30+$0xD100]  }
0x1b8: {  	v2 =	vmov v56;
	v56 =	vld [tilespmem:s30+$0x7000];
	v6 =	vadd.f32 v6, v26  }
0x1b9: {  	[tilespmem:$0x1FE00] =	vst v2;
	v2 =	vld [tilespmem:s30+$0x7280]  }
0x1ba: {  	v26 =	vld [tilespmem:s30+$0xD280];
	v6 =	vadd.f32 v10, v6  }
0x1bb: {  	v30 =	vand.u32 $0x7FFFFFFF, v30;
	v24 =	vsub.f32 v38, v24;
	v46 =	vsub.f32 v50, v51;
	v10 =	vld [tilespmem:s30+$0x5300]  }
0x1bc: {  	v21 =	vmul.f32 v30, v21;
	v31 =	vsub.f32 v31, v39;
	v1 =	vadd.f32 v6, v1;
	v6 =	vld [tilespmem:s15+$0x4000]  }
0x1bd: {  	s0 =	sor.u32 $0x1180, s12;
	v39 =	vsub.f32 v4, v34;
	v4 =	vand.u32 $0x7FFFFFFF, v5;
	v38 =	vsub.f32 v35, v8;
	v8 =	vld [tilespmem:s30+$0x15300]  }
0x1be: {  	v5 =	vand.u32 $0x7FFFFFFF, v37;
	v14 =	vmul.f32 v4, v14;
	v25 =	vsub.f32 v25, v28;
	v28 =	vld [tilespmem:s0+$0x4000]  }
0x1bf: {  	s12 =	sor.u32 $0x3180, s12;
	v35 =	vsub.f32 v36, v27;
	v27 =	vand.u32 $0x7FFFFFFF, v24;
	v22 =	vsub.f32 v11, v26;
	v11 =	vld [tilespmem:s0+$0xC000]  }
0x1c0: {  	v15 =	vmul.f32 v27, v15;
	v50 =	vsub.f32 v56, v57;
	v57 =	vld [tilespmem:s12+$0xC000];
	v2 =	vsub.f32 v2, v3  }
0x1c1: {  	v3 =	vand.u32 $0x7FFFFFFF, v33;
	v26 =	vsub.f32 v10, v29;
	v10 =	vld [tilespmem:s15+$0x14000];
	v29 =	vsub.f32 v6, v41  }
0x1c2: {  	v13 =	vmul.f32 v3, v13;
	v41 =	vsub.f32 v44, v45;
	v44 =	vld [tilespmem:s1+$0xC000];
	v45 =	vsub.f32 v48, v49  }
0x1c3: {  	v51 =	vand.u32 $0x7FFFFFFF, v22;
	v48 =	vld [tilespmem:s12+$0x4000];
	v49 =	vsub.f32 v54, v55;
	v55 =	vsub.f32 v62, v63  }
0x1c4: {  	v6 =	vld [tilespmem:s30+$0x15200];
	v62 =	vand.u32 $0x7FFFFFFF, v26;
	v36 =	vsub.f32 v28, v11;
	v28 =	vand.u32 $0x7FFFFFFF, v31  }
0x1c5: {  	v63 =	vld [tilespmem:$0x1FDF0];
	v31 =	vand.u32 $0x7FFFFFFF, v40;
	v40 =	vmul.f32 v59, v19;
	v3 =	vand.u32 $0x7FFFFFFF, v29  }
0x1c6: {  	v24 =	vld [tilespmem:s30+$0x16100];
	v29 =	vand.u32 $0x7FFFFFFF, v32;
	v4 =	vand.u32 $0x7FFFFFFF, v41;
	v16 =	vmul.f32 v28, v16  }
0x1c7: {  	v22 =	vld [tilespmem:s30+$0x16280];
	v17 =	vmul.f32 v31, v17;
	v32 =	vand.u32 $0x7FFFFFFF, v45;
	v41 =	vmul.f32 v60, v20  }
0x1c8: {  	v26 =	vld [tilespmem:s30+$0x17000];
	v60 =	vand.u32 $0x7FFFFFFF, v46;
	v46 =	vmul.f32 v3, v10;
	v3 =	vand.u32 $0x7FFFFFFF, v50  }
0x1c9: {  	v11 =	vld [tilespmem:s30+$0x16000];
	v34 =	vsub.f32 v42, v44;
	v33 =	vsub.f32 v48, v57;
	v44 =	vand.u32 $0x7FFFFFFF, v25  }
0x1ca: {  	v27 =	vld [tilespmem:s30+$0x17080];
	v37 =	vmul.f32 v5, v63;
	v5 =	vand.u32 $0x7FFFFFFF, v43;
	v42 =	vmul.f32 v61, v6  }
0x1cb: {  	p0 =	sne.s32 s29, $0x1F0;
	v25 =	vld [tilespmem:s14+$0x14000];
	v61 =	vand.u32 $0x7FFFFFFF, v47;
	v43 =	vmul.f32 v62, v8;
	v47 =	vmul.f32 v4, v12  }
.Ltmp1:
0x1cc: {  	v30 =	vld [tilespmem:s30+$0x17300];
	v62 =	vand.u32 $0x7FFFFFFF, v49;
	v48 =	vmul.f32 v32, v18;
	v49 =	vmul.f32 v60, v22;
	(pc) =	sbr.rel @p0 .LBB2_4-.Ltmp1, $4  }
0x1cd: {  	v31 =	vld [tilespmem:s30+$0x17100];
	v4 =	vand.u32 $0x7FFFFFFF, v52;
	v52 =	vmul.f32 v3, v26;
	v19 =	vmul.f32 v44, v9  }
0x1ce: {  	v56 =	vand.u32 $0x7FFFFFFF, v2;
	v28 =	vld [tilespmem:s30+$0x17200];
	v44 =	vmul.f32 v51, v7;
	v45 =	vmul.f32 v29, v11  }
0x1cf: {  	v54 =	vand.u32 $0x7FFFFFFF, v53;
	v32 =	vld [tilespmem:s13+$0x14000];
	v20 =	vmul.f32 v5, v24;
	v50 =	vmul.f32 v61, v23  }
0x1d0: {  	s29 =	sadd.s32 $0x10, s29;
	v55 =	vand.u32 $0x7FFFFFFF, v55;
	v29 =	vld [tilespmem:s30+$0x17280];
	v53 =	vmul.f32 v4, v27;
	v51 =	vmul.f32 v62, v25  }
0x1d1: {  	v5 =	vand.u32 $0x7FFFFFFF, v39;
	v13 =	vadd.f32 v14, v13;
	v15 =	vadd.f32 v16, v15  }
0x1d2: {  	v38 =	vand.u32 $0x7FFFFFFF, v38;
	v16 =	vadd.f32 v40, v17;
	v21 =	vadd.f32 v21, v41  }
0x1d3: {  	v35 =	vand.u32 $0x7FFFFFFF, v35;
	v57 =	vadd.f32 v44, v42;
	v58 =	vadd.f32 v46, v43  }
0x1d4: {  	v36 =	vand.u32 $0x7FFFFFFF, v36;
	v59 =	vadd.f32 v47, v45;
	v60 =	vadd.f32 v49, v48  }
0x1d5: {  	v3 =	vld [tilespmem:s31+$0x14000];
	v62 =	vand.u32 $0x7FFFFFFF, v34;
	v6 =	vadd.f32 v7, v6;
	v48 =	vadd.f32 v10, v8  }
0x1d6: {  	v34 =	vld [tilespmem:s12+$0x14000];
	v49 =	vadd.f32 v12, v11;
	v2 =	vmul.f32 v54, v31;
	v61 =	vadd.f32 v51, v50  }
0x1d7: {  	v54 =	vld [tilespmem:s0+$0x14000];
	v5 =	vmul.f32 v5, v30;
	v50 =	vadd.f32 v22, v18;
	v51 =	vadd.f32 v25, v23  }
0x1d8: {  	v4 =	vmul.f32 v55, v28;
	v15 =	vadd.f32 v16, v15;
	v38 =	vmul.f32 v38, v32  }
0x1d9: {  	v55 =	vld [tilespmem:s1+$0x14000];
	v6 =	vadd.f32 v48, v6;
	v40 =	vadd.f32 v61, v60;
	v39 =	vmul.f32 v56, v29  }
0x1da: {  	v35 =	vmul.f32 v35, v3;
	v5 =	vadd.f32 v38, v5;
	v3 =	vadd.f32 v3, v63  }
0x1db: {  	v56 =	vand.u32 $0x7FFFFFFF, v33;
	v47 =	vadd.f32 v34, v31;
	v4 =	vadd.f32 v39, v4  }
0x1dc: {  	v17 =	vmul.f32 v56, v34;
	v39 =	vadd.f32 v58, v57;
	v45 =	vadd.f32 v54, v9  }
0x1dd: {  	v36 =	vmul.f32 v36, v54;
	v54 =	vadd.f32 v32, v30;
	v58 =	vadd.f32 v51, v50  }
0x1de: {  	v14 =	vmul.f32 v62, v55;
	v62 =	vadd.f32 v53, v52;
	v35 =	vadd.f32 v35, v37  }
0x1df: {  	v2 =	vadd.f32 v17, v2;
	v46 =	vadd.f32 v55, v24  }
0x1e0: {  	v52 =	vadd.f32 v27, v26;
	v53 =	vadd.f32 v29, v28  }
0x1e1: {  	v56 =	vld [tilespmem:$0x1FF20];
	v19 =	vadd.f32 v36, v19;
	v4 =	vadd.f32 v5, v4  }
0x1e2: {  	v14 =	vadd.f32 v14, v20;
	v42 =	vadd.f32 v35, v13  }
0x1e3: {  	v55 =	vld [tilespmem:$0x1FEF0];
	v2 =	vadd.f32 v2, v62;
	v8 =	vadd.f32 v46, v49  }
0x1e4: {  	v57 =	vadd.f32 v47, v52;
	v43 =	vadd.f32 v19, v21  }
0x1e5: {  	v60 =	vld [tilespmem:$0x1FE00];
	v14 =	vadd.f32 v14, v59;
	v5 =	vadd.f32 v15, v42  }
0x1e6: {  	v2 =	vadd.f32 v4, v2;
	v4 =	vadd.f32 v45, v56  }
0x1e7: {  	v59 =	vadd.f32 v54, v53;
	v61 =	vadd.f32 v58, v8  }
0x1e8: {  	v13 =	vadd.f32 v39, v43;
	v3 =	vadd.f32 v3, v55  }
0x1e9: {  	v14 =	vadd.f32 v40, v14;
	v4 =	vadd.f32 v6, v4  }
0x1ea: {  	v62 =	vadd.f32 v59, v57;
	v3 =	vadd.f32 v60, v3  }
0x1eb: {  	v5 =	vadd.f32 v13, v5;
	v2 =	vadd.f32 v2, v14  }
0x1ec: {  	v63 =	vadd.f32 v62, v61;
	v3 =	vadd.f32 v4, v3  }
0x1ed: {  	v2 =	vadd.f32 v2, v5  }
0x1ee: {  	v3 =	vadd.f32 v63, v3  }
0x1ef: {  	v0 =	vadd.f32 v2, v0  }
0x1f0: {  	v1 =	vadd.f32 v3, v1  }
0x1f1: {  	[tilespmem:$0x18000] =	vst v0  }
0x1f2: {  	[tilespmem:$0x18080] =	vst v1  }
0x1f3: {  	[hbm4b:s9+s2] =	stream.linear.scatter [tilespmem:s23], [sflag:$0x7], $0x80, $0x38;
	[tilespmem:$0x18100] =	vst v63  }
0x1f4: {  	s26 =	sadd.s32 $0x1, s26;
	_ =	swait.ge [sflag:s24], $0x80  }
0x1f5: {  	p0 =	sne.s32 s26, s11;
	[sflag:s24] =	ssyncset.done $0x0  }
.Ltmp2:
0x1f6: {  	[sflag:s24] =	ssyncadd.s32 $0xFFFFFF80;
	(pc) =	sbr.rel @p0 .LBB2_1-.Ltmp2, $4  }
0x1f7: {  	[hbm4b:s10+s2] =	stream.linear.scatter [tilespmem:s25], [sflag:$0x7], $0x80, $0x38;
	[tilespmem:$0x18100] =	vst v63  }
0x1f8: {  	_ =	swait.ge [sflag:s24], $0x80  }
0x1f9: {  	[sflag:s24] =	ssyncset.done $0x0  }
0x1fa: {  	[sflag:s24] =	ssyncadd.s32 $0xFFFFFF80  }
0x1fb: {  	_ =	sfence.sel $0x180000  }
0x1fc: {  	[bflag:$0x0] =	sbarrier.arrive $0xFFFF  }
0x1fd: {  	_ =	strace $0x90000047  }
0x1fe: {  	s0 =	stileid.u32;
	[bflag:$0x2] =	sbarrier.arrive $0xFFFF  }
0x1ff: {  	p0 =	sne.s32 s0, $0x0;
	s0 =	rddreg [dreg:$0x3]  }
0x200: {  	s0 =	sadd.s32 @!p0 $0x100000, s0  }
0x201: {  	[sflag:s0] =	ssyncadd.tile.s32 @!p0 $0x1;
	_ =	shalt  }
.Lfunc_end2:
_tile_overlayer_lowered:
.L_overlay_start_2:
0x202: {  	(tag) =	ssettag $0x2  }
0x203: {  	s0 =	rddreg [dreg:$0x0];
	s2 =	stileid.u32  }
0x204: {  	s1 =	rddreg [dreg:$0x1];
	p0 =	sne.s32 s2, $0x0  }
0x205: {  	s3 =	rddreg [dreg:$0x2];
	[bflag:$0x3] =	sbarrier.arrive $0xFFFF;
	s2 =	simm.s32 @!p0 $0x1C07  }
0x206: {  	[timem:s3], [sflag:s2] =	dma.local @!p0 [hbm:s0], s1  }
0x207: {  	s0 =	simm.s32 @!p0 $0x7  }
0x208: {  	_ =	swait.ge @!p0 [sflag:s0], s1  }
0x209: {  	s1 =	ssub.s32 @!p0 $0x0, s1;
	[sflag:s0] =	ssyncset.done @!p0 $0x0  }
0x20a: {  	[sflag:s0] =	ssyncadd.s32 @!p0 s1  }
0x20b: {  	[bflag:$0x3] =	sbarrier.arrive $0xFFFF  }
0x20c: {  	_ =	shalt  }

</sc_bundles>
